<compile_context>
chip_gen: v7x
topology: tpu7x:2x2x1
jax: 0.10.2.dev20260603
libtpu: 0.0.44.dev20260713+nightly
codegen_flags: <defaults>
</compile_context>

<pallas_src>
import functools

import jax
import jax.numpy as jnp
from jax import lax
from jax.experimental import pallas as pl
from jax.experimental.pallas import tpu as pltpu
from jax.experimental.pallas import tpu_sc as plsc

NC = 2
NS = 16
NW = NC * NS


def _make_sc_kernel(E, W, B):
    WW = W // 4
    rows_pw = E // NW
    batch_pw = B // NW
    ids_pw = B // NS
    half = E // NC
    n_chunks = ids_pw // 16

    mesh = plsc.VectorSubcoreMesh(core_axis_name="c", subcore_axis_name="s")

    @functools.partial(
        pl.kernel,
        mesh=mesh,
        out_type=[
            jax.ShapeDtypeStruct((B, WW), jnp.int32),
            jax.ShapeDtypeStruct((E + 2 * ids_pw, WW), jnp.int32),
        ],
        scratch_types=[
            pltpu.VMEM((batch_pw,), jnp.int32),
            pltpu.VMEM((batch_pw, WW), jnp.int32),
            pltpu.VMEM((rows_pw, WW), jnp.int32),
            pltpu.VMEM((ids_pw,), jnp.int32),
            pltpu.VMEM((2, 128), jnp.int32),
            pltpu.VMEM((ids_pw, WW), jnp.int32),
            pltpu.SemaphoreType.DMA,
            pltpu.SemaphoreType.DMA,
            pltpu.SemaphoreType.DMA,
        ],
    )
    def sc_k(focus_hbm, ids_hbm, ones_hbm, rowf_hbm, newf_hbm,
             idx_v, rows_v, cp_v, ids2_v, scat_v, ones_v, sem_g, sem_c, sem_o):
        c = lax.axis_index("c")
        s = lax.axis_index("s")
        wid = s * NC + c

        b0 = wid * batch_pw
        e0 = c * half + s * rows_pw
        pltpu.sync_copy(ids_hbm.at[pl.ds(b0, batch_pw)], idx_v)
        gather = pltpu.async_copy(focus_hbm.at[idx_v], rows_v, sem_g)
        cp_in = pltpu.async_copy(focus_hbm.at[pl.ds(e0, rows_pw)], cp_v, sem_c)
        ones_in = pltpu.async_copy(ones_hbm.at[pl.ds(0, ids_pw)], ones_v, sem_o)
        pltpu.sync_copy(ids_hbm.at[pl.ds(s * ids_pw, ids_pw)], ids2_v)

        lo = c * half
        hi = lo + half
        jbase = E + c * ids_pw
        for j in range(n_chunks):
            chunk = ids2_v[pl.ds(j * 16, 16)]
            ih = (chunk >= lo) & (chunk < hi)
            junk = jbase + 16 * j + lax.iota(jnp.int32, 16)
            scat_v[j // 8, pl.ds((j % 8) * 16, 16)] = jnp.where(ih, chunk, junk)

        cp_in.wait()
        pltpu.sync_copy(cp_v, newf_hbm.at[pl.ds(e0, rows_pw)])

        gather.wait()
        pltpu.sync_copy(rows_v, rowf_hbm.at[pl.ds(b0, batch_pw)])

        plsc.subcore_barrier()

        ones_in.wait()
        copy0 = pltpu.async_copy(
            ones_v.at[pl.ds(0, 128)], newf_hbm.at[scat_v.at[0]], sem_g)
        copy1 = pltpu.async_copy(
            ones_v.at[pl.ds(128, 128)], newf_hbm.at[scat_v.at[1]], sem_c)
        copy0.wait()
        copy1.wait()

    return sc_k


def _unpack_bytes(xw, w):
    r = xw.shape[0]
    groups = []
    for o in range(w // 128):
        lane = lax.iota(jnp.int32, 128)[None, :]
        widx = jnp.broadcast_to(32 * o + (lane // 4), (r, 128))
        g = jnp.take_along_axis(xw, widx, axis=1)
        sh = jnp.broadcast_to(8 * (lane % 4), (r, 128))
        groups.append((g >> sh) & jnp.int32(0xFF))
    return jnp.concatenate(groups, axis=1)


def _pack_body(focus_ref, out_ref):
    f = focus_ref[...].astype(jnp.int32)
    r, w = f.shape
    lane = lax.iota(jnp.int32, 128)[None, :]
    acc = jnp.zeros((r, 128), jnp.int32)
    for i in range(w // 128):
        sl = f[:, 128 * i: 128 * (i + 1)]
        for k in range(4):
            src = jnp.broadcast_to(4 * (lane - 32 * i) + k, (r, 128))
            g = jnp.take_along_axis(sl, jnp.clip(src, 0, 127), axis=1)
            valid = (lane >= 32 * i) & (lane < 32 * (i + 1))
            acc = acc | jnp.where(jnp.broadcast_to(valid, (r, 128)),
                                  g << (8 * k), jnp.int32(0))
    out_ref[...] = acc


def _tc_body(obs_ref, rowf_ref, newf_ref, mask_ref, nf_ref):
    x = lax.bitcast_convert_type(obs_ref[...], jnp.int32)
    r = x.shape[0]
    w = mask_ref.shape[1]
    tl = lax.iota(jnp.int32, 128)[None, :]
    groups = []
    for o in range(w // 128):
        acc = jnp.zeros((r, 128), jnp.int32)
        for i in range(3):
            sl = x[:, 384 * o + 128 * i: 384 * o + 128 * (i + 1)]
            for j in range(3):
                pos = 3 * tl + j - 128 * i
                valid = (pos >= 0) & (pos < 128)
                idx = jnp.clip(pos, 0, 127)
                g = jnp.take_along_axis(
                    sl, jnp.broadcast_to(idx, (r, 128)), axis=1)
                acc = acc | jnp.where(
                    jnp.broadcast_to(valid, (r, 128)), g, jnp.int32(0))
        groups.append(acc)
    m = jnp.concatenate(groups, axis=1) & jnp.int32(0x7FFFFFFF)
    pad = m == 0
    rf = _unpack_bytes(rowf_ref[...], w)
    mask_ref[...] = (pad | (rf == 0)).astype(jnp.uint8)
    nf_ref[...] = (_unpack_bytes(newf_ref[...], w) != 0).astype(jnp.uint8)


def kernel(obs, focus_mask, training_env_ids):
    B, M, C = obs.shape
    E, W = focus_mask.shape
    WW = W // 4
    R = 512

    focus_i32 = lax.bitcast_convert_type(
        focus_mask.astype(jnp.uint8).reshape(E, WW, 4), jnp.int32)

    ones_i32 = jnp.full((B // NS, WW), 0x01010101, jnp.int32)
    sc_k = _make_sc_kernel(E, W, B)
    row_focus_i32, new_focus_i32 = sc_k(focus_i32, training_env_ids, ones_i32)

    obs_i = obs.reshape(B, M * C)
    obs_mask, new_focus = pl.pallas_call(
        _tc_body,
        grid=(B // R,),
        in_specs=[
            pl.BlockSpec((R, 3 * W), lambda i: (i, 0)),
            pl.BlockSpec((R, WW), lambda i: (i, 0)),
            pl.BlockSpec((R, WW), lambda i: (i, 0)),
        ],
        out_specs=[
            pl.BlockSpec((R, W), lambda i: (i, 0)),
            pl.BlockSpec((R, W), lambda i: (i, 0)),
        ],
        out_shape=[
            jax.ShapeDtypeStruct((B, W), jnp.uint8),
            jax.ShapeDtypeStruct((E, W), jnp.uint8),
        ],
    )(obs_i, row_focus_i32, new_focus_i32)

    return obs, obs_mask.astype(jnp.bool_), new_focus.astype(jnp.bool_)

# --- scband reference (transcript-rebuilt; emitter-appended) ---
"""Pipeline reference for scband-obs-token-pad-strip-46145128628465 (READ-ONLY COPY).

The authoritative reference and input builder live on the scoring server;
editing this copy changes nothing except your own understanding.
"""

import jax, jax.numpy as jnp
import numpy as np

DEFAULT_MAX_TOKENS = 512
NUM_ENVS = 4096


def setup_inputs(seed: int = 0) -> dict:
    key = jax.random.key(seed)
    k_obs, k_env = jax.random.split(key)
    B, M = 4096, 512
    obs = jax.random.normal(k_obs, (B, M, 3), dtype=jnp.float32)
    training_env_ids = jax.random.randint(k_env, (B,), 0, NUM_ENVS, dtype=jnp.int32)
    # Per-env focus buffer (pass-through state: all True = token position allowed)
    focus_mask = jnp.ones((NUM_ENVS, DEFAULT_MAX_TOKENS), dtype=bool)
    return {"obs": obs, "focus_mask": focus_mask, "training_env_ids": training_env_ids}


def reference(obs, focus_mask, training_env_ids):
    # --- global crop: trim right padding across the batch ---
    # a token is padding iff all 3 feature channels are exactly zero
    pad = jnp.all(obs == 0.0, axis=-1)  # [B, M] True where padding
    lengths = jnp.sum(~pad, axis=1)     # dense length per row
    L = max(1, min(obs.shape[1], DEFAULT_MAX_TOKENS))
    cropped = obs[:, :L, :]             # [B, L, 3]
    # --- per-env focus window (gather focus rows by env id) ---
    row_focus = jnp.take(focus_mask, training_env_ids, axis=0)[:, :L]  # [B, L], True = allowed
    # obs_mask: True marks padding/filtered tokens
    obs_mask = pad[:, :L] | (~row_focus)
    # --- one-step semantics: reset touched env rows to pass-through (scatter overwrite) ---
    reset_rows = jnp.ones((training_env_ids.shape[0], DEFAULT_MAX_TOKENS), dtype=bool)
    new_focus_mask = focus_mask.at[training_env_ids].set(reset_rows)
    return cropped, obs_mask, new_focus_mask

if __name__ == "__main__":
    import jax
    _d = setup_inputs()
    print(jax.jit(kernel)(*tuple(_d.values())))

</pallas_src>

<mosaic_0001>
#map = affine_map<(d0, d1) -> (0, 0)>
#map1 = affine_map<(d0, d1) -> (0)>
module attributes {stable_mosaic.version = 14 : i64} {
  func.func @sc_k(%arg0: i32, %arg1: i32, %arg2: memref<4096x128xi32, #tpu.memory_space<hbm>>, %arg3: memref<4096xi32, #tpu.memory_space<hbm>>, %arg4: memref<256x128xi32, #tpu.memory_space<hbm>>, %arg5: memref<4096x128xi32, #tpu.memory_space<hbm>>, %arg6: memref<4608x128xi32, #tpu.memory_space<hbm>>, %arg7: memref<128xi32, #tpu.memory_space<vmem>>, %arg8: memref<128x128xi32, #tpu.memory_space<vmem>>, %arg9: memref<128x128xi32, #tpu.memory_space<vmem>>, %arg10: memref<256xi32, #tpu.memory_space<vmem>>, %arg11: memref<2x128xi32, #tpu.memory_space<vmem>>, %arg12: memref<256x128xi32, #tpu.memory_space<vmem>>, %arg13: memref<!tpu.dma_semaphore, #tpu.memory_space<semaphore_mem>>, %arg14: memref<!tpu.dma_semaphore, #tpu.memory_space<semaphore_mem>>, %arg15: memref<!tpu.dma_semaphore, #tpu.memory_space<semaphore_mem>>) attributes {dimension_semantics = [#tpu.dimension_semantics<core_parallel>, #tpu.dimension_semantics<subcore_parallel>], iteration_bounds = array<i64: 2, 16>, scalar_prefetch = 0 : i64, scratch_operands = 9 : i64, tpu.core_type = #tpu.core_type<sc_vector_subcore>, window_params = [{transform_indices = #map}, {transform_indices = #map1}, {transform_indices = #map}, {transform_indices = #map}, {transform_indices = #map}]} {
    %mul3A = arith.constant 2 : i32
    %mul3A_0 = arith.muli %arg1, %mul3A : i32
    %add3A = arith.addi %mul3A_0, %arg0 : i32
    %mul3A_1 = arith.constant 128 : i32
    %mul3A_2 = arith.muli %add3A, %mul3A_1 : i32
    %mul3A_3 = arith.constant 2048 : i32
    %mul3A_4 = arith.muli %arg0, %mul3A_3 : i32
    %mul3A_5 = arith.constant 128 : i32
    %mul3A_6 = arith.muli %arg1, %mul3A_5 : i32
    %add3A_7 = arith.addi %mul3A_4, %mul3A_6 : i32
    "tpu.region"() ({
      %run_scoped3A = tpu.sem_alloc : memref<!tpu.dma_semaphore, #tpu.memory_space<semaphore_mem>>
      %dma_start3A_395 = tpu.memref_slice %arg3[%mul3A_2] : memref<4096xi32, #tpu.memory_space<hbm>> -> memref<128xi32, #tpu.memory_space<hbm>>
      %dma_start3A_396 = tpu.memref_slice %arg3[%mul3A_2] : memref<4096xi32, #tpu.memory_space<hbm>> -> memref<128xi32, #tpu.memory_space<hbm>>
      tpu.enqueue_dma source(%dma_start3A_396 : memref<128xi32, #tpu.memory_space<hbm>>) target(%arg7 : memref<128xi32, #tpu.memory_space<vmem>>) target_semaphore(%run_scoped3A : memref<!tpu.dma_semaphore, #tpu.memory_space<semaphore_mem>>)
      %dma_wait3A_397 = tpu.memref_slice %arg3[%mul3A_2] : memref<4096xi32, #tpu.memory_space<hbm>> -> memref<128xi32, #tpu.memory_space<hbm>>
      %dma_wait3A_398 = tpu.memref_slice %arg3[%mul3A_2] : memref<4096xi32, #tpu.memory_space<hbm>> -> memref<128xi32, #tpu.memory_space<hbm>>
      tpu.wait_dma2 semaphore(%run_scoped3A : memref<!tpu.dma_semaphore, #tpu.memory_space<semaphore_mem>>) src(%dma_wait3A_398 : memref<128xi32, #tpu.memory_space<hbm>>) dst(%arg7 : memref<128xi32, #tpu.memory_space<vmem>>)
      tpu.yield
    }) : () -> ()
    %dma_start3A = arith.constant 0 : i32
    %dma_start3A_8 = arith.constant 0 : i32
    %dma_start3A_9 = tpu.memref_slice %arg2[%dma_start3A, %dma_start3A_8] : memref<4096x128xi32, #tpu.memory_space<hbm>> -> memref<4096x128xi32, #tpu.memory_space<hbm>>
    tpu.enqueue_indirect_dma source(%dma_start3A_9 : memref<4096x128xi32, #tpu.memory_space<hbm>>) target(%arg8 : memref<128x128xi32, #tpu.memory_space<vmem>>) offsets(%arg7 : memref<128xi32, #tpu.memory_space<vmem>>) semaphore(%arg13 : memref<!tpu.dma_semaphore, #tpu.memory_space<semaphore_mem>>)
    %dma_start3A_10 = arith.constant 0 : i32
    %dma_start3A_11 = tpu.memref_slice %arg2[%add3A_7, %dma_start3A_10] : memref<4096x128xi32, #tpu.memory_space<hbm>> -> memref<128x128xi32, #tpu.memory_space<hbm>>
    %dma_start3A_12 = arith.constant 0 : i32
    %dma_start3A_13 = tpu.memref_slice %arg2[%add3A_7, %dma_start3A_12] : memref<4096x128xi32, #tpu.memory_space<hbm>> -> memref<128x128xi32, #tpu.memory_space<hbm>>
    tpu.enqueue_dma source(%dma_start3A_13 : memref<128x128xi32, #tpu.memory_space<hbm>>) target(%arg9 : memref<128x128xi32, #tpu.memory_space<vmem>>) target_semaphore(%arg14 : memref<!tpu.dma_semaphore, #tpu.memory_space<semaphore_mem>>)
    %dma_start3A_14 = arith.constant 0 : i32
    %dma_start3A_15 = arith.constant 0 : i32
    %dma_start3A_16 = tpu.memref_slice %arg4[%dma_start3A_14, %dma_start3A_15] : memref<256x128xi32, #tpu.memory_space<hbm>> -> memref<256x128xi32, #tpu.memory_space<hbm>>
    %dma_start3A_17 = arith.constant 0 : i32
    %dma_start3A_18 = arith.constant 0 : i32
    %dma_start3A_19 = tpu.memref_slice %arg4[%dma_start3A_17, %dma_start3A_18] : memref<256x128xi32, #tpu.memory_space<hbm>> -> memref<256x128xi32, #tpu.memory_space<hbm>>
    tpu.enqueue_dma source(%dma_start3A_19 : memref<256x128xi32, #tpu.memory_space<hbm>>) target(%arg12 : memref<256x128xi32, #tpu.memory_space<vmem>>) target_semaphore(%arg15 : memref<!tpu.dma_semaphore, #tpu.memory_space<semaphore_mem>>)
    %mul3A_20 = arith.constant 256 : i32
    %mul3A_21 = arith.muli %arg1, %mul3A_20 : i32
    "tpu.region"() ({
      %run_scoped3A = tpu.sem_alloc : memref<!tpu.dma_semaphore, #tpu.memory_space<semaphore_mem>>
      %dma_start3A_395 = tpu.memref_slice %arg3[%mul3A_21] : memref<4096xi32, #tpu.memory_space<hbm>> -> memref<256xi32, #tpu.memory_space<hbm>>
      %dma_start3A_396 = tpu.memref_slice %arg3[%mul3A_21] : memref<4096xi32, #tpu.memory_space<hbm>> -> memref<256xi32, #tpu.memory_space<hbm>>
      tpu.enqueue_dma source(%dma_start3A_396 : memref<256xi32, #tpu.memory_space<hbm>>) target(%arg10 : memref<256xi32, #tpu.memory_space<vmem>>) target_semaphore(%run_scoped3A : memref<!tpu.dma_semaphore, #tpu.memory_space<semaphore_mem>>)
      %dma_wait3A_397 = tpu.memref_slice %arg3[%mul3A_21] : memref<4096xi32, #tpu.memory_space<hbm>> -> memref<256xi32, #tpu.memory_space<hbm>>
      %dma_wait3A_398 = tpu.memref_slice %arg3[%mul3A_21] : memref<4096xi32, #tpu.memory_space<hbm>> -> memref<256xi32, #tpu.memory_space<hbm>>
      tpu.wait_dma2 semaphore(%run_scoped3A : memref<!tpu.dma_semaphore, #tpu.memory_space<semaphore_mem>>) src(%dma_wait3A_398 : memref<256xi32, #tpu.memory_space<hbm>>) dst(%arg10 : memref<256xi32, #tpu.memory_space<vmem>>)
      tpu.yield
    }) : () -> ()
    %mul3A_22 = arith.constant 2048 : i32
    %mul3A_23 = arith.muli %arg0, %mul3A_22 : i32
    %add3A_24 = arith.constant 2048 : i32
    %add3A_25 = arith.addi %mul3A_23, %add3A_24 : i32
    %mul3A_26 = arith.constant 256 : i32
    %mul3A_27 = arith.muli %arg0, %mul3A_26 : i32
    %add3A_28 = arith.constant 4096 : i32
    %add3A_29 = arith.addi %add3A_28, %mul3A_27 : i32
    %get3A = arith.constant 0 : index
    %get3A_30 = tpu.vector_load %arg10[%get3A] {strides = array<i32>} : memref<256xi32, #tpu.memory_space<vmem>>, vector<16xi32>,
    %get3A_31 = vector.shape_cast %get3A_30 : vector<16xi32> to vector<16xi32>
    %ge3A = vector.broadcast %mul3A_23 : i32 to vector<16xi32>
    %ge3A_32 = arith.cmpi sge, %get3A_31, %ge3A : vector<16xi32>
    %lt3A = vector.broadcast %add3A_25 : i32 to vector<16xi32>
    %lt3A_33 = arith.cmpi slt, %get3A_31, %lt3A : vector<16xi32>
    %and3A = arith.andi %ge3A_32, %lt3A_33 : vector<16xi1>
    %add3A_34 = arith.constant 0 : i32
    %add3A_35 = arith.addi %add3A_29, %add3A_34 : i32
    %iota3A = tpu.iota {dimensions = array<i32: 0>} : vector<16xi32>
    %add3A_36 = vector.broadcast %add3A_35 : i32 to vector<16xi32>
    %add3A_37 = arith.addi %add3A_36, %iota3A : vector<16xi32>
    %select_n3A = arith.select %and3A, %get3A_31, %add3A_37 : vector<16xi1>, vector<16xi32>
    %swap3A = arith.constant 0 : i32
    %swap3A_38 = arith.index_cast %swap3A : i32 to index
    %swap3A_39 = arith.constant 0 : index
    %swap3A_40 = tpu.vector_load %arg11[%swap3A_38, %swap3A_39] {strides = array<i32>} : memref<2x128xi32, #tpu.memory_space<vmem>>, vector<1x16xi32>,
    %swap3A_41 = vector.shape_cast %swap3A_40 : vector<1x16xi32> to vector<16xi32>
    %swap3A_42 = vector.shape_cast %select_n3A : vector<16xi32> to vector<1x16xi32>
    tpu.vector_store %arg11[%swap3A_38, %swap3A_39], %swap3A_42 {strides = array<i32>} : memref<2x128xi32, #tpu.memory_space<vmem>>, vector<1x16xi32>,
    %get3A_43 = arith.constant 16 : index
    %get3A_44 = tpu.vector_load %arg10[%get3A_43] {strides = array<i32>} : memref<256xi32, #tpu.memory_space<vmem>>, vector<16xi32>,
    %get3A_45 = vector.shape_cast %get3A_44 : vector<16xi32> to vector<16xi32>
    %ge3A_46 = vector.broadcast %mul3A_23 : i32 to vector<16xi32>
    %ge3A_47 = arith.cmpi sge, %get3A_45, %ge3A_46 : vector<16xi32>
    %lt3A_48 = vector.broadcast %add3A_25 : i32 to vector<16xi32>
    %lt3A_49 = arith.cmpi slt, %get3A_45, %lt3A_48 : vector<16xi32>
    %and3A_50 = arith.andi %ge3A_47, %lt3A_49 : vector<16xi1>
    %add3A_51 = arith.constant 16 : i32
    %add3A_52 = arith.addi %add3A_29, %add3A_51 : i32
    %iota3A_53 = tpu.iota {dimensions = array<i32: 0>} : vector<16xi32>
    %add3A_54 = vector.broadcast %add3A_52 : i32 to vector<16xi32>
    %add3A_55 = arith.addi %add3A_54, %iota3A_53 : vector<16xi32>
    %select_n3A_56 = arith.select %and3A_50, %get3A_45, %add3A_55 : vector<16xi1>, vector<16xi32>
    %swap3A_57 = arith.constant 0 : i32
    %swap3A_58 = arith.index_cast %swap3A_57 : i32 to index
    %swap3A_59 = arith.constant 16 : index
    %swap3A_60 = tpu.vector_load %arg11[%swap3A_58, %swap3A_59] {strides = array<i32>} : memref<2x128xi32, #tpu.memory_space<vmem>>, vector<1x16xi32>,
    %swap3A_61 = vector.shape_cast %swap3A_60 : vector<1x16xi32> to vector<16xi32>
    %swap3A_62 = vector.shape_cast %select_n3A_56 : vector<16xi32> to vector<1x16xi32>
    tpu.vector_store %arg11[%swap3A_58, %swap3A_59], %swap3A_62 {strides = array<i32>} : memref<2x128xi32, #tpu.memory_space<vmem>>, vector<1x16xi32>,
    %get3A_63 = arith.constant 32 : index
    %get3A_64 = tpu.vector_load %arg10[%get3A_63] {strides = array<i32>} : memref<256xi32, #tpu.memory_space<vmem>>, vector<16xi32>,
    %get3A_65 = vector.shape_cast %get3A_64 : vector<16xi32> to vector<16xi32>
    %ge3A_66 = vector.broadcast %mul3A_23 : i32 to vector<16xi32>
    %ge3A_67 = arith.cmpi sge, %get3A_65, %ge3A_66 : vector<16xi32>
    %lt3A_68 = vector.broadcast %add3A_25 : i32 to vector<16xi32>
    %lt3A_69 = arith.cmpi slt, %get3A_65, %lt3A_68 : vector<16xi32>
    %and3A_70 = arith.andi %ge3A_67, %lt3A_69 : vector<16xi1>
    %add3A_71 = arith.constant 32 : i32
    %add3A_72 = arith.addi %add3A_29, %add3A_71 : i32
    %iota3A_73 = tpu.iota {dimensions = array<i32: 0>} : vector<16xi32>
    %add3A_74 = vector.broadcast %add3A_72 : i32 to vector<16xi32>
    %add3A_75 = arith.addi %add3A_74, %iota3A_73 : vector<16xi32>
    %select_n3A_76 = arith.select %and3A_70, %get3A_65, %add3A_75 : vector<16xi1>, vector<16xi32>
    %swap3A_77 = arith.constant 0 : i32
    %swap3A_78 = arith.index_cast %swap3A_77 : i32 to index
    %swap3A_79 = arith.constant 32 : index
    %swap3A_80 = tpu.vector_load %arg11[%swap3A_78, %swap3A_79] {strides = array<i32>} : memref<2x128xi32, #tpu.memory_space<vmem>>, vector<1x16xi32>,
    %swap3A_81 = vector.shape_cast %swap3A_80 : vector<1x16xi32> to vector<16xi32>
    %swap3A_82 = vector.shape_cast %select_n3A_76 : vector<16xi32> to vector<1x16xi32>
    tpu.vector_store %arg11[%swap3A_78, %swap3A_79], %swap3A_82 {strides = array<i32>} : memref<2x128xi32, #tpu.memory_space<vmem>>, vector<1x16xi32>,
    %get3A_83 = arith.constant 48 : index
    %get3A_84 = tpu.vector_load %arg10[%get3A_83] {strides = array<i32>} : memref<256xi32, #tpu.memory_space<vmem>>, vector<16xi32>,
    %get3A_85 = vector.shape_cast %get3A_84 : vector<16xi32> to vector<16xi32>
    %ge3A_86 = vector.broadcast %mul3A_23 : i32 to vector<16xi32>
    %ge3A_87 = arith.cmpi sge, %get3A_85, %ge3A_86 : vector<16xi32>
    %lt3A_88 = vector.broadcast %add3A_25 : i32 to vector<16xi32>
    %lt3A_89 = arith.cmpi slt, %get3A_85, %lt3A_88 : vector<16xi32>
    %and3A_90 = arith.andi %ge3A_87, %lt3A_89 : vector<16xi1>
    %add3A_91 = arith.constant 48 : i32
    %add3A_92 = arith.addi %add3A_29, %add3A_91 : i32
    %iota3A_93 = tpu.iota {dimensions = array<i32: 0>} : vector<16xi32>
    %add3A_94 = vector.broadcast %add3A_92 : i32 to vector<16xi32>
    %add3A_95 = arith.addi %add3A_94, %iota3A_93 : vector<16xi32>
    %select_n3A_96 = arith.select %and3A_90, %get3A_85, %add3A_95 : vector<16xi1>, vector<16xi32>
    %swap3A_97 = arith.constant 0 : i32
    %swap3A_98 = arith.index_cast %swap3A_97 : i32 to index
    %swap3A_99 = arith.constant 48 : index
    %swap3A_100 = tpu.vector_load %arg11[%swap3A_98, %swap3A_99] {strides = array<i32>} : memref<2x128xi32, #tpu.memory_space<vmem>>, vector<1x16xi32>,
    %swap3A_101 = vector.shape_cast %swap3A_100 : vector<1x16xi32> to vector<16xi32>
    %swap3A_102 = vector.shape_cast %select_n3A_96 : vector<16xi32> to vector<1x16xi32>
    tpu.vector_store %arg11[%swap3A_98, %swap3A_99], %swap3A_102 {strides = array<i32>} : memref<2x128xi32, #tpu.memory_space<vmem>>, vector<1x16xi32>,
    %get3A_103 = arith.constant 64 : index
    %get3A_104 = tpu.vector_load %arg10[%get3A_103] {strides = array<i32>} : memref<256xi32, #tpu.memory_space<vmem>>, vector<16xi32>,
    %get3A_105 = vector.shape_cast %get3A_104 : vector<16xi32> to vector<16xi32>
    %ge3A_106 = vector.broadcast %mul3A_23 : i32 to vector<16xi32>
    %ge3A_107 = arith.cmpi sge, %get3A_105, %ge3A_106 : vector<16xi32>
    %lt3A_108 = vector.broadcast %add3A_25 : i32 to vector<16xi32>
    %lt3A_109 = arith.cmpi slt, %get3A_105, %lt3A_108 : vector<16xi32>
    %and3A_110 = arith.andi %ge3A_107, %lt3A_109 : vector<16xi1>
    %add3A_111 = arith.constant 64 : i32
    %add3A_112 = arith.addi %add3A_29, %add3A_111 : i32
    %iota3A_113 = tpu.iota {dimensions = array<i32: 0>} : vector<16xi32>
    %add3A_114 = vector.broadcast %add3A_112 : i32 to vector<16xi32>
    %add3A_115 = arith.addi %add3A_114, %iota3A_113 : vector<16xi32>
    %select_n3A_116 = arith.select %and3A_110, %get3A_105, %add3A_115 : vector<16xi1>, vector<16xi32>
    %swap3A_117 = arith.constant 0 : i32
    %swap3A_118 = arith.index_cast %swap3A_117 : i32 to index
    %swap3A_119 = arith.constant 64 : index
    %swap3A_120 = tpu.vector_load %arg11[%swap3A_118, %swap3A_119] {strides = array<i32>} : memref<2x128xi32, #tpu.memory_space<vmem>>, vector<1x16xi32>,
    %swap3A_121 = vector.shape_cast %swap3A_120 : vector<1x16xi32> to vector<16xi32>
    %swap3A_122 = vector.shape_cast %select_n3A_116 : vector<16xi32> to vector<1x16xi32>
    tpu.vector_store %arg11[%swap3A_118, %swap3A_119], %swap3A_122 {strides = array<i32>} : memref<2x128xi32, #tpu.memory_space<vmem>>, vector<1x16xi32>,
    %get3A_123 = arith.constant 80 : index
    %get3A_124 = tpu.vector_load %arg10[%get3A_123] {strides = array<i32>} : memref<256xi32, #tpu.memory_space<vmem>>, vector<16xi32>,
    %get3A_125 = vector.shape_cast %get3A_124 : vector<16xi32> to vector<16xi32>
    %ge3A_126 = vector.broadcast %mul3A_23 : i32 to vector<16xi32>
    %ge3A_127 = arith.cmpi sge, %get3A_125, %ge3A_126 : vector<16xi32>
    %lt3A_128 = vector.broadcast %add3A_25 : i32 to vector<16xi32>
    %lt3A_129 = arith.cmpi slt, %get3A_125, %lt3A_128 : vector<16xi32>
    %and3A_130 = arith.andi %ge3A_127, %lt3A_129 : vector<16xi1>
    %add3A_131 = arith.constant 80 : i32
    %add3A_132 = arith.addi %add3A_29, %add3A_131 : i32
    %iota3A_133 = tpu.iota {dimensions = array<i32: 0>} : vector<16xi32>
    %add3A_134 = vector.broadcast %add3A_132 : i32 to vector<16xi32>
    %add3A_135 = arith.addi %add3A_134, %iota3A_133 : vector<16xi32>
    %select_n3A_136 = arith.select %and3A_130, %get3A_125, %add3A_135 : vector<16xi1>, vector<16xi32>
    %swap3A_137 = arith.constant 0 : i32
    %swap3A_138 = arith.index_cast %swap3A_137 : i32 to index
    %swap3A_139 = arith.constant 80 : index
    %swap3A_140 = tpu.vector_load %arg11[%swap3A_138, %swap3A_139] {strides = array<i32>} : memref<2x128xi32, #tpu.memory_space<vmem>>, vector<1x16xi32>,
    %swap3A_141 = vector.shape_cast %swap3A_140 : vector<1x16xi32> to vector<16xi32>
    %swap3A_142 = vector.shape_cast %select_n3A_136 : vector<16xi32> to vector<1x16xi32>
    tpu.vector_store %arg11[%swap3A_138, %swap3A_139], %swap3A_142 {strides = array<i32>} : memref<2x128xi32, #tpu.memory_space<vmem>>, vector<1x16xi32>,
    %get3A_143 = arith.constant 96 : index
    %get3A_144 = tpu.vector_load %arg10[%get3A_143] {strides = array<i32>} : memref<256xi32, #tpu.memory_space<vmem>>, vector<16xi32>,
    %get3A_145 = vector.shape_cast %get3A_144 : vector<16xi32> to vector<16xi32>
    %ge3A_146 = vector.broadcast %mul3A_23 : i32 to vector<16xi32>
    %ge3A_147 = arith.cmpi sge, %get3A_145, %ge3A_146 : vector<16xi32>
    %lt3A_148 = vector.broadcast %add3A_25 : i32 to vector<16xi32>
    %lt3A_149 = arith.cmpi slt, %get3A_145, %lt3A_148 : vector<16xi32>
    %and3A_150 = arith.andi %ge3A_147, %lt3A_149 : vector<16xi1>
    %add3A_151 = arith.constant 96 : i32
    %add3A_152 = arith.addi %add3A_29, %add3A_151 : i32
    %iota3A_153 = tpu.iota {dimensions = array<i32: 0>} : vector<16xi32>
    %add3A_154 = vector.broadcast %add3A_152 : i32 to vector<16xi32>
    %add3A_155 = arith.addi %add3A_154, %iota3A_153 : vector<16xi32>
    %select_n3A_156 = arith.select %and3A_150, %get3A_145, %add3A_155 : vector<16xi1>, vector<16xi32>
    %swap3A_157 = arith.constant 0 : i32
    %swap3A_158 = arith.index_cast %swap3A_157 : i32 to index
    %swap3A_159 = arith.constant 96 : index
    %swap3A_160 = tpu.vector_load %arg11[%swap3A_158, %swap3A_159] {strides = array<i32>} : memref<2x128xi32, #tpu.memory_space<vmem>>, vector<1x16xi32>,
    %swap3A_161 = vector.shape_cast %swap3A_160 : vector<1x16xi32> to vector<16xi32>
    %swap3A_162 = vector.shape_cast %select_n3A_156 : vector<16xi32> to vector<1x16xi32>
    tpu.vector_store %arg11[%swap3A_158, %swap3A_159], %swap3A_162 {strides = array<i32>} : memref<2x128xi32, #tpu.memory_space<vmem>>, vector<1x16xi32>,
    %get3A_163 = arith.constant 112 : index
    %get3A_164 = tpu.vector_load %arg10[%get3A_163] {strides = array<i32>} : memref<256xi32, #tpu.memory_space<vmem>>, vector<16xi32>,
    %get3A_165 = vector.shape_cast %get3A_164 : vector<16xi32> to vector<16xi32>
    %ge3A_166 = vector.broadcast %mul3A_23 : i32 to vector<16xi32>
    %ge3A_167 = arith.cmpi sge, %get3A_165, %ge3A_166 : vector<16xi32>
    %lt3A_168 = vector.broadcast %add3A_25 : i32 to vector<16xi32>
    %lt3A_169 = arith.cmpi slt, %get3A_165, %lt3A_168 : vector<16xi32>
    %and3A_170 = arith.andi %ge3A_167, %lt3A_169 : vector<16xi1>
    %add3A_171 = arith.constant 112 : i32
    %add3A_172 = arith.addi %add3A_29, %add3A_171 : i32
    %iota3A_173 = tpu.iota {dimensions = array<i32: 0>} : vector<16xi32>
    %add3A_174 = vector.broadcast %add3A_172 : i32 to vector<16xi32>
    %add3A_175 = arith.addi %add3A_174, %iota3A_173 : vector<16xi32>
    %select_n3A_176 = arith.select %and3A_170, %get3A_165, %add3A_175 : vector<16xi1>, vector<16xi32>
    %swap3A_177 = arith.constant 0 : i32
    %swap3A_178 = arith.index_cast %swap3A_177 : i32 to index
    %swap3A_179 = arith.constant 112 : index
    %swap3A_180 = tpu.vector_load %arg11[%swap3A_178, %swap3A_179] {strides = array<i32>} : memref<2x128xi32, #tpu.memory_space<vmem>>, vector<1x16xi32>,
    %swap3A_181 = vector.shape_cast %swap3A_180 : vector<1x16xi32> to vector<16xi32>
    %swap3A_182 = vector.shape_cast %select_n3A_176 : vector<16xi32> to vector<1x16xi32>
    tpu.vector_store %arg11[%swap3A_178, %swap3A_179], %swap3A_182 {strides = array<i32>} : memref<2x128xi32, #tpu.memory_space<vmem>>, vector<1x16xi32>,
    %get3A_183 = arith.constant 128 : index
    %get3A_184 = tpu.vector_load %arg10[%get3A_183] {strides = array<i32>} : memref<256xi32, #tpu.memory_space<vmem>>, vector<16xi32>,
    %get3A_185 = vector.shape_cast %get3A_184 : vector<16xi32> to vector<16xi32>
    %ge3A_186 = vector.broadcast %mul3A_23 : i32 to vector<16xi32>
    %ge3A_187 = arith.cmpi sge, %get3A_185, %ge3A_186 : vector<16xi32>
    %lt3A_188 = vector.broadcast %add3A_25 : i32 to vector<16xi32>
    %lt3A_189 = arith.cmpi slt, %get3A_185, %lt3A_188 : vector<16xi32>
    %and3A_190 = arith.andi %ge3A_187, %lt3A_189 : vector<16xi1>
    %add3A_191 = arith.constant 128 : i32
    %add3A_192 = arith.addi %add3A_29, %add3A_191 : i32
    %iota3A_193 = tpu.iota {dimensions = array<i32: 0>} : vector<16xi32>
    %add3A_194 = vector.broadcast %add3A_192 : i32 to vector<16xi32>
    %add3A_195 = arith.addi %add3A_194, %iota3A_193 : vector<16xi32>
    %select_n3A_196 = arith.select %and3A_190, %get3A_185, %add3A_195 : vector<16xi1>, vector<16xi32>
    %swap3A_197 = arith.constant 1 : i32
    %swap3A_198 = arith.index_cast %swap3A_197 : i32 to index
    %swap3A_199 = arith.constant 0 : index
    %swap3A_200 = tpu.vector_load %arg11[%swap3A_198, %swap3A_199] {strides = array<i32>} : memref<2x128xi32, #tpu.memory_space<vmem>>, vector<1x16xi32>,
    %swap3A_201 = vector.shape_cast %swap3A_200 : vector<1x16xi32> to vector<16xi32>
    %swap3A_202 = vector.shape_cast %select_n3A_196 : vector<16xi32> to vector<1x16xi32>
    tpu.vector_store %arg11[%swap3A_198, %swap3A_199], %swap3A_202 {strides = array<i32>} : memref<2x128xi32, #tpu.memory_space<vmem>>, vector<1x16xi32>,
    %get3A_203 = arith.constant 144 : index
    %get3A_204 = tpu.vector_load %arg10[%get3A_203] {strides = array<i32>} : memref<256xi32, #tpu.memory_space<vmem>>, vector<16xi32>,
    %get3A_205 = vector.shape_cast %get3A_204 : vector<16xi32> to vector<16xi32>
    %ge3A_206 = vector.broadcast %mul3A_23 : i32 to vector<16xi32>
    %ge3A_207 = arith.cmpi sge, %get3A_205, %ge3A_206 : vector<16xi32>
    %lt3A_208 = vector.broadcast %add3A_25 : i32 to vector<16xi32>
    %lt3A_209 = arith.cmpi slt, %get3A_205, %lt3A_208 : vector<16xi32>
    %and3A_210 = arith.andi %ge3A_207, %lt3A_209 : vector<16xi1>
    %add3A_211 = arith.constant 144 : i32
    %add3A_212 = arith.addi %add3A_29, %add3A_211 : i32
    %iota3A_213 = tpu.iota {dimensions = array<i32: 0>} : vector<16xi32>
    %add3A_214 = vector.broadcast %add3A_212 : i32 to vector<16xi32>
    %add3A_215 = arith.addi %add3A_214, %iota3A_213 : vector<16xi32>
    %select_n3A_216 = arith.select %and3A_210, %get3A_205, %add3A_215 : vector<16xi1>, vector<16xi32>
    %swap3A_217 = arith.constant 1 : i32
    %swap3A_218 = arith.index_cast %swap3A_217 : i32 to index
    %swap3A_219 = arith.constant 16 : index
    %swap3A_220 = tpu.vector_load %arg11[%swap3A_218, %swap3A_219] {strides = array<i32>} : memref<2x128xi32, #tpu.memory_space<vmem>>, vector<1x16xi32>,
    %swap3A_221 = vector.shape_cast %swap3A_220 : vector<1x16xi32> to vector<16xi32>
    %swap3A_222 = vector.shape_cast %select_n3A_216 : vector<16xi32> to vector<1x16xi32>
    tpu.vector_store %arg11[%swap3A_218, %swap3A_219], %swap3A_222 {strides = array<i32>} : memref<2x128xi32, #tpu.memory_space<vmem>>, vector<1x16xi32>,
    %get3A_223 = arith.constant 160 : index
    %get3A_224 = tpu.vector_load %arg10[%get3A_223] {strides = array<i32>} : memref<256xi32, #tpu.memory_space<vmem>>, vector<16xi32>,
    %get3A_225 = vector.shape_cast %get3A_224 : vector<16xi32> to vector<16xi32>
    %ge3A_226 = vector.broadcast %mul3A_23 : i32 to vector<16xi32>
    %ge3A_227 = arith.cmpi sge, %get3A_225, %ge3A_226 : vector<16xi32>
    %lt3A_228 = vector.broadcast %add3A_25 : i32 to vector<16xi32>
    %lt3A_229 = arith.cmpi slt, %get3A_225, %lt3A_228 : vector<16xi32>
    %and3A_230 = arith.andi %ge3A_227, %lt3A_229 : vector<16xi1>
    %add3A_231 = arith.constant 160 : i32
    %add3A_232 = arith.addi %add3A_29, %add3A_231 : i32
    %iota3A_233 = tpu.iota {dimensions = array<i32: 0>} : vector<16xi32>
    %add3A_234 = vector.broadcast %add3A_232 : i32 to vector<16xi32>
    %add3A_235 = arith.addi %add3A_234, %iota3A_233 : vector<16xi32>
    %select_n3A_236 = arith.select %and3A_230, %get3A_225, %add3A_235 : vector<16xi1>, vector<16xi32>
    %swap3A_237 = arith.constant 1 : i32
    %swap3A_238 = arith.index_cast %swap3A_237 : i32 to index
    %swap3A_239 = arith.constant 32 : index
    %swap3A_240 = tpu.vector_load %arg11[%swap3A_238, %swap3A_239] {strides = array<i32>} : memref<2x128xi32, #tpu.memory_space<vmem>>, vector<1x16xi32>,
    %swap3A_241 = vector.shape_cast %swap3A_240 : vector<1x16xi32> to vector<16xi32>
    %swap3A_242 = vector.shape_cast %select_n3A_236 : vector<16xi32> to vector<1x16xi32>
    tpu.vector_store %arg11[%swap3A_238, %swap3A_239], %swap3A_242 {strides = array<i32>} : memref<2x128xi32, #tpu.memory_space<vmem>>, vector<1x16xi32>,
    %get3A_243 = arith.constant 176 : index
    %get3A_244 = tpu.vector_load %arg10[%get3A_243] {strides = array<i32>} : memref<256xi32, #tpu.memory_space<vmem>>, vector<16xi32>,
    %get3A_245 = vector.shape_cast %get3A_244 : vector<16xi32> to vector<16xi32>
    %ge3A_246 = vector.broadcast %mul3A_23 : i32 to vector<16xi32>
    %ge3A_247 = arith.cmpi sge, %get3A_245, %ge3A_246 : vector<16xi32>
    %lt3A_248 = vector.broadcast %add3A_25 : i32 to vector<16xi32>
    %lt3A_249 = arith.cmpi slt, %get3A_245, %lt3A_248 : vector<16xi32>
    %and3A_250 = arith.andi %ge3A_247, %lt3A_249 : vector<16xi1>
    %add3A_251 = arith.constant 176 : i32
    %add3A_252 = arith.addi %add3A_29, %add3A_251 : i32
    %iota3A_253 = tpu.iota {dimensions = array<i32: 0>} : vector<16xi32>
    %add3A_254 = vector.broadcast %add3A_252 : i32 to vector<16xi32>
    %add3A_255 = arith.addi %add3A_254, %iota3A_253 : vector<16xi32>
    %select_n3A_256 = arith.select %and3A_250, %get3A_245, %add3A_255 : vector<16xi1>, vector<16xi32>
    %swap3A_257 = arith.constant 1 : i32
    %swap3A_258 = arith.index_cast %swap3A_257 : i32 to index
    %swap3A_259 = arith.constant 48 : index
    %swap3A_260 = tpu.vector_load %arg11[%swap3A_258, %swap3A_259] {strides = array<i32>} : memref<2x128xi32, #tpu.memory_space<vmem>>, vector<1x16xi32>,
    %swap3A_261 = vector.shape_cast %swap3A_260 : vector<1x16xi32> to vector<16xi32>
    %swap3A_262 = vector.shape_cast %select_n3A_256 : vector<16xi32> to vector<1x16xi32>
    tpu.vector_store %arg11[%swap3A_258, %swap3A_259], %swap3A_262 {strides = array<i32>} : memref<2x128xi32, #tpu.memory_space<vmem>>, vector<1x16xi32>,
    %get3A_263 = arith.constant 192 : index
    %get3A_264 = tpu.vector_load %arg10[%get3A_263] {strides = array<i32>} : memref<256xi32, #tpu.memory_space<vmem>>, vector<16xi32>,
    %get3A_265 = vector.shape_cast %get3A_264 : vector<16xi32> to vector<16xi32>
    %ge3A_266 = vector.broadcast %mul3A_23 : i32 to vector<16xi32>
    %ge3A_267 = arith.cmpi sge, %get3A_265, %ge3A_266 : vector<16xi32>
    %lt3A_268 = vector.broadcast %add3A_25 : i32 to vector<16xi32>
    %lt3A_269 = arith.cmpi slt, %get3A_265, %lt3A_268 : vector<16xi32>
    %and3A_270 = arith.andi %ge3A_267, %lt3A_269 : vector<16xi1>
    %add3A_271 = arith.constant 192 : i32
    %add3A_272 = arith.addi %add3A_29, %add3A_271 : i32
    %iota3A_273 = tpu.iota {dimensions = array<i32: 0>} : vector<16xi32>
    %add3A_274 = vector.broadcast %add3A_272 : i32 to vector<16xi32>
    %add3A_275 = arith.addi %add3A_274, %iota3A_273 : vector<16xi32>
    %select_n3A_276 = arith.select %and3A_270, %get3A_265, %add3A_275 : vector<16xi1>, vector<16xi32>
    %swap3A_277 = arith.constant 1 : i32
    %swap3A_278 = arith.index_cast %swap3A_277 : i32 to index
    %swap3A_279 = arith.constant 64 : index
    %swap3A_280 = tpu.vector_load %arg11[%swap3A_278, %swap3A_279] {strides = array<i32>} : memref<2x128xi32, #tpu.memory_space<vmem>>, vector<1x16xi32>,
    %swap3A_281 = vector.shape_cast %swap3A_280 : vector<1x16xi32> to vector<16xi32>
    %swap3A_282 = vector.shape_cast %select_n3A_276 : vector<16xi32> to vector<1x16xi32>
    tpu.vector_store %arg11[%swap3A_278, %swap3A_279], %swap3A_282 {strides = array<i32>} : memref<2x128xi32, #tpu.memory_space<vmem>>, vector<1x16xi32>,
    %get3A_283 = arith.constant 208 : index
    %get3A_284 = tpu.vector_load %arg10[%get3A_283] {strides = array<i32>} : memref<256xi32, #tpu.memory_space<vmem>>, vector<16xi32>,
    %get3A_285 = vector.shape_cast %get3A_284 : vector<16xi32> to vector<16xi32>
    %ge3A_286 = vector.broadcast %mul3A_23 : i32 to vector<16xi32>
    %ge3A_287 = arith.cmpi sge, %get3A_285, %ge3A_286 : vector<16xi32>
    %lt3A_288 = vector.broadcast %add3A_25 : i32 to vector<16xi32>
    %lt3A_289 = arith.cmpi slt, %get3A_285, %lt3A_288 : vector<16xi32>
    %and3A_290 = arith.andi %ge3A_287, %lt3A_289 : vector<16xi1>
    %add3A_291 = arith.constant 208 : i32
    %add3A_292 = arith.addi %add3A_29, %add3A_291 : i32
    %iota3A_293 = tpu.iota {dimensions = array<i32: 0>} : vector<16xi32>
    %add3A_294 = vector.broadcast %add3A_292 : i32 to vector<16xi32>
    %add3A_295 = arith.addi %add3A_294, %iota3A_293 : vector<16xi32>
    %select_n3A_296 = arith.select %and3A_290, %get3A_285, %add3A_295 : vector<16xi1>, vector<16xi32>
    %swap3A_297 = arith.constant 1 : i32
    %swap3A_298 = arith.index_cast %swap3A_297 : i32 to index
    %swap3A_299 = arith.constant 80 : index
    %swap3A_300 = tpu.vector_load %arg11[%swap3A_298, %swap3A_299] {strides = array<i32>} : memref<2x128xi32, #tpu.memory_space<vmem>>, vector<1x16xi32>,
    %swap3A_301 = vector.shape_cast %swap3A_300 : vector<1x16xi32> to vector<16xi32>
    %swap3A_302 = vector.shape_cast %select_n3A_296 : vector<16xi32> to vector<1x16xi32>
    tpu.vector_store %arg11[%swap3A_298, %swap3A_299], %swap3A_302 {strides = array<i32>} : memref<2x128xi32, #tpu.memory_space<vmem>>, vector<1x16xi32>,
    %get3A_303 = arith.constant 224 : index
    %get3A_304 = tpu.vector_load %arg10[%get3A_303] {strides = array<i32>} : memref<256xi32, #tpu.memory_space<vmem>>, vector<16xi32>,
    %get3A_305 = vector.shape_cast %get3A_304 : vector<16xi32> to vector<16xi32>
    %ge3A_306 = vector.broadcast %mul3A_23 : i32 to vector<16xi32>
    %ge3A_307 = arith.cmpi sge, %get3A_305, %ge3A_306 : vector<16xi32>
    %lt3A_308 = vector.broadcast %add3A_25 : i32 to vector<16xi32>
    %lt3A_309 = arith.cmpi slt, %get3A_305, %lt3A_308 : vector<16xi32>
    %and3A_310 = arith.andi %ge3A_307, %lt3A_309 : vector<16xi1>
    %add3A_311 = arith.constant 224 : i32
    %add3A_312 = arith.addi %add3A_29, %add3A_311 : i32
    %iota3A_313 = tpu.iota {dimensions = array<i32: 0>} : vector<16xi32>
    %add3A_314 = vector.broadcast %add3A_312 : i32 to vector<16xi32>
    %add3A_315 = arith.addi %add3A_314, %iota3A_313 : vector<16xi32>
    %select_n3A_316 = arith.select %and3A_310, %get3A_305, %add3A_315 : vector<16xi1>, vector<16xi32>
    %swap3A_317 = arith.constant 1 : i32
    %swap3A_318 = arith.index_cast %swap3A_317 : i32 to index
    %swap3A_319 = arith.constant 96 : index
    %swap3A_320 = tpu.vector_load %arg11[%swap3A_318, %swap3A_319] {strides = array<i32>} : memref<2x128xi32, #tpu.memory_space<vmem>>, vector<1x16xi32>,
    %swap3A_321 = vector.shape_cast %swap3A_320 : vector<1x16xi32> to vector<16xi32>
    %swap3A_322 = vector.shape_cast %select_n3A_316 : vector<16xi32> to vector<1x16xi32>
    tpu.vector_store %arg11[%swap3A_318, %swap3A_319], %swap3A_322 {strides = array<i32>} : memref<2x128xi32, #tpu.memory_space<vmem>>, vector<1x16xi32>,
    %get3A_323 = arith.constant 240 : index
    %get3A_324 = tpu.vector_load %arg10[%get3A_323] {strides = array<i32>} : memref<256xi32, #tpu.memory_space<vmem>>, vector<16xi32>,
    %get3A_325 = vector.shape_cast %get3A_324 : vector<16xi32> to vector<16xi32>
    %ge3A_326 = vector.broadcast %mul3A_23 : i32 to vector<16xi32>
    %ge3A_327 = arith.cmpi sge, %get3A_325, %ge3A_326 : vector<16xi32>
    %lt3A_328 = vector.broadcast %add3A_25 : i32 to vector<16xi32>
    %lt3A_329 = arith.cmpi slt, %get3A_325, %lt3A_328 : vector<16xi32>
    %and3A_330 = arith.andi %ge3A_327, %lt3A_329 : vector<16xi1>
    %add3A_331 = arith.constant 240 : i32
    %add3A_332 = arith.addi %add3A_29, %add3A_331 : i32
    %iota3A_333 = tpu.iota {dimensions = array<i32: 0>} : vector<16xi32>
    %add3A_334 = vector.broadcast %add3A_332 : i32 to vector<16xi32>
    %add3A_335 = arith.addi %add3A_334, %iota3A_333 : vector<16xi32>
    %select_n3A_336 = arith.select %and3A_330, %get3A_325, %add3A_335 : vector<16xi1>, vector<16xi32>
    %swap3A_337 = arith.constant 1 : i32
    %swap3A_338 = arith.index_cast %swap3A_337 : i32 to index
    %swap3A_339 = arith.constant 112 : index
    %swap3A_340 = tpu.vector_load %arg11[%swap3A_338, %swap3A_339] {strides = array<i32>} : memref<2x128xi32, #tpu.memory_space<vmem>>, vector<1x16xi32>,
    %swap3A_341 = vector.shape_cast %swap3A_340 : vector<1x16xi32> to vector<16xi32>
    %swap3A_342 = vector.shape_cast %select_n3A_336 : vector<16xi32> to vector<1x16xi32>
    tpu.vector_store %arg11[%swap3A_338, %swap3A_339], %swap3A_342 {strides = array<i32>} : memref<2x128xi32, #tpu.memory_space<vmem>>, vector<1x16xi32>,
    %dma_wait3A = arith.constant 0 : i32
    %dma_wait3A_343 = tpu.memref_slice %arg2[%add3A_7, %dma_wait3A] : memref<4096x128xi32, #tpu.memory_space<hbm>> -> memref<128x128xi32, #tpu.memory_space<hbm>>
    %dma_wait3A_344 = arith.constant 0 : i32
    %dma_wait3A_345 = tpu.memref_slice %arg2[%add3A_7, %dma_wait3A_344] : memref<4096x128xi32, #tpu.memory_space<hbm>> -> memref<128x128xi32, #tpu.memory_space<hbm>>
    tpu.wait_dma2 semaphore(%arg14 : memref<!tpu.dma_semaphore, #tpu.memory_space<semaphore_mem>>) src(%dma_wait3A_345 : memref<128x128xi32, #tpu.memory_space<hbm>>) dst(%arg9 : memref<128x128xi32, #tpu.memory_space<vmem>>)
    "tpu.region"() ({
      %run_scoped3A = tpu.sem_alloc : memref<!tpu.dma_semaphore, #tpu.memory_space<semaphore_mem>>
      %dma_start3A_395 = arith.constant 0 : i32
      %dma_start3A_396 = tpu.memref_slice %arg6[%add3A_7, %dma_start3A_395] : memref<4608x128xi32, #tpu.memory_space<hbm>> -> memref<128x128xi32, #tpu.memory_space<hbm>>
      %dma_start3A_397 = arith.constant 0 : i32
      %dma_start3A_398 = tpu.memref_slice %arg6[%add3A_7, %dma_start3A_397] : memref<4608x128xi32, #tpu.memory_space<hbm>> -> memref<128x128xi32, #tpu.memory_space<hbm>>
      tpu.enqueue_dma source(%arg9 : memref<128x128xi32, #tpu.memory_space<vmem>>) target(%dma_start3A_398 : memref<128x128xi32, #tpu.memory_space<hbm>>) target_semaphore(%run_scoped3A : memref<!tpu.dma_semaphore, #tpu.memory_space<semaphore_mem>>)
      %dma_wait3A_399 = arith.constant 0 : i32
      %dma_wait3A_400 = tpu.memref_slice %arg6[%add3A_7, %dma_wait3A_399] : memref<4608x128xi32, #tpu.memory_space<hbm>> -> memref<128x128xi32, #tpu.memory_space<hbm>>
      %dma_wait3A_401 = arith.constant 0 : i32
      %dma_wait3A_402 = tpu.memref_slice %arg6[%add3A_7, %dma_wait3A_401] : memref<4608x128xi32, #tpu.memory_space<hbm>> -> memref<128x128xi32, #tpu.memory_space<hbm>>
      tpu.wait_dma2 semaphore(%run_scoped3A : memref<!tpu.dma_semaphore, #tpu.memory_space<semaphore_mem>>) src(%arg9 : memref<128x128xi32, #tpu.memory_space<vmem>>) dst(%dma_wait3A_402 : memref<128x128xi32, #tpu.memory_space<hbm>>)
      tpu.yield
    }) : () -> ()
    %dma_wait3A_346 = arith.constant 0 : i32
    %dma_wait3A_347 = arith.constant 0 : i32
    %dma_wait3A_348 = tpu.memref_slice %arg2[%dma_wait3A_346, %dma_wait3A_347] : memref<4096x128xi32, #tpu.memory_space<hbm>> -> memref<4096x128xi32, #tpu.memory_space<hbm>>
    tpu.wait_indirect_dma semaphore(%arg13 : memref<!tpu.dma_semaphore, #tpu.memory_space<semaphore_mem>>) src(%dma_wait3A_348 : memref<4096x128xi32, #tpu.memory_space<hbm>>) dst(%arg8 : memref<128x128xi32, #tpu.memory_space<vmem>>)
    "tpu.region"() ({
      %run_scoped3A = tpu.sem_alloc : memref<!tpu.dma_semaphore, #tpu.memory_space<semaphore_mem>>
      %dma_start3A_395 = arith.constant 0 : i32
      %dma_start3A_396 = tpu.memref_slice %arg5[%mul3A_2, %dma_start3A_395] : memref<4096x128xi32, #tpu.memory_space<hbm>> -> memref<128x128xi32, #tpu.memory_space<hbm>>
      %dma_start3A_397 = arith.constant 0 : i32
      %dma_start3A_398 = tpu.memref_slice %arg5[%mul3A_2, %dma_start3A_397] : memref<4096x128xi32, #tpu.memory_space<hbm>> -> memref<128x128xi32, #tpu.memory_space<hbm>>
      tpu.enqueue_dma source(%arg8 : memref<128x128xi32, #tpu.memory_space<vmem>>) target(%dma_start3A_398 : memref<128x128xi32, #tpu.memory_space<hbm>>) target_semaphore(%run_scoped3A : memref<!tpu.dma_semaphore, #tpu.memory_space<semaphore_mem>>)
      %dma_wait3A_399 = arith.constant 0 : i32
      %dma_wait3A_400 = tpu.memref_slice %arg5[%mul3A_2, %dma_wait3A_399] : memref<4096x128xi32, #tpu.memory_space<hbm>> -> memref<128x128xi32, #tpu.memory_space<hbm>>
      %dma_wait3A_401 = arith.constant 0 : i32
      %dma_wait3A_402 = tpu.memref_slice %arg5[%mul3A_2, %dma_wait3A_401] : memref<4096x128xi32, #tpu.memory_space<hbm>> -> memref<128x128xi32, #tpu.memory_space<hbm>>
      tpu.wait_dma2 semaphore(%run_scoped3A : memref<!tpu.dma_semaphore, #tpu.memory_space<semaphore_mem>>) src(%arg8 : memref<128x128xi32, #tpu.memory_space<vmem>>) dst(%dma_wait3A_402 : memref<128x128xi32, #tpu.memory_space<hbm>>)
      tpu.yield
    }) : () -> ()
    %barrier3A = arith.constant 0 : index
    tpu.barrier barrier_id(%barrier3A)
    %dma_wait3A_349 = arith.constant 0 : i32
    %dma_wait3A_350 = arith.constant 0 : i32
    %dma_wait3A_351 = tpu.memref_slice %arg4[%dma_wait3A_349, %dma_wait3A_350] : memref<256x128xi32, #tpu.memory_space<hbm>> -> memref<256x128xi32, #tpu.memory_space<hbm>>
    %dma_wait3A_352 = arith.constant 0 : i32
    %dma_wait3A_353 = arith.constant 0 : i32
    %dma_wait3A_354 = tpu.memref_slice %arg4[%dma_wait3A_352, %dma_wait3A_353] : memref<256x128xi32, #tpu.memory_space<hbm>> -> memref<256x128xi32, #tpu.memory_space<hbm>>
    tpu.wait_dma2 semaphore(%arg15 : memref<!tpu.dma_semaphore, #tpu.memory_space<semaphore_mem>>) src(%dma_wait3A_354 : memref<256x128xi32, #tpu.memory_space<hbm>>) dst(%arg12 : memref<256x128xi32, #tpu.memory_space<vmem>>)
    %dma_start3A_355 = arith.constant 0 : i32
    %dma_start3A_356 = arith.constant 0 : i32
    %dma_start3A_357 = arith.constant 0 : i32
    %dma_start3A_358 = tpu.memref_slice %arg12[%dma_start3A_356, %dma_start3A_357] : memref<256x128xi32, #tpu.memory_space<vmem>> -> memref<128x128xi32, #tpu.memory_space<vmem>>
    %dma_start3A_359 = arith.constant 0 : i32
    %dma_start3A_360 = tpu.memref_slice %arg11[%dma_start3A_355, %dma_start3A_359] : memref<2x128xi32, #tpu.memory_space<vmem>> -> memref<1x128xi32, #tpu.memory_space<vmem>>
    %dma_start3A_361 = tpu.memref_squeeze %dma_start3A_360 : memref<1x128xi32, #tpu.memory_space<vmem>> -> memref<128xi32, #tpu.memory_space<vmem>>
    %dma_start3A_362 = arith.constant 0 : i32
    %dma_start3A_363 = arith.constant 0 : i32
    %dma_start3A_364 = tpu.memref_slice %arg6[%dma_start3A_362, %dma_start3A_363] : memref<4608x128xi32, #tpu.memory_space<hbm>> -> memref<4608x128xi32, #tpu.memory_space<hbm>>
    tpu.enqueue_indirect_dma source(%dma_start3A_358 : memref<128x128xi32, #tpu.memory_space<vmem>>) target(%dma_start3A_364 : memref<4608x128xi32, #tpu.memory_space<hbm>>) offsets(%dma_start3A_361 : memref<128xi32, #tpu.memory_space<vmem>>) semaphore(%arg13 : memref<!tpu.dma_semaphore, #tpu.memory_space<semaphore_mem>>)
    %dma_start3A_365 = arith.constant 1 : i32
    %dma_start3A_366 = arith.constant 128 : i32
    %dma_start3A_367 = arith.constant 0 : i32
    %dma_start3A_368 = tpu.memref_slice %arg12[%dma_start3A_366, %dma_start3A_367] : memref<256x128xi32, #tpu.memory_space<vmem>> -> memref<128x128xi32, #tpu.memory_space<vmem>>
    %dma_start3A_369 = arith.constant 0 : i32
    %dma_start3A_370 = tpu.memref_slice %arg11[%dma_start3A_365, %dma_start3A_369] : memref<2x128xi32, #tpu.memory_space<vmem>> -> memref<1x128xi32, #tpu.memory_space<vmem>>
    %dma_start3A_371 = tpu.memref_squeeze %dma_start3A_370 : memref<1x128xi32, #tpu.memory_space<vmem>> -> memref<128xi32, #tpu.memory_space<vmem>>
    %dma_start3A_372 = arith.constant 0 : i32
    %dma_start3A_373 = arith.constant 0 : i32
    %dma_start3A_374 = tpu.memref_slice %arg6[%dma_start3A_372, %dma_start3A_373] : memref<4608x128xi32, #tpu.memory_space<hbm>> -> memref<4608x128xi32, #tpu.memory_space<hbm>>
    tpu.enqueue_indirect_dma source(%dma_start3A_368 : memref<128x128xi32, #tpu.memory_space<vmem>>) target(%dma_start3A_374 : memref<4608x128xi32, #tpu.memory_space<hbm>>) offsets(%dma_start3A_371 : memref<128xi32, #tpu.memory_space<vmem>>) semaphore(%arg14 : memref<!tpu.dma_semaphore, #tpu.memory_space<semaphore_mem>>)
    %dma_wait3A_375 = arith.constant 0 : i32
    %dma_wait3A_376 = arith.constant 0 : i32
    %dma_wait3A_377 = arith.constant 0 : i32
    %dma_wait3A_378 = tpu.memref_slice %arg12[%dma_wait3A_376, %dma_wait3A_377] : memref<256x128xi32, #tpu.memory_space<vmem>> -> memref<128x128xi32, #tpu.memory_space<vmem>>
    %dma_wait3A_379 = arith.constant 0 : i32
    %dma_wait3A_380 = tpu.memref_slice %arg11[%dma_wait3A_375, %dma_wait3A_379] : memref<2x128xi32, #tpu.memory_space<vmem>> -> memref<1x128xi32, #tpu.memory_space<vmem>>
    %dma_wait3A_381 = tpu.memref_squeeze %dma_wait3A_380 : memref<1x128xi32, #tpu.memory_space<vmem>> -> memref<128xi32, #tpu.memory_space<vmem>>
    %dma_wait3A_382 = arith.constant 0 : i32
    %dma_wait3A_383 = arith.constant 0 : i32
    %dma_wait3A_384 = tpu.memref_slice %arg6[%dma_wait3A_382, %dma_wait3A_383] : memref<4608x128xi32, #tpu.memory_space<hbm>> -> memref<4608x128xi32, #tpu.memory_space<hbm>>
    tpu.wait_indirect_dma semaphore(%arg13 : memref<!tpu.dma_semaphore, #tpu.memory_space<semaphore_mem>>) src(%dma_wait3A_378 : memref<128x128xi32, #tpu.memory_space<vmem>>) dst(%dma_wait3A_384 : memref<4608x128xi32, #tpu.memory_space<hbm>>)
    %dma_wait3A_385 = arith.constant 1 : i32
    %dma_wait3A_386 = arith.constant 128 : i32
    %dma_wait3A_387 = arith.constant 0 : i32
    %dma_wait3A_388 = tpu.memref_slice %arg12[%dma_wait3A_386, %dma_wait3A_387] : memref<256x128xi32, #tpu.memory_space<vmem>> -> memref<128x128xi32, #tpu.memory_space<vmem>>
    %dma_wait3A_389 = arith.constant 0 : i32
    %dma_wait3A_390 = tpu.memref_slice %arg11[%dma_wait3A_385, %dma_wait3A_389] : memref<2x128xi32, #tpu.memory_space<vmem>> -> memref<1x128xi32, #tpu.memory_space<vmem>>
    %dma_wait3A_391 = tpu.memref_squeeze %dma_wait3A_390 : memref<1x128xi32, #tpu.memory_space<vmem>> -> memref<128xi32, #tpu.memory_space<vmem>>
    %dma_wait3A_392 = arith.constant 0 : i32
    %dma_wait3A_393 = arith.constant 0 : i32
    %dma_wait3A_394 = tpu.memref_slice %arg6[%dma_wait3A_392, %dma_wait3A_393] : memref<4608x128xi32, #tpu.memory_space<hbm>> -> memref<4608x128xi32, #tpu.memory_space<hbm>>
    tpu.wait_indirect_dma semaphore(%arg14 : memref<!tpu.dma_semaphore, #tpu.memory_space<semaphore_mem>>) src(%dma_wait3A_388 : memref<128x128xi32, #tpu.memory_space<vmem>>) dst(%dma_wait3A_394 : memref<4608x128xi32, #tpu.memory_space<hbm>>)
    return
  }
}

module attributes {stable_mosaic.version = 14 : i64} {
  func.func @_tc_body(%arg0: i32, %arg1: memref<512x1536xf32, #tpu.memory_space<vmem>>, %arg2: memref<512x128xi32, #tpu.memory_space<vmem>>, %arg3: memref<512x128xi32, #tpu.memory_space<vmem>>, %arg4: memref<512x512xi8, #tpu.memory_space<vmem>>, %arg5: memref<512x512xi8, #tpu.memory_space<vmem>>) attributes {dimension_semantics = [#tpu.dimension_semantics<arbitrary>], iteration_bounds = array<i64: 8>, scalar_prefetch = 0 : i64, scratch_operands = 0 : i64, tpu.core_type = #tpu.core_type<tc>, window_params = [{transform_indices = @transform_0, window_bounds = array<i64: 512, 1536>}, {transform_indices = @transform_1, window_bounds = array<i64: 512, 128>}, {transform_indices = @transform_2, window_bounds = array<i64: 512, 128>}, {transform_indices = @transform_3, window_bounds = array<i64: 512, 512>}, {transform_indices = @transform_4, window_bounds = array<i64: 512, 512>}]} {
    %get3A = arith.constant 0 : index
    %get3A_0 = arith.constant 0 : index
    %get3A_1 = vector.load %arg1[%get3A, %get3A_0] : memref<512x1536xf32, #tpu.memory_space<vmem>>, vector<512x1536xf32>
    %bitcast_convert_type3A = tpu.bitcast %get3A_1 : vector<512x1536xf32> -> vector<512x1536xi32>
    %iota3A = tpu.iota {dimensions = array<i32: 1>} : vector<1x128xi32>
    %iota3A_2 = vector.shape_cast %iota3A : vector<1x128xi32> to vector<128xi32>
    %broadcast_in_dim3A = vector.shape_cast %iota3A_2 : vector<128xi32> to vector<1x128xi32>
    %broadcast_in_dim3A_3 = arith.constant 0 : i32
    %broadcast_in_dim3A_4 = vector.broadcast %broadcast_in_dim3A_3 : i32 to vector<512x128xi32>
    %slice3A = vector.extract_strided_slice %bitcast_convert_type3A {offsets = [0, 0], sizes = [512, 128], strides = [1, 1]} : vector<512x1536xi32> to vector<512x128xi32>
    %mul3A = arith.constant 3 : i32
    %mul3A_5 = vector.broadcast %mul3A : i32 to vector<1x128xi32>
    %mul3A_6 = arith.muli %mul3A_5, %broadcast_in_dim3A : vector<1x128xi32>
    %add3A = arith.constant 0 : i32
    %add3A_7 = vector.broadcast %add3A : i32 to vector<1x128xi32>
    %add3A_8 = arith.addi %mul3A_6, %add3A_7 : vector<1x128xi32>
    %sub3A = arith.constant 0 : i32
    %sub3A_9 = vector.broadcast %sub3A : i32 to vector<1x128xi32>
    %sub3A_10 = arith.subi %add3A_8, %sub3A_9 : vector<1x128xi32>
    %ge3A = arith.constant 0 : i32
    %ge3A_11 = vector.broadcast %ge3A : i32 to vector<1x128xi32>
    %ge3A_12 = arith.cmpi sge, %sub3A_10, %ge3A_11 : vector<1x128xi32>
    %lt3A = arith.constant 128 : i32
    %lt3A_13 = vector.broadcast %lt3A : i32 to vector<1x128xi32>
    %lt3A_14 = arith.cmpi slt, %sub3A_10, %lt3A_13 : vector<1x128xi32>
    %and3A = arith.andi %ge3A_12, %lt3A_14 : vector<1x128xi1>
    %jit3A = arith.constant 0 : i32
    %jit3A_15 = arith.constant 127 : i32
    %max3A = vector.broadcast %jit3A : i32 to vector<1x128xi32>
    %max3A_16 = arith.maxsi %max3A, %sub3A_10 : vector<1x128xi32>
    %min3A = vector.broadcast %jit3A_15 : i32 to vector<1x128xi32>
    %min3A_17 = arith.minsi %min3A, %max3A_16 : vector<1x128xi32>
    %broadcast_in_dim3A_18 = vector.shape_cast %min3A_17 : vector<1x128xi32> to vector<1x128xi32>
    %broadcast_in_dim3A_19 = vector.broadcast %broadcast_in_dim3A_18 : vector<1x128xi32> to vector<512x128xi32>
    %lt3A_20 = arith.constant 0 : i32
    %lt3A_21 = vector.broadcast %lt3A_20 : i32 to vector<512x128xi32>
    %lt3A_22 = arith.cmpi slt, %broadcast_in_dim3A_19, %lt3A_21 : vector<512x128xi32>
    %add3A_23 = arith.constant 128 : i32
    %add3A_24 = vector.broadcast %add3A_23 : i32 to vector<512x128xi32>
    %add3A_25 = arith.addi %broadcast_in_dim3A_19, %add3A_24 : vector<512x128xi32>
    %select_n3A = arith.select %lt3A_22, %add3A_25, %broadcast_in_dim3A_19 : vector<512x128xi1>, vector<512x128xi32>
    %reshape3A = vector.shape_cast %select_n3A : vector<512x128xi32> to vector<512x128x1xi32>
    %gather3A = vector.shape_cast %reshape3A : vector<512x128x1xi32> to vector<512x128xi32>
    %gather3A_26 = tpu.dynamic_gather %slice3A[%gather3A] in [1] : vector<512x128xi32>, vector<512x128xi32> -> vector<512x128xi32>
    %broadcast_in_dim3A_27 = vector.shape_cast %and3A : vector<1x128xi1> to vector<1x128xi1>
    %broadcast_in_dim3A_28 = vector.broadcast %broadcast_in_dim3A_27 : vector<1x128xi1> to vector<512x128xi1>
    %jit3A_29 = arith.constant 0 : i32
    %broadcast_in_dim3A_30 = vector.broadcast %jit3A_29 : i32 to vector<512x128xi32>
    %select_n3A_31 = arith.select %broadcast_in_dim3A_28, %gather3A_26, %broadcast_in_dim3A_30 : vector<512x128xi1>, vector<512x128xi32>
    %or3A = arith.ori %broadcast_in_dim3A_4, %select_n3A_31 : vector<512x128xi32>
    %mul3A_32 = arith.constant 3 : i32
    %mul3A_33 = vector.broadcast %mul3A_32 : i32 to vector<1x128xi32>
    %mul3A_34 = arith.muli %mul3A_33, %broadcast_in_dim3A : vector<1x128xi32>
    %add3A_35 = arith.constant 1 : i32
    %add3A_36 = vector.broadcast %add3A_35 : i32 to vector<1x128xi32>
    %add3A_37 = arith.addi %mul3A_34, %add3A_36 : vector<1x128xi32>
    %sub3A_38 = arith.constant 0 : i32
    %sub3A_39 = vector.broadcast %sub3A_38 : i32 to vector<1x128xi32>
    %sub3A_40 = arith.subi %add3A_37, %sub3A_39 : vector<1x128xi32>
    %ge3A_41 = arith.constant 0 : i32
    %ge3A_42 = vector.broadcast %ge3A_41 : i32 to vector<1x128xi32>
    %ge3A_43 = arith.cmpi sge, %sub3A_40, %ge3A_42 : vector<1x128xi32>
    %lt3A_44 = arith.constant 128 : i32
    %lt3A_45 = vector.broadcast %lt3A_44 : i32 to vector<1x128xi32>
    %lt3A_46 = arith.cmpi slt, %sub3A_40, %lt3A_45 : vector<1x128xi32>
    %and3A_47 = arith.andi %ge3A_43, %lt3A_46 : vector<1x128xi1>
    %jit3A_48 = arith.constant 0 : i32
    %jit3A_49 = arith.constant 127 : i32
    %max3A_50 = vector.broadcast %jit3A_48 : i32 to vector<1x128xi32>
    %max3A_51 = arith.maxsi %max3A_50, %sub3A_40 : vector<1x128xi32>
    %min3A_52 = vector.broadcast %jit3A_49 : i32 to vector<1x128xi32>
    %min3A_53 = arith.minsi %min3A_52, %max3A_51 : vector<1x128xi32>
    %broadcast_in_dim3A_54 = vector.shape_cast %min3A_53 : vector<1x128xi32> to vector<1x128xi32>
    %broadcast_in_dim3A_55 = vector.broadcast %broadcast_in_dim3A_54 : vector<1x128xi32> to vector<512x128xi32>
    %lt3A_56 = arith.constant 0 : i32
    %lt3A_57 = vector.broadcast %lt3A_56 : i32 to vector<512x128xi32>
    %lt3A_58 = arith.cmpi slt, %broadcast_in_dim3A_55, %lt3A_57 : vector<512x128xi32>
    %add3A_59 = arith.constant 128 : i32
    %add3A_60 = vector.broadcast %add3A_59 : i32 to vector<512x128xi32>
    %add3A_61 = arith.addi %broadcast_in_dim3A_55, %add3A_60 : vector<512x128xi32>
    %select_n3A_62 = arith.select %lt3A_58, %add3A_61, %broadcast_in_dim3A_55 : vector<512x128xi1>, vector<512x128xi32>
    %reshape3A_63 = vector.shape_cast %select_n3A_62 : vector<512x128xi32> to vector<512x128x1xi32>
    %gather3A_64 = vector.shape_cast %reshape3A_63 : vector<512x128x1xi32> to vector<512x128xi32>
    %gather3A_65 = tpu.dynamic_gather %slice3A[%gather3A_64] in [1] : vector<512x128xi32>, vector<512x128xi32> -> vector<512x128xi32>
    %broadcast_in_dim3A_66 = vector.shape_cast %and3A_47 : vector<1x128xi1> to vector<1x128xi1>
    %broadcast_in_dim3A_67 = vector.broadcast %broadcast_in_dim3A_66 : vector<1x128xi1> to vector<512x128xi1>
    %jit3A_68 = arith.constant 0 : i32
    %broadcast_in_dim3A_69 = vector.broadcast %jit3A_68 : i32 to vector<512x128xi32>
    %select_n3A_70 = arith.select %broadcast_in_dim3A_67, %gather3A_65, %broadcast_in_dim3A_69 : vector<512x128xi1>, vector<512x128xi32>
    %or3A_71 = arith.ori %or3A, %select_n3A_70 : vector<512x128xi32>
    %mul3A_72 = arith.constant 3 : i32
    %mul3A_73 = vector.broadcast %mul3A_72 : i32 to vector<1x128xi32>
    %mul3A_74 = arith.muli %mul3A_73, %broadcast_in_dim3A : vector<1x128xi32>
    %add3A_75 = arith.constant 2 : i32
    %add3A_76 = vector.broadcast %add3A_75 : i32 to vector<1x128xi32>
    %add3A_77 = arith.addi %mul3A_74, %add3A_76 : vector<1x128xi32>
    %sub3A_78 = arith.constant 0 : i32
    %sub3A_79 = vector.broadcast %sub3A_78 : i32 to vector<1x128xi32>
    %sub3A_80 = arith.subi %add3A_77, %sub3A_79 : vector<1x128xi32>
    %ge3A_81 = arith.constant 0 : i32
    %ge3A_82 = vector.broadcast %ge3A_81 : i32 to vector<1x128xi32>
    %ge3A_83 = arith.cmpi sge, %sub3A_80, %ge3A_82 : vector<1x128xi32>
    %lt3A_84 = arith.constant 128 : i32
    %lt3A_85 = vector.broadcast %lt3A_84 : i32 to vector<1x128xi32>
    %lt3A_86 = arith.cmpi slt, %sub3A_80, %lt3A_85 : vector<1x128xi32>
    %and3A_87 = arith.andi %ge3A_83, %lt3A_86 : vector<1x128xi1>
    %jit3A_88 = arith.constant 0 : i32
    %jit3A_89 = arith.constant 127 : i32
    %max3A_90 = vector.broadcast %jit3A_88 : i32 to vector<1x128xi32>
    %max3A_91 = arith.maxsi %max3A_90, %sub3A_80 : vector<1x128xi32>
    %min3A_92 = vector.broadcast %jit3A_89 : i32 to vector<1x128xi32>
    %min3A_93 = arith.minsi %min3A_92, %max3A_91 : vector<1x128xi32>
    %broadcast_in_dim3A_94 = vector.shape_cast %min3A_93 : vector<1x128xi32> to vector<1x128xi32>
    %broadcast_in_dim3A_95 = vector.broadcast %broadcast_in_dim3A_94 : vector<1x128xi32> to vector<512x128xi32>
    %lt3A_96 = arith.constant 0 : i32
    %lt3A_97 = vector.broadcast %lt3A_96 : i32 to vector<512x128xi32>
    %lt3A_98 = arith.cmpi slt, %broadcast_in_dim3A_95, %lt3A_97 : vector<512x128xi32>
    %add3A_99 = arith.constant 128 : i32
    %add3A_100 = vector.broadcast %add3A_99 : i32 to vector<512x128xi32>
    %add3A_101 = arith.addi %broadcast_in_dim3A_95, %add3A_100 : vector<512x128xi32>
    %select_n3A_102 = arith.select %lt3A_98, %add3A_101, %broadcast_in_dim3A_95 : vector<512x128xi1>, vector<512x128xi32>
    %reshape3A_103 = vector.shape_cast %select_n3A_102 : vector<512x128xi32> to vector<512x128x1xi32>
    %gather3A_104 = vector.shape_cast %reshape3A_103 : vector<512x128x1xi32> to vector<512x128xi32>
    %gather3A_105 = tpu.dynamic_gather %slice3A[%gather3A_104] in [1] : vector<512x128xi32>, vector<512x128xi32> -> vector<512x128xi32>
    %broadcast_in_dim3A_106 = vector.shape_cast %and3A_87 : vector<1x128xi1> to vector<1x128xi1>
    %broadcast_in_dim3A_107 = vector.broadcast %broadcast_in_dim3A_106 : vector<1x128xi1> to vector<512x128xi1>
    %jit3A_108 = arith.constant 0 : i32
    %broadcast_in_dim3A_109 = vector.broadcast %jit3A_108 : i32 to vector<512x128xi32>
    %select_n3A_110 = arith.select %broadcast_in_dim3A_107, %gather3A_105, %broadcast_in_dim3A_109 : vector<512x128xi1>, vector<512x128xi32>
    %or3A_111 = arith.ori %or3A_71, %select_n3A_110 : vector<512x128xi32>
    %slice3A_112 = vector.extract_strided_slice %bitcast_convert_type3A {offsets = [0, 128], sizes = [512, 128], strides = [1, 1]} : vector<512x1536xi32> to vector<512x128xi32>
    %mul3A_113 = arith.constant 3 : i32
    %mul3A_114 = vector.broadcast %mul3A_113 : i32 to vector<1x128xi32>
    %mul3A_115 = arith.muli %mul3A_114, %broadcast_in_dim3A : vector<1x128xi32>
    %add3A_116 = arith.constant 0 : i32
    %add3A_117 = vector.broadcast %add3A_116 : i32 to vector<1x128xi32>
    %add3A_118 = arith.addi %mul3A_115, %add3A_117 : vector<1x128xi32>
    %sub3A_119 = arith.constant 128 : i32
    %sub3A_120 = vector.broadcast %sub3A_119 : i32 to vector<1x128xi32>
    %sub3A_121 = arith.subi %add3A_118, %sub3A_120 : vector<1x128xi32>
    %ge3A_122 = arith.constant 0 : i32
    %ge3A_123 = vector.broadcast %ge3A_122 : i32 to vector<1x128xi32>
    %ge3A_124 = arith.cmpi sge, %sub3A_121, %ge3A_123 : vector<1x128xi32>
    %lt3A_125 = arith.constant 128 : i32
    %lt3A_126 = vector.broadcast %lt3A_125 : i32 to vector<1x128xi32>
    %lt3A_127 = arith.cmpi slt, %sub3A_121, %lt3A_126 : vector<1x128xi32>
    %and3A_128 = arith.andi %ge3A_124, %lt3A_127 : vector<1x128xi1>
    %jit3A_129 = arith.constant 0 : i32
    %jit3A_130 = arith.constant 127 : i32
    %max3A_131 = vector.broadcast %jit3A_129 : i32 to vector<1x128xi32>
    %max3A_132 = arith.maxsi %max3A_131, %sub3A_121 : vector<1x128xi32>
    %min3A_133 = vector.broadcast %jit3A_130 : i32 to vector<1x128xi32>
    %min3A_134 = arith.minsi %min3A_133, %max3A_132 : vector<1x128xi32>
    %broadcast_in_dim3A_135 = vector.shape_cast %min3A_134 : vector<1x128xi32> to vector<1x128xi32>
    %broadcast_in_dim3A_136 = vector.broadcast %broadcast_in_dim3A_135 : vector<1x128xi32> to vector<512x128xi32>
    %lt3A_137 = arith.constant 0 : i32
    %lt3A_138 = vector.broadcast %lt3A_137 : i32 to vector<512x128xi32>
    %lt3A_139 = arith.cmpi slt, %broadcast_in_dim3A_136, %lt3A_138 : vector<512x128xi32>
    %add3A_140 = arith.constant 128 : i32
    %add3A_141 = vector.broadcast %add3A_140 : i32 to vector<512x128xi32>
    %add3A_142 = arith.addi %broadcast_in_dim3A_136, %add3A_141 : vector<512x128xi32>
    %select_n3A_143 = arith.select %lt3A_139, %add3A_142, %broadcast_in_dim3A_136 : vector<512x128xi1>, vector<512x128xi32>
    %reshape3A_144 = vector.shape_cast %select_n3A_143 : vector<512x128xi32> to vector<512x128x1xi32>
    %gather3A_145 = vector.shape_cast %reshape3A_144 : vector<512x128x1xi32> to vector<512x128xi32>
    %gather3A_146 = tpu.dynamic_gather %slice3A_112[%gather3A_145] in [1] : vector<512x128xi32>, vector<512x128xi32> -> vector<512x128xi32>
    %broadcast_in_dim3A_147 = vector.shape_cast %and3A_128 : vector<1x128xi1> to vector<1x128xi1>
    %broadcast_in_dim3A_148 = vector.broadcast %broadcast_in_dim3A_147 : vector<1x128xi1> to vector<512x128xi1>
    %jit3A_149 = arith.constant 0 : i32
    %broadcast_in_dim3A_150 = vector.broadcast %jit3A_149 : i32 to vector<512x128xi32>
    %select_n3A_151 = arith.select %broadcast_in_dim3A_148, %gather3A_146, %broadcast_in_dim3A_150 : vector<512x128xi1>, vector<512x128xi32>
    %or3A_152 = arith.ori %or3A_111, %select_n3A_151 : vector<512x128xi32>
    %mul3A_153 = arith.constant 3 : i32
    %mul3A_154 = vector.broadcast %mul3A_153 : i32 to vector<1x128xi32>
    %mul3A_155 = arith.muli %mul3A_154, %broadcast_in_dim3A : vector<1x128xi32>
    %add3A_156 = arith.constant 1 : i32
    %add3A_157 = vector.broadcast %add3A_156 : i32 to vector<1x128xi32>
    %add3A_158 = arith.addi %mul3A_155, %add3A_157 : vector<1x128xi32>
    %sub3A_159 = arith.constant 128 : i32
    %sub3A_160 = vector.broadcast %sub3A_159 : i32 to vector<1x128xi32>
    %sub3A_161 = arith.subi %add3A_158, %sub3A_160 : vector<1x128xi32>
    %ge3A_162 = arith.constant 0 : i32
    %ge3A_163 = vector.broadcast %ge3A_162 : i32 to vector<1x128xi32>
    %ge3A_164 = arith.cmpi sge, %sub3A_161, %ge3A_163 : vector<1x128xi32>
    %lt3A_165 = arith.constant 128 : i32
    %lt3A_166 = vector.broadcast %lt3A_165 : i32 to vector<1x128xi32>
    %lt3A_167 = arith.cmpi slt, %sub3A_161, %lt3A_166 : vector<1x128xi32>
    %and3A_168 = arith.andi %ge3A_164, %lt3A_167 : vector<1x128xi1>
    %jit3A_169 = arith.constant 0 : i32
    %jit3A_170 = arith.constant 127 : i32
    %max3A_171 = vector.broadcast %jit3A_169 : i32 to vector<1x128xi32>
    %max3A_172 = arith.maxsi %max3A_171, %sub3A_161 : vector<1x128xi32>
    %min3A_173 = vector.broadcast %jit3A_170 : i32 to vector<1x128xi32>
    %min3A_174 = arith.minsi %min3A_173, %max3A_172 : vector<1x128xi32>
    %broadcast_in_dim3A_175 = vector.shape_cast %min3A_174 : vector<1x128xi32> to vector<1x128xi32>
    %broadcast_in_dim3A_176 = vector.broadcast %broadcast_in_dim3A_175 : vector<1x128xi32> to vector<512x128xi32>
    %lt3A_177 = arith.constant 0 : i32
    %lt3A_178 = vector.broadcast %lt3A_177 : i32 to vector<512x128xi32>
    %lt3A_179 = arith.cmpi slt, %broadcast_in_dim3A_176, %lt3A_178 : vector<512x128xi32>
    %add3A_180 = arith.constant 128 : i32
    %add3A_181 = vector.broadcast %add3A_180 : i32 to vector<512x128xi32>
    %add3A_182 = arith.addi %broadcast_in_dim3A_176, %add3A_181 : vector<512x128xi32>
    %select_n3A_183 = arith.select %lt3A_179, %add3A_182, %broadcast_in_dim3A_176 : vector<512x128xi1>, vector<512x128xi32>
    %reshape3A_184 = vector.shape_cast %select_n3A_183 : vector<512x128xi32> to vector<512x128x1xi32>
    %gather3A_185 = vector.shape_cast %reshape3A_184 : vector<512x128x1xi32> to vector<512x128xi32>
    %gather3A_186 = tpu.dynamic_gather %slice3A_112[%gather3A_185] in [1] : vector<512x128xi32>, vector<512x128xi32> -> vector<512x128xi32>
    %broadcast_in_dim3A_187 = vector.shape_cast %and3A_168 : vector<1x128xi1> to vector<1x128xi1>
    %broadcast_in_dim3A_188 = vector.broadcast %broadcast_in_dim3A_187 : vector<1x128xi1> to vector<512x128xi1>
    %jit3A_189 = arith.constant 0 : i32
    %broadcast_in_dim3A_190 = vector.broadcast %jit3A_189 : i32 to vector<512x128xi32>
    %select_n3A_191 = arith.select %broadcast_in_dim3A_188, %gather3A_186, %broadcast_in_dim3A_190 : vector<512x128xi1>, vector<512x128xi32>
    %or3A_192 = arith.ori %or3A_152, %select_n3A_191 : vector<512x128xi32>
    %mul3A_193 = arith.constant 3 : i32
    %mul3A_194 = vector.broadcast %mul3A_193 : i32 to vector<1x128xi32>
    %mul3A_195 = arith.muli %mul3A_194, %broadcast_in_dim3A : vector<1x128xi32>
    %add3A_196 = arith.constant 2 : i32
    %add3A_197 = vector.broadcast %add3A_196 : i32 to vector<1x128xi32>
    %add3A_198 = arith.addi %mul3A_195, %add3A_197 : vector<1x128xi32>
    %sub3A_199 = arith.constant 128 : i32
    %sub3A_200 = vector.broadcast %sub3A_199 : i32 to vector<1x128xi32>
    %sub3A_201 = arith.subi %add3A_198, %sub3A_200 : vector<1x128xi32>
    %ge3A_202 = arith.constant 0 : i32
    %ge3A_203 = vector.broadcast %ge3A_202 : i32 to vector<1x128xi32>
    %ge3A_204 = arith.cmpi sge, %sub3A_201, %ge3A_203 : vector<1x128xi32>
    %lt3A_205 = arith.constant 128 : i32
    %lt3A_206 = vector.broadcast %lt3A_205 : i32 to vector<1x128xi32>
    %lt3A_207 = arith.cmpi slt, %sub3A_201, %lt3A_206 : vector<1x128xi32>
    %and3A_208 = arith.andi %ge3A_204, %lt3A_207 : vector<1x128xi1>
    %jit3A_209 = arith.constant 0 : i32
    %jit3A_210 = arith.constant 127 : i32
    %max3A_211 = vector.broadcast %jit3A_209 : i32 to vector<1x128xi32>
    %max3A_212 = arith.maxsi %max3A_211, %sub3A_201 : vector<1x128xi32>
    %min3A_213 = vector.broadcast %jit3A_210 : i32 to vector<1x128xi32>
    %min3A_214 = arith.minsi %min3A_213, %max3A_212 : vector<1x128xi32>
    %broadcast_in_dim3A_215 = vector.shape_cast %min3A_214 : vector<1x128xi32> to vector<1x128xi32>
    %broadcast_in_dim3A_216 = vector.broadcast %broadcast_in_dim3A_215 : vector<1x128xi32> to vector<512x128xi32>
    %lt3A_217 = arith.constant 0 : i32
    %lt3A_218 = vector.broadcast %lt3A_217 : i32 to vector<512x128xi32>
    %lt3A_219 = arith.cmpi slt, %broadcast_in_dim3A_216, %lt3A_218 : vector<512x128xi32>
    %add3A_220 = arith.constant 128 : i32
    %add3A_221 = vector.broadcast %add3A_220 : i32 to vector<512x128xi32>
    %add3A_222 = arith.addi %broadcast_in_dim3A_216, %add3A_221 : vector<512x128xi32>
    %select_n3A_223 = arith.select %lt3A_219, %add3A_222, %broadcast_in_dim3A_216 : vector<512x128xi1>, vector<512x128xi32>
    %reshape3A_224 = vector.shape_cast %select_n3A_223 : vector<512x128xi32> to vector<512x128x1xi32>
    %gather3A_225 = vector.shape_cast %reshape3A_224 : vector<512x128x1xi32> to vector<512x128xi32>
    %gather3A_226 = tpu.dynamic_gather %slice3A_112[%gather3A_225] in [1] : vector<512x128xi32>, vector<512x128xi32> -> vector<512x128xi32>
    %broadcast_in_dim3A_227 = vector.shape_cast %and3A_208 : vector<1x128xi1> to vector<1x128xi1>
    %broadcast_in_dim3A_228 = vector.broadcast %broadcast_in_dim3A_227 : vector<1x128xi1> to vector<512x128xi1>
    %jit3A_229 = arith.constant 0 : i32
    %broadcast_in_dim3A_230 = vector.broadcast %jit3A_229 : i32 to vector<512x128xi32>
    %select_n3A_231 = arith.select %broadcast_in_dim3A_228, %gather3A_226, %broadcast_in_dim3A_230 : vector<512x128xi1>, vector<512x128xi32>
    %or3A_232 = arith.ori %or3A_192, %select_n3A_231 : vector<512x128xi32>
    %slice3A_233 = vector.extract_strided_slice %bitcast_convert_type3A {offsets = [0, 256], sizes = [512, 128], strides = [1, 1]} : vector<512x1536xi32> to vector<512x128xi32>
    %mul3A_234 = arith.constant 3 : i32
    %mul3A_235 = vector.broadcast %mul3A_234 : i32 to vector<1x128xi32>
    %mul3A_236 = arith.muli %mul3A_235, %broadcast_in_dim3A : vector<1x128xi32>
    %add3A_237 = arith.constant 0 : i32
    %add3A_238 = vector.broadcast %add3A_237 : i32 to vector<1x128xi32>
    %add3A_239 = arith.addi %mul3A_236, %add3A_238 : vector<1x128xi32>
    %sub3A_240 = arith.constant 256 : i32
    %sub3A_241 = vector.broadcast %sub3A_240 : i32 to vector<1x128xi32>
    %sub3A_242 = arith.subi %add3A_239, %sub3A_241 : vector<1x128xi32>
    %ge3A_243 = arith.constant 0 : i32
    %ge3A_244 = vector.broadcast %ge3A_243 : i32 to vector<1x128xi32>
    %ge3A_245 = arith.cmpi sge, %sub3A_242, %ge3A_244 : vector<1x128xi32>
    %lt3A_246 = arith.constant 128 : i32
    %lt3A_247 = vector.broadcast %lt3A_246 : i32 to vector<1x128xi32>
    %lt3A_248 = arith.cmpi slt, %sub3A_242, %lt3A_247 : vector<1x128xi32>
    %and3A_249 = arith.andi %ge3A_245, %lt3A_248 : vector<1x128xi1>
    %jit3A_250 = arith.constant 0 : i32
    %jit3A_251 = arith.constant 127 : i32
    %max3A_252 = vector.broadcast %jit3A_250 : i32 to vector<1x128xi32>
    %max3A_253 = arith.maxsi %max3A_252, %sub3A_242 : vector<1x128xi32>
    %min3A_254 = vector.broadcast %jit3A_251 : i32 to vector<1x128xi32>
    %min3A_255 = arith.minsi %min3A_254, %max3A_253 : vector<1x128xi32>
    %broadcast_in_dim3A_256 = vector.shape_cast %min3A_255 : vector<1x128xi32> to vector<1x128xi32>
    %broadcast_in_dim3A_257 = vector.broadcast %broadcast_in_dim3A_256 : vector<1x128xi32> to vector<512x128xi32>
    %lt3A_258 = arith.constant 0 : i32
    %lt3A_259 = vector.broadcast %lt3A_258 : i32 to vector<512x128xi32>
    %lt3A_260 = arith.cmpi slt, %broadcast_in_dim3A_257, %lt3A_259 : vector<512x128xi32>
    %add3A_261 = arith.constant 128 : i32
    %add3A_262 = vector.broadcast %add3A_261 : i32 to vector<512x128xi32>
    %add3A_263 = arith.addi %broadcast_in_dim3A_257, %add3A_262 : vector<512x128xi32>
    %select_n3A_264 = arith.select %lt3A_260, %add3A_263, %broadcast_in_dim3A_257 : vector<512x128xi1>, vector<512x128xi32>
    %reshape3A_265 = vector.shape_cast %select_n3A_264 : vector<512x128xi32> to vector<512x128x1xi32>
    %gather3A_266 = vector.shape_cast %reshape3A_265 : vector<512x128x1xi32> to vector<512x128xi32>
    %gather3A_267 = tpu.dynamic_gather %slice3A_233[%gather3A_266] in [1] : vector<512x128xi32>, vector<512x128xi32> -> vector<512x128xi32>
    %broadcast_in_dim3A_268 = vector.shape_cast %and3A_249 : vector<1x128xi1> to vector<1x128xi1>
    %broadcast_in_dim3A_269 = vector.broadcast %broadcast_in_dim3A_268 : vector<1x128xi1> to vector<512x128xi1>
    %jit3A_270 = arith.constant 0 : i32
    %broadcast_in_dim3A_271 = vector.broadcast %jit3A_270 : i32 to vector<512x128xi32>
    %select_n3A_272 = arith.select %broadcast_in_dim3A_269, %gather3A_267, %broadcast_in_dim3A_271 : vector<512x128xi1>, vector<512x128xi32>
    %or3A_273 = arith.ori %or3A_232, %select_n3A_272 : vector<512x128xi32>
    %mul3A_274 = arith.constant 3 : i32
    %mul3A_275 = vector.broadcast %mul3A_274 : i32 to vector<1x128xi32>
    %mul3A_276 = arith.muli %mul3A_275, %broadcast_in_dim3A : vector<1x128xi32>
    %add3A_277 = arith.constant 1 : i32
    %add3A_278 = vector.broadcast %add3A_277 : i32 to vector<1x128xi32>
    %add3A_279 = arith.addi %mul3A_276, %add3A_278 : vector<1x128xi32>
    %sub3A_280 = arith.constant 256 : i32
    %sub3A_281 = vector.broadcast %sub3A_280 : i32 to vector<1x128xi32>
    %sub3A_282 = arith.subi %add3A_279, %sub3A_281 : vector<1x128xi32>
    %ge3A_283 = arith.constant 0 : i32
    %ge3A_284 = vector.broadcast %ge3A_283 : i32 to vector<1x128xi32>
    %ge3A_285 = arith.cmpi sge, %sub3A_282, %ge3A_284 : vector<1x128xi32>
    %lt3A_286 = arith.constant 128 : i32
    %lt3A_287 = vector.broadcast %lt3A_286 : i32 to vector<1x128xi32>
    %lt3A_288 = arith.cmpi slt, %sub3A_282, %lt3A_287 : vector<1x128xi32>
    %and3A_289 = arith.andi %ge3A_285, %lt3A_288 : vector<1x128xi1>
    %jit3A_290 = arith.constant 0 : i32
    %jit3A_291 = arith.constant 127 : i32
    %max3A_292 = vector.broadcast %jit3A_290 : i32 to vector<1x128xi32>
    %max3A_293 = arith.maxsi %max3A_292, %sub3A_282 : vector<1x128xi32>
    %min3A_294 = vector.broadcast %jit3A_291 : i32 to vector<1x128xi32>
    %min3A_295 = arith.minsi %min3A_294, %max3A_293 : vector<1x128xi32>
    %broadcast_in_dim3A_296 = vector.shape_cast %min3A_295 : vector<1x128xi32> to vector<1x128xi32>
    %broadcast_in_dim3A_297 = vector.broadcast %broadcast_in_dim3A_296 : vector<1x128xi32> to vector<512x128xi32>
    %lt3A_298 = arith.constant 0 : i32
    %lt3A_299 = vector.broadcast %lt3A_298 : i32 to vector<512x128xi32>
    %lt3A_300 = arith.cmpi slt, %broadcast_in_dim3A_297, %lt3A_299 : vector<512x128xi32>
    %add3A_301 = arith.constant 128 : i32
    %add3A_302 = vector.broadcast %add3A_301 : i32 to vector<512x128xi32>
    %add3A_303 = arith.addi %broadcast_in_dim3A_297, %add3A_302 : vector<512x128xi32>
    %select_n3A_304 = arith.select %lt3A_300, %add3A_303, %broadcast_in_dim3A_297 : vector<512x128xi1>, vector<512x128xi32>
    %reshape3A_305 = vector.shape_cast %select_n3A_304 : vector<512x128xi32> to vector<512x128x1xi32>
    %gather3A_306 = vector.shape_cast %reshape3A_305 : vector<512x128x1xi32> to vector<512x128xi32>
    %gather3A_307 = tpu.dynamic_gather %slice3A_233[%gather3A_306] in [1] : vector<512x128xi32>, vector<512x128xi32> -> vector<512x128xi32>
    %broadcast_in_dim3A_308 = vector.shape_cast %and3A_289 : vector<1x128xi1> to vector<1x128xi1>
    %broadcast_in_dim3A_309 = vector.broadcast %broadcast_in_dim3A_308 : vector<1x128xi1> to vector<512x128xi1>
    %jit3A_310 = arith.constant 0 : i32
    %broadcast_in_dim3A_311 = vector.broadcast %jit3A_310 : i32 to vector<512x128xi32>
    %select_n3A_312 = arith.select %broadcast_in_dim3A_309, %gather3A_307, %broadcast_in_dim3A_311 : vector<512x128xi1>, vector<512x128xi32>
    %or3A_313 = arith.ori %or3A_273, %select_n3A_312 : vector<512x128xi32>
    %mul3A_314 = arith.constant 3 : i32
    %mul3A_315 = vector.broadcast %mul3A_314 : i32 to vector<1x128xi32>
    %mul3A_316 = arith.muli %mul3A_315, %broadcast_in_dim3A : vector<1x128xi32>
    %add3A_317 = arith.constant 2 : i32
    %add3A_318 = vector.broadcast %add3A_317 : i32 to vector<1x128xi32>
    %add3A_319 = arith.addi %mul3A_316, %add3A_318 : vector<1x128xi32>
    %sub3A_320 = arith.constant 256 : i32
    %sub3A_321 = vector.broadcast %sub3A_320 : i32 to vector<1x128xi32>
    %sub3A_322 = arith.subi %add3A_319, %sub3A_321 : vector<1x128xi32>
    %ge3A_323 = arith.constant 0 : i32
    %ge3A_324 = vector.broadcast %ge3A_323 : i32 to vector<1x128xi32>
    %ge3A_325 = arith.cmpi sge, %sub3A_322, %ge3A_324 : vector<1x128xi32>
    %lt3A_326 = arith.constant 128 : i32
    %lt3A_327 = vector.broadcast %lt3A_326 : i32 to vector<1x128xi32>
    %lt3A_328 = arith.cmpi slt, %sub3A_322, %lt3A_327 : vector<1x128xi32>
    %and3A_329 = arith.andi %ge3A_325, %lt3A_328 : vector<1x128xi1>
    %jit3A_330 = arith.constant 0 : i32
    %jit3A_331 = arith.constant 127 : i32
    %max3A_332 = vector.broadcast %jit3A_330 : i32 to vector<1x128xi32>
    %max3A_333 = arith.maxsi %max3A_332, %sub3A_322 : vector<1x128xi32>
    %min3A_334 = vector.broadcast %jit3A_331 : i32 to vector<1x128xi32>
    %min3A_335 = arith.minsi %min3A_334, %max3A_333 : vector<1x128xi32>
    %broadcast_in_dim3A_336 = vector.shape_cast %min3A_335 : vector<1x128xi32> to vector<1x128xi32>
    %broadcast_in_dim3A_337 = vector.broadcast %broadcast_in_dim3A_336 : vector<1x128xi32> to vector<512x128xi32>
    %lt3A_338 = arith.constant 0 : i32
    %lt3A_339 = vector.broadcast %lt3A_338 : i32 to vector<512x128xi32>
    %lt3A_340 = arith.cmpi slt, %broadcast_in_dim3A_337, %lt3A_339 : vector<512x128xi32>
    %add3A_341 = arith.constant 128 : i32
    %add3A_342 = vector.broadcast %add3A_341 : i32 to vector<512x128xi32>
    %add3A_343 = arith.addi %broadcast_in_dim3A_337, %add3A_342 : vector<512x128xi32>
    %select_n3A_344 = arith.select %lt3A_340, %add3A_343, %broadcast_in_dim3A_337 : vector<512x128xi1>, vector<512x128xi32>
    %reshape3A_345 = vector.shape_cast %select_n3A_344 : vector<512x128xi32> to vector<512x128x1xi32>
    %gather3A_346 = vector.shape_cast %reshape3A_345 : vector<512x128x1xi32> to vector<512x128xi32>
    %gather3A_347 = tpu.dynamic_gather %slice3A_233[%gather3A_346] in [1] : vector<512x128xi32>, vector<512x128xi32> -> vector<512x128xi32>
    %broadcast_in_dim3A_348 = vector.shape_cast %and3A_329 : vector<1x128xi1> to vector<1x128xi1>
    %broadcast_in_dim3A_349 = vector.broadcast %broadcast_in_dim3A_348 : vector<1x128xi1> to vector<512x128xi1>
    %jit3A_350 = arith.constant 0 : i32
    %broadcast_in_dim3A_351 = vector.broadcast %jit3A_350 : i32 to vector<512x128xi32>
    %select_n3A_352 = arith.select %broadcast_in_dim3A_349, %gather3A_347, %broadcast_in_dim3A_351 : vector<512x128xi1>, vector<512x128xi32>
    %or3A_353 = arith.ori %or3A_313, %select_n3A_352 : vector<512x128xi32>
    %broadcast_in_dim3A_354 = arith.constant 0 : i32
    %broadcast_in_dim3A_355 = vector.broadcast %broadcast_in_dim3A_354 : i32 to vector<512x128xi32>
    %slice3A_356 = vector.extract_strided_slice %bitcast_convert_type3A {offsets = [0, 384], sizes = [512, 128], strides = [1, 1]} : vector<512x1536xi32> to vector<512x128xi32>
    %mul3A_357 = arith.constant 3 : i32
    %mul3A_358 = vector.broadcast %mul3A_357 : i32 to vector<1x128xi32>
    %mul3A_359 = arith.muli %mul3A_358, %broadcast_in_dim3A : vector<1x128xi32>
    %add3A_360 = arith.constant 0 : i32
    %add3A_361 = vector.broadcast %add3A_360 : i32 to vector<1x128xi32>
    %add3A_362 = arith.addi %mul3A_359, %add3A_361 : vector<1x128xi32>
    %sub3A_363 = arith.constant 0 : i32
    %sub3A_364 = vector.broadcast %sub3A_363 : i32 to vector<1x128xi32>
    %sub3A_365 = arith.subi %add3A_362, %sub3A_364 : vector<1x128xi32>
    %ge3A_366 = arith.constant 0 : i32
    %ge3A_367 = vector.broadcast %ge3A_366 : i32 to vector<1x128xi32>
    %ge3A_368 = arith.cmpi sge, %sub3A_365, %ge3A_367 : vector<1x128xi32>
    %lt3A_369 = arith.constant 128 : i32
    %lt3A_370 = vector.broadcast %lt3A_369 : i32 to vector<1x128xi32>
    %lt3A_371 = arith.cmpi slt, %sub3A_365, %lt3A_370 : vector<1x128xi32>
    %and3A_372 = arith.andi %ge3A_368, %lt3A_371 : vector<1x128xi1>
    %jit3A_373 = arith.constant 0 : i32
    %jit3A_374 = arith.constant 127 : i32
    %max3A_375 = vector.broadcast %jit3A_373 : i32 to vector<1x128xi32>
    %max3A_376 = arith.maxsi %max3A_375, %sub3A_365 : vector<1x128xi32>
    %min3A_377 = vector.broadcast %jit3A_374 : i32 to vector<1x128xi32>
    %min3A_378 = arith.minsi %min3A_377, %max3A_376 : vector<1x128xi32>
    %broadcast_in_dim3A_379 = vector.shape_cast %min3A_378 : vector<1x128xi32> to vector<1x128xi32>
    %broadcast_in_dim3A_380 = vector.broadcast %broadcast_in_dim3A_379 : vector<1x128xi32> to vector<512x128xi32>
    %lt3A_381 = arith.constant 0 : i32
    %lt3A_382 = vector.broadcast %lt3A_381 : i32 to vector<512x128xi32>
    %lt3A_383 = arith.cmpi slt, %broadcast_in_dim3A_380, %lt3A_382 : vector<512x128xi32>
    %add3A_384 = arith.constant 128 : i32
    %add3A_385 = vector.broadcast %add3A_384 : i32 to vector<512x128xi32>
    %add3A_386 = arith.addi %broadcast_in_dim3A_380, %add3A_385 : vector<512x128xi32>
    %select_n3A_387 = arith.select %lt3A_383, %add3A_386, %broadcast_in_dim3A_380 : vector<512x128xi1>, vector<512x128xi32>
    %reshape3A_388 = vector.shape_cast %select_n3A_387 : vector<512x128xi32> to vector<512x128x1xi32>
    %gather3A_389 = vector.shape_cast %reshape3A_388 : vector<512x128x1xi32> to vector<512x128xi32>
    %gather3A_390 = tpu.dynamic_gather %slice3A_356[%gather3A_389] in [1] : vector<512x128xi32>, vector<512x128xi32> -> vector<512x128xi32>
    %broadcast_in_dim3A_391 = vector.shape_cast %and3A_372 : vector<1x128xi1> to vector<1x128xi1>
    %broadcast_in_dim3A_392 = vector.broadcast %broadcast_in_dim3A_391 : vector<1x128xi1> to vector<512x128xi1>
    %jit3A_393 = arith.constant 0 : i32
    %broadcast_in_dim3A_394 = vector.broadcast %jit3A_393 : i32 to vector<512x128xi32>
    %select_n3A_395 = arith.select %broadcast_in_dim3A_392, %gather3A_390, %broadcast_in_dim3A_394 : vector<512x128xi1>, vector<512x128xi32>
    %or3A_396 = arith.ori %broadcast_in_dim3A_355, %select_n3A_395 : vector<512x128xi32>
    %mul3A_397 = arith.constant 3 : i32
    %mul3A_398 = vector.broadcast %mul3A_397 : i32 to vector<1x128xi32>
    %mul3A_399 = arith.muli %mul3A_398, %broadcast_in_dim3A : vector<1x128xi32>
    %add3A_400 = arith.constant 1 : i32
    %add3A_401 = vector.broadcast %add3A_400 : i32 to vector<1x128xi32>
    %add3A_402 = arith.addi %mul3A_399, %add3A_401 : vector<1x128xi32>
    %sub3A_403 = arith.constant 0 : i32
    %sub3A_404 = vector.broadcast %sub3A_403 : i32 to vector<1x128xi32>
    %sub3A_405 = arith.subi %add3A_402, %sub3A_404 : vector<1x128xi32>
    %ge3A_406 = arith.constant 0 : i32
    %ge3A_407 = vector.broadcast %ge3A_406 : i32 to vector<1x128xi32>
    %ge3A_408 = arith.cmpi sge, %sub3A_405, %ge3A_407 : vector<1x128xi32>
    %lt3A_409 = arith.constant 128 : i32
    %lt3A_410 = vector.broadcast %lt3A_409 : i32 to vector<1x128xi32>
    %lt3A_411 = arith.cmpi slt, %sub3A_405, %lt3A_410 : vector<1x128xi32>
    %and3A_412 = arith.andi %ge3A_408, %lt3A_411 : vector<1x128xi1>
    %jit3A_413 = arith.constant 0 : i32
    %jit3A_414 = arith.constant 127 : i32
    %max3A_415 = vector.broadcast %jit3A_413 : i32 to vector<1x128xi32>
    %max3A_416 = arith.maxsi %max3A_415, %sub3A_405 : vector<1x128xi32>
    %min3A_417 = vector.broadcast %jit3A_414 : i32 to vector<1x128xi32>
    %min3A_418 = arith.minsi %min3A_417, %max3A_416 : vector<1x128xi32>
    %broadcast_in_dim3A_419 = vector.shape_cast %min3A_418 : vector<1x128xi32> to vector<1x128xi32>
    %broadcast_in_dim3A_420 = vector.broadcast %broadcast_in_dim3A_419 : vector<1x128xi32> to vector<512x128xi32>
    %lt3A_421 = arith.constant 0 : i32
    %lt3A_422 = vector.broadcast %lt3A_421 : i32 to vector<512x128xi32>
    %lt3A_423 = arith.cmpi slt, %broadcast_in_dim3A_420, %lt3A_422 : vector<512x128xi32>
    %add3A_424 = arith.constant 128 : i32
    %add3A_425 = vector.broadcast %add3A_424 : i32 to vector<512x128xi32>
    %add3A_426 = arith.addi %broadcast_in_dim3A_420, %add3A_425 : vector<512x128xi32>
    %select_n3A_427 = arith.select %lt3A_423, %add3A_426, %broadcast_in_dim3A_420 : vector<512x128xi1>, vector<512x128xi32>
    %reshape3A_428 = vector.shape_cast %select_n3A_427 : vector<512x128xi32> to vector<512x128x1xi32>
    %gather3A_429 = vector.shape_cast %reshape3A_428 : vector<512x128x1xi32> to vector<512x128xi32>
    %gather3A_430 = tpu.dynamic_gather %slice3A_356[%gather3A_429] in [1] : vector<512x128xi32>, vector<512x128xi32> -> vector<512x128xi32>
    %broadcast_in_dim3A_431 = vector.shape_cast %and3A_412 : vector<1x128xi1> to vector<1x128xi1>
    %broadcast_in_dim3A_432 = vector.broadcast %broadcast_in_dim3A_431 : vector<1x128xi1> to vector<512x128xi1>
    %jit3A_433 = arith.constant 0 : i32
    %broadcast_in_dim3A_434 = vector.broadcast %jit3A_433 : i32 to vector<512x128xi32>
    %select_n3A_435 = arith.select %broadcast_in_dim3A_432, %gather3A_430, %broadcast_in_dim3A_434 : vector<512x128xi1>, vector<512x128xi32>
    %or3A_436 = arith.ori %or3A_396, %select_n3A_435 : vector<512x128xi32>
    %mul3A_437 = arith.constant 3 : i32
    %mul3A_438 = vector.broadcast %mul3A_437 : i32 to vector<1x128xi32>
    %mul3A_439 = arith.muli %mul3A_438, %broadcast_in_dim3A : vector<1x128xi32>
    %add3A_440 = arith.constant 2 : i32
    %add3A_441 = vector.broadcast %add3A_440 : i32 to vector<1x128xi32>
    %add3A_442 = arith.addi %mul3A_439, %add3A_441 : vector<1x128xi32>
    %sub3A_443 = arith.constant 0 : i32
    %sub3A_444 = vector.broadcast %sub3A_443 : i32 to vector<1x128xi32>
    %sub3A_445 = arith.subi %add3A_442, %sub3A_444 : vector<1x128xi32>
    %ge3A_446 = arith.constant 0 : i32
    %ge3A_447 = vector.broadcast %ge3A_446 : i32 to vector<1x128xi32>
    %ge3A_448 = arith.cmpi sge, %sub3A_445, %ge3A_447 : vector<1x128xi32>
    %lt3A_449 = arith.constant 128 : i32
    %lt3A_450 = vector.broadcast %lt3A_449 : i32 to vector<1x128xi32>
    %lt3A_451 = arith.cmpi slt, %sub3A_445, %lt3A_450 : vector<1x128xi32>
    %and3A_452 = arith.andi %ge3A_448, %lt3A_451 : vector<1x128xi1>
    %jit3A_453 = arith.constant 0 : i32
    %jit3A_454 = arith.constant 127 : i32
    %max3A_455 = vector.broadcast %jit3A_453 : i32 to vector<1x128xi32>
    %max3A_456 = arith.maxsi %max3A_455, %sub3A_445 : vector<1x128xi32>
    %min3A_457 = vector.broadcast %jit3A_454 : i32 to vector<1x128xi32>
    %min3A_458 = arith.minsi %min3A_457, %max3A_456 : vector<1x128xi32>
    %broadcast_in_dim3A_459 = vector.shape_cast %min3A_458 : vector<1x128xi32> to vector<1x128xi32>
    %broadcast_in_dim3A_460 = vector.broadcast %broadcast_in_dim3A_459 : vector<1x128xi32> to vector<512x128xi32>
    %lt3A_461 = arith.constant 0 : i32
    %lt3A_462 = vector.broadcast %lt3A_461 : i32 to vector<512x128xi32>
    %lt3A_463 = arith.cmpi slt, %broadcast_in_dim3A_460, %lt3A_462 : vector<512x128xi32>
    %add3A_464 = arith.constant 128 : i32
    %add3A_465 = vector.broadcast %add3A_464 : i32 to vector<512x128xi32>
    %add3A_466 = arith.addi %broadcast_in_dim3A_460, %add3A_465 : vector<512x128xi32>
    %select_n3A_467 = arith.select %lt3A_463, %add3A_466, %broadcast_in_dim3A_460 : vector<512x128xi1>, vector<512x128xi32>
    %reshape3A_468 = vector.shape_cast %select_n3A_467 : vector<512x128xi32> to vector<512x128x1xi32>
    %gather3A_469 = vector.shape_cast %reshape3A_468 : vector<512x128x1xi32> to vector<512x128xi32>
    %gather3A_470 = tpu.dynamic_gather %slice3A_356[%gather3A_469] in [1] : vector<512x128xi32>, vector<512x128xi32> -> vector<512x128xi32>
    %broadcast_in_dim3A_471 = vector.shape_cast %and3A_452 : vector<1x128xi1> to vector<1x128xi1>
    %broadcast_in_dim3A_472 = vector.broadcast %broadcast_in_dim3A_471 : vector<1x128xi1> to vector<512x128xi1>
    %jit3A_473 = arith.constant 0 : i32
    %broadcast_in_dim3A_474 = vector.broadcast %jit3A_473 : i32 to vector<512x128xi32>
    %select_n3A_475 = arith.select %broadcast_in_dim3A_472, %gather3A_470, %broadcast_in_dim3A_474 : vector<512x128xi1>, vector<512x128xi32>
    %or3A_476 = arith.ori %or3A_436, %select_n3A_475 : vector<512x128xi32>
    %slice3A_477 = vector.extract_strided_slice %bitcast_convert_type3A {offsets = [0, 512], sizes = [512, 128], strides = [1, 1]} : vector<512x1536xi32> to vector<512x128xi32>
    %mul3A_478 = arith.constant 3 : i32
    %mul3A_479 = vector.broadcast %mul3A_478 : i32 to vector<1x128xi32>
    %mul3A_480 = arith.muli %mul3A_479, %broadcast_in_dim3A : vector<1x128xi32>
    %add3A_481 = arith.constant 0 : i32
    %add3A_482 = vector.broadcast %add3A_481 : i32 to vector<1x128xi32>
    %add3A_483 = arith.addi %mul3A_480, %add3A_482 : vector<1x128xi32>
    %sub3A_484 = arith.constant 128 : i32
    %sub3A_485 = vector.broadcast %sub3A_484 : i32 to vector<1x128xi32>
    %sub3A_486 = arith.subi %add3A_483, %sub3A_485 : vector<1x128xi32>
    %ge3A_487 = arith.constant 0 : i32
    %ge3A_488 = vector.broadcast %ge3A_487 : i32 to vector<1x128xi32>
    %ge3A_489 = arith.cmpi sge, %sub3A_486, %ge3A_488 : vector<1x128xi32>
    %lt3A_490 = arith.constant 128 : i32
    %lt3A_491 = vector.broadcast %lt3A_490 : i32 to vector<1x128xi32>
    %lt3A_492 = arith.cmpi slt, %sub3A_486, %lt3A_491 : vector<1x128xi32>
    %and3A_493 = arith.andi %ge3A_489, %lt3A_492 : vector<1x128xi1>
    %jit3A_494 = arith.constant 0 : i32
    %jit3A_495 = arith.constant 127 : i32
    %max3A_496 = vector.broadcast %jit3A_494 : i32 to vector<1x128xi32>
    %max3A_497 = arith.maxsi %max3A_496, %sub3A_486 : vector<1x128xi32>
    %min3A_498 = vector.broadcast %jit3A_495 : i32 to vector<1x128xi32>
    %min3A_499 = arith.minsi %min3A_498, %max3A_497 : vector<1x128xi32>
    %broadcast_in_dim3A_500 = vector.shape_cast %min3A_499 : vector<1x128xi32> to vector<1x128xi32>
    %broadcast_in_dim3A_501 = vector.broadcast %broadcast_in_dim3A_500 : vector<1x128xi32> to vector<512x128xi32>
    %lt3A_502 = arith.constant 0 : i32
    %lt3A_503 = vector.broadcast %lt3A_502 : i32 to vector<512x128xi32>
    %lt3A_504 = arith.cmpi slt, %broadcast_in_dim3A_501, %lt3A_503 : vector<512x128xi32>
    %add3A_505 = arith.constant 128 : i32
    %add3A_506 = vector.broadcast %add3A_505 : i32 to vector<512x128xi32>
    %add3A_507 = arith.addi %broadcast_in_dim3A_501, %add3A_506 : vector<512x128xi32>
    %select_n3A_508 = arith.select %lt3A_504, %add3A_507, %broadcast_in_dim3A_501 : vector<512x128xi1>, vector<512x128xi32>
    %reshape3A_509 = vector.shape_cast %select_n3A_508 : vector<512x128xi32> to vector<512x128x1xi32>
    %gather3A_510 = vector.shape_cast %reshape3A_509 : vector<512x128x1xi32> to vector<512x128xi32>
    %gather3A_511 = tpu.dynamic_gather %slice3A_477[%gather3A_510] in [1] : vector<512x128xi32>, vector<512x128xi32> -> vector<512x128xi32>
    %broadcast_in_dim3A_512 = vector.shape_cast %and3A_493 : vector<1x128xi1> to vector<1x128xi1>
    %broadcast_in_dim3A_513 = vector.broadcast %broadcast_in_dim3A_512 : vector<1x128xi1> to vector<512x128xi1>
    %jit3A_514 = arith.constant 0 : i32
    %broadcast_in_dim3A_515 = vector.broadcast %jit3A_514 : i32 to vector<512x128xi32>
    %select_n3A_516 = arith.select %broadcast_in_dim3A_513, %gather3A_511, %broadcast_in_dim3A_515 : vector<512x128xi1>, vector<512x128xi32>
    %or3A_517 = arith.ori %or3A_476, %select_n3A_516 : vector<512x128xi32>
    %mul3A_518 = arith.constant 3 : i32
    %mul3A_519 = vector.broadcast %mul3A_518 : i32 to vector<1x128xi32>
    %mul3A_520 = arith.muli %mul3A_519, %broadcast_in_dim3A : vector<1x128xi32>
    %add3A_521 = arith.constant 1 : i32
    %add3A_522 = vector.broadcast %add3A_521 : i32 to vector<1x128xi32>
    %add3A_523 = arith.addi %mul3A_520, %add3A_522 : vector<1x128xi32>
    %sub3A_524 = arith.constant 128 : i32
    %sub3A_525 = vector.broadcast %sub3A_524 : i32 to vector<1x128xi32>
    %sub3A_526 = arith.subi %add3A_523, %sub3A_525 : vector<1x128xi32>
    %ge3A_527 = arith.constant 0 : i32
    %ge3A_528 = vector.broadcast %ge3A_527 : i32 to vector<1x128xi32>
    %ge3A_529 = arith.cmpi sge, %sub3A_526, %ge3A_528 : vector<1x128xi32>
    %lt3A_530 = arith.constant 128 : i32
    %lt3A_531 = vector.broadcast %lt3A_530 : i32 to vector<1x128xi32>
    %lt3A_532 = arith.cmpi slt, %sub3A_526, %lt3A_531 : vector<1x128xi32>
    %and3A_533 = arith.andi %ge3A_529, %lt3A_532 : vector<1x128xi1>
    %jit3A_534 = arith.constant 0 : i32
    %jit3A_535 = arith.constant 127 : i32
    %max3A_536 = vector.broadcast %jit3A_534 : i32 to vector<1x128xi32>
    %max3A_537 = arith.maxsi %max3A_536, %sub3A_526 : vector<1x128xi32>
    %min3A_538 = vector.broadcast %jit3A_535 : i32 to vector<1x128xi32>
    %min3A_539 = arith.minsi %min3A_538, %max3A_537 : vector<1x128xi32>
    %broadcast_in_dim3A_540 = vector.shape_cast %min3A_539 : vector<1x128xi32> to vector<1x128xi32>
    %broadcast_in_dim3A_541 = vector.broadcast %broadcast_in_dim3A_540 : vector<1x128xi32> to vector<512x128xi32>
    %lt3A_542 = arith.constant 0 : i32
    %lt3A_543 = vector.broadcast %lt3A_542 : i32 to vector<512x128xi32>
    %lt3A_544 = arith.cmpi slt, %broadcast_in_dim3A_541, %lt3A_543 : vector<512x128xi32>
    %add3A_545 = arith.constant 128 : i32
    %add3A_546 = vector.broadcast %add3A_545 : i32 to vector<512x128xi32>
    %add3A_547 = arith.addi %broadcast_in_dim3A_541, %add3A_546 : vector<512x128xi32>
    %select_n3A_548 = arith.select %lt3A_544, %add3A_547, %broadcast_in_dim3A_541 : vector<512x128xi1>, vector<512x128xi32>
    %reshape3A_549 = vector.shape_cast %select_n3A_548 : vector<512x128xi32> to vector<512x128x1xi32>
    %gather3A_550 = vector.shape_cast %reshape3A_549 : vector<512x128x1xi32> to vector<512x128xi32>
    %gather3A_551 = tpu.dynamic_gather %slice3A_477[%gather3A_550] in [1] : vector<512x128xi32>, vector<512x128xi32> -> vector<512x128xi32>
    %broadcast_in_dim3A_552 = vector.shape_cast %and3A_533 : vector<1x128xi1> to vector<1x128xi1>
    %broadcast_in_dim3A_553 = vector.broadcast %broadcast_in_dim3A_552 : vector<1x128xi1> to vector<512x128xi1>
    %jit3A_554 = arith.constant 0 : i32
    %broadcast_in_dim3A_555 = vector.broadcast %jit3A_554 : i32 to vector<512x128xi32>
    %select_n3A_556 = arith.select %broadcast_in_dim3A_553, %gather3A_551, %broadcast_in_dim3A_555 : vector<512x128xi1>, vector<512x128xi32>
    %or3A_557 = arith.ori %or3A_517, %select_n3A_556 : vector<512x128xi32>
    %mul3A_558 = arith.constant 3 : i32
    %mul3A_559 = vector.broadcast %mul3A_558 : i32 to vector<1x128xi32>
    %mul3A_560 = arith.muli %mul3A_559, %broadcast_in_dim3A : vector<1x128xi32>
    %add3A_561 = arith.constant 2 : i32
    %add3A_562 = vector.broadcast %add3A_561 : i32 to vector<1x128xi32>
    %add3A_563 = arith.addi %mul3A_560, %add3A_562 : vector<1x128xi32>
    %sub3A_564 = arith.constant 128 : i32
    %sub3A_565 = vector.broadcast %sub3A_564 : i32 to vector<1x128xi32>
    %sub3A_566 = arith.subi %add3A_563, %sub3A_565 : vector<1x128xi32>
    %ge3A_567 = arith.constant 0 : i32
    %ge3A_568 = vector.broadcast %ge3A_567 : i32 to vector<1x128xi32>
    %ge3A_569 = arith.cmpi sge, %sub3A_566, %ge3A_568 : vector<1x128xi32>
    %lt3A_570 = arith.constant 128 : i32
    %lt3A_571 = vector.broadcast %lt3A_570 : i32 to vector<1x128xi32>
    %lt3A_572 = arith.cmpi slt, %sub3A_566, %lt3A_571 : vector<1x128xi32>
    %and3A_573 = arith.andi %ge3A_569, %lt3A_572 : vector<1x128xi1>
    %jit3A_574 = arith.constant 0 : i32
    %jit3A_575 = arith.constant 127 : i32
    %max3A_576 = vector.broadcast %jit3A_574 : i32 to vector<1x128xi32>
    %max3A_577 = arith.maxsi %max3A_576, %sub3A_566 : vector<1x128xi32>
    %min3A_578 = vector.broadcast %jit3A_575 : i32 to vector<1x128xi32>
    %min3A_579 = arith.minsi %min3A_578, %max3A_577 : vector<1x128xi32>
    %broadcast_in_dim3A_580 = vector.shape_cast %min3A_579 : vector<1x128xi32> to vector<1x128xi32>
    %broadcast_in_dim3A_581 = vector.broadcast %broadcast_in_dim3A_580 : vector<1x128xi32> to vector<512x128xi32>
    %lt3A_582 = arith.constant 0 : i32
    %lt3A_583 = vector.broadcast %lt3A_582 : i32 to vector<512x128xi32>
    %lt3A_584 = arith.cmpi slt, %broadcast_in_dim3A_581, %lt3A_583 : vector<512x128xi32>
    %add3A_585 = arith.constant 128 : i32
    %add3A_586 = vector.broadcast %add3A_585 : i32 to vector<512x128xi32>
    %add3A_587 = arith.addi %broadcast_in_dim3A_581, %add3A_586 : vector<512x128xi32>
    %select_n3A_588 = arith.select %lt3A_584, %add3A_587, %broadcast_in_dim3A_581 : vector<512x128xi1>, vector<512x128xi32>
    %reshape3A_589 = vector.shape_cast %select_n3A_588 : vector<512x128xi32> to vector<512x128x1xi32>
    %gather3A_590 = vector.shape_cast %reshape3A_589 : vector<512x128x1xi32> to vector<512x128xi32>
    %gather3A_591 = tpu.dynamic_gather %slice3A_477[%gather3A_590] in [1] : vector<512x128xi32>, vector<512x128xi32> -> vector<512x128xi32>
    %broadcast_in_dim3A_592 = vector.shape_cast %and3A_573 : vector<1x128xi1> to vector<1x128xi1>
    %broadcast_in_dim3A_593 = vector.broadcast %broadcast_in_dim3A_592 : vector<1x128xi1> to vector<512x128xi1>
    %jit3A_594 = arith.constant 0 : i32
    %broadcast_in_dim3A_595 = vector.broadcast %jit3A_594 : i32 to vector<512x128xi32>
    %select_n3A_596 = arith.select %broadcast_in_dim3A_593, %gather3A_591, %broadcast_in_dim3A_595 : vector<512x128xi1>, vector<512x128xi32>
    %or3A_597 = arith.ori %or3A_557, %select_n3A_596 : vector<512x128xi32>
    %slice3A_598 = vector.extract_strided_slice %bitcast_convert_type3A {offsets = [0, 640], sizes = [512, 128], strides = [1, 1]} : vector<512x1536xi32> to vector<512x128xi32>
    %mul3A_599 = arith.constant 3 : i32
    %mul3A_600 = vector.broadcast %mul3A_599 : i32 to vector<1x128xi32>
    %mul3A_601 = arith.muli %mul3A_600, %broadcast_in_dim3A : vector<1x128xi32>
    %add3A_602 = arith.constant 0 : i32
    %add3A_603 = vector.broadcast %add3A_602 : i32 to vector<1x128xi32>
    %add3A_604 = arith.addi %mul3A_601, %add3A_603 : vector<1x128xi32>
    %sub3A_605 = arith.constant 256 : i32
    %sub3A_606 = vector.broadcast %sub3A_605 : i32 to vector<1x128xi32>
    %sub3A_607 = arith.subi %add3A_604, %sub3A_606 : vector<1x128xi32>
    %ge3A_608 = arith.constant 0 : i32
    %ge3A_609 = vector.broadcast %ge3A_608 : i32 to vector<1x128xi32>
    %ge3A_610 = arith.cmpi sge, %sub3A_607, %ge3A_609 : vector<1x128xi32>
    %lt3A_611 = arith.constant 128 : i32
    %lt3A_612 = vector.broadcast %lt3A_611 : i32 to vector<1x128xi32>
    %lt3A_613 = arith.cmpi slt, %sub3A_607, %lt3A_612 : vector<1x128xi32>
    %and3A_614 = arith.andi %ge3A_610, %lt3A_613 : vector<1x128xi1>
    %jit3A_615 = arith.constant 0 : i32
    %jit3A_616 = arith.constant 127 : i32
    %max3A_617 = vector.broadcast %jit3A_615 : i32 to vector<1x128xi32>
    %max3A_618 = arith.maxsi %max3A_617, %sub3A_607 : vector<1x128xi32>
    %min3A_619 = vector.broadcast %jit3A_616 : i32 to vector<1x128xi32>
    %min3A_620 = arith.minsi %min3A_619, %max3A_618 : vector<1x128xi32>
    %broadcast_in_dim3A_621 = vector.shape_cast %min3A_620 : vector<1x128xi32> to vector<1x128xi32>
    %broadcast_in_dim3A_622 = vector.broadcast %broadcast_in_dim3A_621 : vector<1x128xi32> to vector<512x128xi32>
    %lt3A_623 = arith.constant 0 : i32
    %lt3A_624 = vector.broadcast %lt3A_623 : i32 to vector<512x128xi32>
    %lt3A_625 = arith.cmpi slt, %broadcast_in_dim3A_622, %lt3A_624 : vector<512x128xi32>
    %add3A_626 = arith.constant 128 : i32
    %add3A_627 = vector.broadcast %add3A_626 : i32 to vector<512x128xi32>
    %add3A_628 = arith.addi %broadcast_in_dim3A_622, %add3A_627 : vector<512x128xi32>
    %select_n3A_629 = arith.select %lt3A_625, %add3A_628, %broadcast_in_dim3A_622 : vector<512x128xi1>, vector<512x128xi32>
    %reshape3A_630 = vector.shape_cast %select_n3A_629 : vector<512x128xi32> to vector<512x128x1xi32>
    %gather3A_631 = vector.shape_cast %reshape3A_630 : vector<512x128x1xi32> to vector<512x128xi32>
    %gather3A_632 = tpu.dynamic_gather %slice3A_598[%gather3A_631] in [1] : vector<512x128xi32>, vector<512x128xi32> -> vector<512x128xi32>
    %broadcast_in_dim3A_633 = vector.shape_cast %and3A_614 : vector<1x128xi1> to vector<1x128xi1>
    %broadcast_in_dim3A_634 = vector.broadcast %broadcast_in_dim3A_633 : vector<1x128xi1> to vector<512x128xi1>
    %jit3A_635 = arith.constant 0 : i32
    %broadcast_in_dim3A_636 = vector.broadcast %jit3A_635 : i32 to vector<512x128xi32>
    %select_n3A_637 = arith.select %broadcast_in_dim3A_634, %gather3A_632, %broadcast_in_dim3A_636 : vector<512x128xi1>, vector<512x128xi32>
    %or3A_638 = arith.ori %or3A_597, %select_n3A_637 : vector<512x128xi32>
    %mul3A_639 = arith.constant 3 : i32
    %mul3A_640 = vector.broadcast %mul3A_639 : i32 to vector<1x128xi32>
    %mul3A_641 = arith.muli %mul3A_640, %broadcast_in_dim3A : vector<1x128xi32>
    %add3A_642 = arith.constant 1 : i32
    %add3A_643 = vector.broadcast %add3A_642 : i32 to vector<1x128xi32>
    %add3A_644 = arith.addi %mul3A_641, %add3A_643 : vector<1x128xi32>
    %sub3A_645 = arith.constant 256 : i32
    %sub3A_646 = vector.broadcast %sub3A_645 : i32 to vector<1x128xi32>
    %sub3A_647 = arith.subi %add3A_644, %sub3A_646 : vector<1x128xi32>
    %ge3A_648 = arith.constant 0 : i32
    %ge3A_649 = vector.broadcast %ge3A_648 : i32 to vector<1x128xi32>
    %ge3A_650 = arith.cmpi sge, %sub3A_647, %ge3A_649 : vector<1x128xi32>
    %lt3A_651 = arith.constant 128 : i32
    %lt3A_652 = vector.broadcast %lt3A_651 : i32 to vector<1x128xi32>
    %lt3A_653 = arith.cmpi slt, %sub3A_647, %lt3A_652 : vector<1x128xi32>
    %and3A_654 = arith.andi %ge3A_650, %lt3A_653 : vector<1x128xi1>
    %jit3A_655 = arith.constant 0 : i32
    %jit3A_656 = arith.constant 127 : i32
    %max3A_657 = vector.broadcast %jit3A_655 : i32 to vector<1x128xi32>
    %max3A_658 = arith.maxsi %max3A_657, %sub3A_647 : vector<1x128xi32>
    %min3A_659 = vector.broadcast %jit3A_656 : i32 to vector<1x128xi32>
    %min3A_660 = arith.minsi %min3A_659, %max3A_658 : vector<1x128xi32>
    %broadcast_in_dim3A_661 = vector.shape_cast %min3A_660 : vector<1x128xi32> to vector<1x128xi32>
    %broadcast_in_dim3A_662 = vector.broadcast %broadcast_in_dim3A_661 : vector<1x128xi32> to vector<512x128xi32>
    %lt3A_663 = arith.constant 0 : i32
    %lt3A_664 = vector.broadcast %lt3A_663 : i32 to vector<512x128xi32>
    %lt3A_665 = arith.cmpi slt, %broadcast_in_dim3A_662, %lt3A_664 : vector<512x128xi32>
    %add3A_666 = arith.constant 128 : i32
    %add3A_667 = vector.broadcast %add3A_666 : i32 to vector<512x128xi32>
    %add3A_668 = arith.addi %broadcast_in_dim3A_662, %add3A_667 : vector<512x128xi32>
    %select_n3A_669 = arith.select %lt3A_665, %add3A_668, %broadcast_in_dim3A_662 : vector<512x128xi1>, vector<512x128xi32>
    %reshape3A_670 = vector.shape_cast %select_n3A_669 : vector<512x128xi32> to vector<512x128x1xi32>
    %gather3A_671 = vector.shape_cast %reshape3A_670 : vector<512x128x1xi32> to vector<512x128xi32>
    %gather3A_672 = tpu.dynamic_gather %slice3A_598[%gather3A_671] in [1] : vector<512x128xi32>, vector<512x128xi32> -> vector<512x128xi32>
    %broadcast_in_dim3A_673 = vector.shape_cast %and3A_654 : vector<1x128xi1> to vector<1x128xi1>
    %broadcast_in_dim3A_674 = vector.broadcast %broadcast_in_dim3A_673 : vector<1x128xi1> to vector<512x128xi1>
    %jit3A_675 = arith.constant 0 : i32
    %broadcast_in_dim3A_676 = vector.broadcast %jit3A_675 : i32 to vector<512x128xi32>
    %select_n3A_677 = arith.select %broadcast_in_dim3A_674, %gather3A_672, %broadcast_in_dim3A_676 : vector<512x128xi1>, vector<512x128xi32>
    %or3A_678 = arith.ori %or3A_638, %select_n3A_677 : vector<512x128xi32>
    %mul3A_679 = arith.constant 3 : i32
    %mul3A_680 = vector.broadcast %mul3A_679 : i32 to vector<1x128xi32>
    %mul3A_681 = arith.muli %mul3A_680, %broadcast_in_dim3A : vector<1x128xi32>
    %add3A_682 = arith.constant 2 : i32
    %add3A_683 = vector.broadcast %add3A_682 : i32 to vector<1x128xi32>
    %add3A_684 = arith.addi %mul3A_681, %add3A_683 : vector<1x128xi32>
    %sub3A_685 = arith.constant 256 : i32
    %sub3A_686 = vector.broadcast %sub3A_685 : i32 to vector<1x128xi32>
    %sub3A_687 = arith.subi %add3A_684, %sub3A_686 : vector<1x128xi32>
    %ge3A_688 = arith.constant 0 : i32
    %ge3A_689 = vector.broadcast %ge3A_688 : i32 to vector<1x128xi32>
    %ge3A_690 = arith.cmpi sge, %sub3A_687, %ge3A_689 : vector<1x128xi32>
    %lt3A_691 = arith.constant 128 : i32
    %lt3A_692 = vector.broadcast %lt3A_691 : i32 to vector<1x128xi32>
    %lt3A_693 = arith.cmpi slt, %sub3A_687, %lt3A_692 : vector<1x128xi32>
    %and3A_694 = arith.andi %ge3A_690, %lt3A_693 : vector<1x128xi1>
    %jit3A_695 = arith.constant 0 : i32
    %jit3A_696 = arith.constant 127 : i32
    %max3A_697 = vector.broadcast %jit3A_695 : i32 to vector<1x128xi32>
    %max3A_698 = arith.maxsi %max3A_697, %sub3A_687 : vector<1x128xi32>
    %min3A_699 = vector.broadcast %jit3A_696 : i32 to vector<1x128xi32>
    %min3A_700 = arith.minsi %min3A_699, %max3A_698 : vector<1x128xi32>
    %broadcast_in_dim3A_701 = vector.shape_cast %min3A_700 : vector<1x128xi32> to vector<1x128xi32>
    %broadcast_in_dim3A_702 = vector.broadcast %broadcast_in_dim3A_701 : vector<1x128xi32> to vector<512x128xi32>
    %lt3A_703 = arith.constant 0 : i32
    %lt3A_704 = vector.broadcast %lt3A_703 : i32 to vector<512x128xi32>
    %lt3A_705 = arith.cmpi slt, %broadcast_in_dim3A_702, %lt3A_704 : vector<512x128xi32>
    %add3A_706 = arith.constant 128 : i32
    %add3A_707 = vector.broadcast %add3A_706 : i32 to vector<512x128xi32>
    %add3A_708 = arith.addi %broadcast_in_dim3A_702, %add3A_707 : vector<512x128xi32>
    %select_n3A_709 = arith.select %lt3A_705, %add3A_708, %broadcast_in_dim3A_702 : vector<512x128xi1>, vector<512x128xi32>
    %reshape3A_710 = vector.shape_cast %select_n3A_709 : vector<512x128xi32> to vector<512x128x1xi32>
    %gather3A_711 = vector.shape_cast %reshape3A_710 : vector<512x128x1xi32> to vector<512x128xi32>
    %gather3A_712 = tpu.dynamic_gather %slice3A_598[%gather3A_711] in [1] : vector<512x128xi32>, vector<512x128xi32> -> vector<512x128xi32>
    %broadcast_in_dim3A_713 = vector.shape_cast %and3A_694 : vector<1x128xi1> to vector<1x128xi1>
    %broadcast_in_dim3A_714 = vector.broadcast %broadcast_in_dim3A_713 : vector<1x128xi1> to vector<512x128xi1>
    %jit3A_715 = arith.constant 0 : i32
    %broadcast_in_dim3A_716 = vector.broadcast %jit3A_715 : i32 to vector<512x128xi32>
    %select_n3A_717 = arith.select %broadcast_in_dim3A_714, %gather3A_712, %broadcast_in_dim3A_716 : vector<512x128xi1>, vector<512x128xi32>
    %or3A_718 = arith.ori %or3A_678, %select_n3A_717 : vector<512x128xi32>
    %broadcast_in_dim3A_719 = arith.constant 0 : i32
    %broadcast_in_dim3A_720 = vector.broadcast %broadcast_in_dim3A_719 : i32 to vector<512x128xi32>
    %slice3A_721 = vector.extract_strided_slice %bitcast_convert_type3A {offsets = [0, 768], sizes = [512, 128], strides = [1, 1]} : vector<512x1536xi32> to vector<512x128xi32>
    %mul3A_722 = arith.constant 3 : i32
    %mul3A_723 = vector.broadcast %mul3A_722 : i32 to vector<1x128xi32>
    %mul3A_724 = arith.muli %mul3A_723, %broadcast_in_dim3A : vector<1x128xi32>
    %add3A_725 = arith.constant 0 : i32
    %add3A_726 = vector.broadcast %add3A_725 : i32 to vector<1x128xi32>
    %add3A_727 = arith.addi %mul3A_724, %add3A_726 : vector<1x128xi32>
    %sub3A_728 = arith.constant 0 : i32
    %sub3A_729 = vector.broadcast %sub3A_728 : i32 to vector<1x128xi32>
    %sub3A_730 = arith.subi %add3A_727, %sub3A_729 : vector<1x128xi32>
    %ge3A_731 = arith.constant 0 : i32
    %ge3A_732 = vector.broadcast %ge3A_731 : i32 to vector<1x128xi32>
    %ge3A_733 = arith.cmpi sge, %sub3A_730, %ge3A_732 : vector<1x128xi32>
    %lt3A_734 = arith.constant 128 : i32
    %lt3A_735 = vector.broadcast %lt3A_734 : i32 to vector<1x128xi32>
    %lt3A_736 = arith.cmpi slt, %sub3A_730, %lt3A_735 : vector<1x128xi32>
    %and3A_737 = arith.andi %ge3A_733, %lt3A_736 : vector<1x128xi1>
    %jit3A_738 = arith.constant 0 : i32
    %jit3A_739 = arith.constant 127 : i32
    %max3A_740 = vector.broadcast %jit3A_738 : i32 to vector<1x128xi32>
    %max3A_741 = arith.maxsi %max3A_740, %sub3A_730 : vector<1x128xi32>
    %min3A_742 = vector.broadcast %jit3A_739 : i32 to vector<1x128xi32>
    %min3A_743 = arith.minsi %min3A_742, %max3A_741 : vector<1x128xi32>
    %broadcast_in_dim3A_744 = vector.shape_cast %min3A_743 : vector<1x128xi32> to vector<1x128xi32>
    %broadcast_in_dim3A_745 = vector.broadcast %broadcast_in_dim3A_744 : vector<1x128xi32> to vector<512x128xi32>
    %lt3A_746 = arith.constant 0 : i32
    %lt3A_747 = vector.broadcast %lt3A_746 : i32 to vector<512x128xi32>
    %lt3A_748 = arith.cmpi slt, %broadcast_in_dim3A_745, %lt3A_747 : vector<512x128xi32>
    %add3A_749 = arith.constant 128 : i32
    %add3A_750 = vector.broadcast %add3A_749 : i32 to vector<512x128xi32>
    %add3A_751 = arith.addi %broadcast_in_dim3A_745, %add3A_750 : vector<512x128xi32>
    %select_n3A_752 = arith.select %lt3A_748, %add3A_751, %broadcast_in_dim3A_745 : vector<512x128xi1>, vector<512x128xi32>
    %reshape3A_753 = vector.shape_cast %select_n3A_752 : vector<512x128xi32> to vector<512x128x1xi32>
    %gather3A_754 = vector.shape_cast %reshape3A_753 : vector<512x128x1xi32> to vector<512x128xi32>
    %gather3A_755 = tpu.dynamic_gather %slice3A_721[%gather3A_754] in [1] : vector<512x128xi32>, vector<512x128xi32> -> vector<512x128xi32>
    %broadcast_in_dim3A_756 = vector.shape_cast %and3A_737 : vector<1x128xi1> to vector<1x128xi1>
    %broadcast_in_dim3A_757 = vector.broadcast %broadcast_in_dim3A_756 : vector<1x128xi1> to vector<512x128xi1>
    %jit3A_758 = arith.constant 0 : i32
    %broadcast_in_dim3A_759 = vector.broadcast %jit3A_758 : i32 to vector<512x128xi32>
    %select_n3A_760 = arith.select %broadcast_in_dim3A_757, %gather3A_755, %broadcast_in_dim3A_759 : vector<512x128xi1>, vector<512x128xi32>
    %or3A_761 = arith.ori %broadcast_in_dim3A_720, %select_n3A_760 : vector<512x128xi32>
    %mul3A_762 = arith.constant 3 : i32
    %mul3A_763 = vector.broadcast %mul3A_762 : i32 to vector<1x128xi32>
    %mul3A_764 = arith.muli %mul3A_763, %broadcast_in_dim3A : vector<1x128xi32>
    %add3A_765 = arith.constant 1 : i32
    %add3A_766 = vector.broadcast %add3A_765 : i32 to vector<1x128xi32>
    %add3A_767 = arith.addi %mul3A_764, %add3A_766 : vector<1x128xi32>
    %sub3A_768 = arith.constant 0 : i32
    %sub3A_769 = vector.broadcast %sub3A_768 : i32 to vector<1x128xi32>
    %sub3A_770 = arith.subi %add3A_767, %sub3A_769 : vector<1x128xi32>
    %ge3A_771 = arith.constant 0 : i32
    %ge3A_772 = vector.broadcast %ge3A_771 : i32 to vector<1x128xi32>
    %ge3A_773 = arith.cmpi sge, %sub3A_770, %ge3A_772 : vector<1x128xi32>
    %lt3A_774 = arith.constant 128 : i32
    %lt3A_775 = vector.broadcast %lt3A_774 : i32 to vector<1x128xi32>
    %lt3A_776 = arith.cmpi slt, %sub3A_770, %lt3A_775 : vector<1x128xi32>
    %and3A_777 = arith.andi %ge3A_773, %lt3A_776 : vector<1x128xi1>
    %jit3A_778 = arith.constant 0 : i32
    %jit3A_779 = arith.constant 127 : i32
    %max3A_780 = vector.broadcast %jit3A_778 : i32 to vector<1x128xi32>
    %max3A_781 = arith.maxsi %max3A_780, %sub3A_770 : vector<1x128xi32>
    %min3A_782 = vector.broadcast %jit3A_779 : i32 to vector<1x128xi32>
    %min3A_783 = arith.minsi %min3A_782, %max3A_781 : vector<1x128xi32>
    %broadcast_in_dim3A_784 = vector.shape_cast %min3A_783 : vector<1x128xi32> to vector<1x128xi32>
    %broadcast_in_dim3A_785 = vector.broadcast %broadcast_in_dim3A_784 : vector<1x128xi32> to vector<512x128xi32>
    %lt3A_786 = arith.constant 0 : i32
    %lt3A_787 = vector.broadcast %lt3A_786 : i32 to vector<512x128xi32>
    %lt3A_788 = arith.cmpi slt, %broadcast_in_dim3A_785, %lt3A_787 : vector<512x128xi32>
    %add3A_789 = arith.constant 128 : i32
    %add3A_790 = vector.broadcast %add3A_789 : i32 to vector<512x128xi32>
    %add3A_791 = arith.addi %broadcast_in_dim3A_785, %add3A_790 : vector<512x128xi32>
    %select_n3A_792 = arith.select %lt3A_788, %add3A_791, %broadcast_in_dim3A_785 : vector<512x128xi1>, vector<512x128xi32>
    %reshape3A_793 = vector.shape_cast %select_n3A_792 : vector<512x128xi32> to vector<512x128x1xi32>
    %gather3A_794 = vector.shape_cast %reshape3A_793 : vector<512x128x1xi32> to vector<512x128xi32>
    %gather3A_795 = tpu.dynamic_gather %slice3A_721[%gather3A_794] in [1] : vector<512x128xi32>, vector<512x128xi32> -> vector<512x128xi32>
    %broadcast_in_dim3A_796 = vector.shape_cast %and3A_777 : vector<1x128xi1> to vector<1x128xi1>
    %broadcast_in_dim3A_797 = vector.broadcast %broadcast_in_dim3A_796 : vector<1x128xi1> to vector<512x128xi1>
    %jit3A_798 = arith.constant 0 : i32
    %broadcast_in_dim3A_799 = vector.broadcast %jit3A_798 : i32 to vector<512x128xi32>
    %select_n3A_800 = arith.select %broadcast_in_dim3A_797, %gather3A_795, %broadcast_in_dim3A_799 : vector<512x128xi1>, vector<512x128xi32>
    %or3A_801 = arith.ori %or3A_761, %select_n3A_800 : vector<512x128xi32>
    %mul3A_802 = arith.constant 3 : i32
    %mul3A_803 = vector.broadcast %mul3A_802 : i32 to vector<1x128xi32>
    %mul3A_804 = arith.muli %mul3A_803, %broadcast_in_dim3A : vector<1x128xi32>
    %add3A_805 = arith.constant 2 : i32
    %add3A_806 = vector.broadcast %add3A_805 : i32 to vector<1x128xi32>
    %add3A_807 = arith.addi %mul3A_804, %add3A_806 : vector<1x128xi32>
    %sub3A_808 = arith.constant 0 : i32
    %sub3A_809 = vector.broadcast %sub3A_808 : i32 to vector<1x128xi32>
    %sub3A_810 = arith.subi %add3A_807, %sub3A_809 : vector<1x128xi32>
    %ge3A_811 = arith.constant 0 : i32
    %ge3A_812 = vector.broadcast %ge3A_811 : i32 to vector<1x128xi32>
    %ge3A_813 = arith.cmpi sge, %sub3A_810, %ge3A_812 : vector<1x128xi32>
    %lt3A_814 = arith.constant 128 : i32
    %lt3A_815 = vector.broadcast %lt3A_814 : i32 to vector<1x128xi32>
    %lt3A_816 = arith.cmpi slt, %sub3A_810, %lt3A_815 : vector<1x128xi32>
    %and3A_817 = arith.andi %ge3A_813, %lt3A_816 : vector<1x128xi1>
    %jit3A_818 = arith.constant 0 : i32
    %jit3A_819 = arith.constant 127 : i32
    %max3A_820 = vector.broadcast %jit3A_818 : i32 to vector<1x128xi32>
    %max3A_821 = arith.maxsi %max3A_820, %sub3A_810 : vector<1x128xi32>
    %min3A_822 = vector.broadcast %jit3A_819 : i32 to vector<1x128xi32>
    %min3A_823 = arith.minsi %min3A_822, %max3A_821 : vector<1x128xi32>
    %broadcast_in_dim3A_824 = vector.shape_cast %min3A_823 : vector<1x128xi32> to vector<1x128xi32>
    %broadcast_in_dim3A_825 = vector.broadcast %broadcast_in_dim3A_824 : vector<1x128xi32> to vector<512x128xi32>
    %lt3A_826 = arith.constant 0 : i32
    %lt3A_827 = vector.broadcast %lt3A_826 : i32 to vector<512x128xi32>
    %lt3A_828 = arith.cmpi slt, %broadcast_in_dim3A_825, %lt3A_827 : vector<512x128xi32>
    %add3A_829 = arith.constant 128 : i32
    %add3A_830 = vector.broadcast %add3A_829 : i32 to vector<512x128xi32>
    %add3A_831 = arith.addi %broadcast_in_dim3A_825, %add3A_830 : vector<512x128xi32>
    %select_n3A_832 = arith.select %lt3A_828, %add3A_831, %broadcast_in_dim3A_825 : vector<512x128xi1>, vector<512x128xi32>
    %reshape3A_833 = vector.shape_cast %select_n3A_832 : vector<512x128xi32> to vector<512x128x1xi32>
    %gather3A_834 = vector.shape_cast %reshape3A_833 : vector<512x128x1xi32> to vector<512x128xi32>
    %gather3A_835 = tpu.dynamic_gather %slice3A_721[%gather3A_834] in [1] : vector<512x128xi32>, vector<512x128xi32> -> vector<512x128xi32>
    %broadcast_in_dim3A_836 = vector.shape_cast %and3A_817 : vector<1x128xi1> to vector<1x128xi1>
    %broadcast_in_dim3A_837 = vector.broadcast %broadcast_in_dim3A_836 : vector<1x128xi1> to vector<512x128xi1>
    %jit3A_838 = arith.constant 0 : i32
    %broadcast_in_dim3A_839 = vector.broadcast %jit3A_838 : i32 to vector<512x128xi32>
    %select_n3A_840 = arith.select %broadcast_in_dim3A_837, %gather3A_835, %broadcast_in_dim3A_839 : vector<512x128xi1>, vector<512x128xi32>
    %or3A_841 = arith.ori %or3A_801, %select_n3A_840 : vector<512x128xi32>
    %slice3A_842 = vector.extract_strided_slice %bitcast_convert_type3A {offsets = [0, 896], sizes = [512, 128], strides = [1, 1]} : vector<512x1536xi32> to vector<512x128xi32>
    %mul3A_843 = arith.constant 3 : i32
    %mul3A_844 = vector.broadcast %mul3A_843 : i32 to vector<1x128xi32>
    %mul3A_845 = arith.muli %mul3A_844, %broadcast_in_dim3A : vector<1x128xi32>
    %add3A_846 = arith.constant 0 : i32
    %add3A_847 = vector.broadcast %add3A_846 : i32 to vector<1x128xi32>
    %add3A_848 = arith.addi %mul3A_845, %add3A_847 : vector<1x128xi32>
    %sub3A_849 = arith.constant 128 : i32
    %sub3A_850 = vector.broadcast %sub3A_849 : i32 to vector<1x128xi32>
    %sub3A_851 = arith.subi %add3A_848, %sub3A_850 : vector<1x128xi32>
    %ge3A_852 = arith.constant 0 : i32
    %ge3A_853 = vector.broadcast %ge3A_852 : i32 to vector<1x128xi32>
    %ge3A_854 = arith.cmpi sge, %sub3A_851, %ge3A_853 : vector<1x128xi32>
    %lt3A_855 = arith.constant 128 : i32
    %lt3A_856 = vector.broadcast %lt3A_855 : i32 to vector<1x128xi32>
    %lt3A_857 = arith.cmpi slt, %sub3A_851, %lt3A_856 : vector<1x128xi32>
    %and3A_858 = arith.andi %ge3A_854, %lt3A_857 : vector<1x128xi1>
    %jit3A_859 = arith.constant 0 : i32
    %jit3A_860 = arith.constant 127 : i32
    %max3A_861 = vector.broadcast %jit3A_859 : i32 to vector<1x128xi32>
    %max3A_862 = arith.maxsi %max3A_861, %sub3A_851 : vector<1x128xi32>
    %min3A_863 = vector.broadcast %jit3A_860 : i32 to vector<1x128xi32>
    %min3A_864 = arith.minsi %min3A_863, %max3A_862 : vector<1x128xi32>
    %broadcast_in_dim3A_865 = vector.shape_cast %min3A_864 : vector<1x128xi32> to vector<1x128xi32>
    %broadcast_in_dim3A_866 = vector.broadcast %broadcast_in_dim3A_865 : vector<1x128xi32> to vector<512x128xi32>
    %lt3A_867 = arith.constant 0 : i32
    %lt3A_868 = vector.broadcast %lt3A_867 : i32 to vector<512x128xi32>
    %lt3A_869 = arith.cmpi slt, %broadcast_in_dim3A_866, %lt3A_868 : vector<512x128xi32>
    %add3A_870 = arith.constant 128 : i32
    %add3A_871 = vector.broadcast %add3A_870 : i32 to vector<512x128xi32>
    %add3A_872 = arith.addi %broadcast_in_dim3A_866, %add3A_871 : vector<512x128xi32>
    %select_n3A_873 = arith.select %lt3A_869, %add3A_872, %broadcast_in_dim3A_866 : vector<512x128xi1>, vector<512x128xi32>
    %reshape3A_874 = vector.shape_cast %select_n3A_873 : vector<512x128xi32> to vector<512x128x1xi32>
    %gather3A_875 = vector.shape_cast %reshape3A_874 : vector<512x128x1xi32> to vector<512x128xi32>
    %gather3A_876 = tpu.dynamic_gather %slice3A_842[%gather3A_875] in [1] : vector<512x128xi32>, vector<512x128xi32> -> vector<512x128xi32>
    %broadcast_in_dim3A_877 = vector.shape_cast %and3A_858 : vector<1x128xi1> to vector<1x128xi1>
    %broadcast_in_dim3A_878 = vector.broadcast %broadcast_in_dim3A_877 : vector<1x128xi1> to vector<512x128xi1>
    %jit3A_879 = arith.constant 0 : i32
    %broadcast_in_dim3A_880 = vector.broadcast %jit3A_879 : i32 to vector<512x128xi32>
    %select_n3A_881 = arith.select %broadcast_in_dim3A_878, %gather3A_876, %broadcast_in_dim3A_880 : vector<512x128xi1>, vector<512x128xi32>
    %or3A_882 = arith.ori %or3A_841, %select_n3A_881 : vector<512x128xi32>
    %mul3A_883 = arith.constant 3 : i32
    %mul3A_884 = vector.broadcast %mul3A_883 : i32 to vector<1x128xi32>
    %mul3A_885 = arith.muli %mul3A_884, %broadcast_in_dim3A : vector<1x128xi32>
    %add3A_886 = arith.constant 1 : i32
    %add3A_887 = vector.broadcast %add3A_886 : i32 to vector<1x128xi32>
    %add3A_888 = arith.addi %mul3A_885, %add3A_887 : vector<1x128xi32>
    %sub3A_889 = arith.constant 128 : i32
    %sub3A_890 = vector.broadcast %sub3A_889 : i32 to vector<1x128xi32>
    %sub3A_891 = arith.subi %add3A_888, %sub3A_890 : vector<1x128xi32>
    %ge3A_892 = arith.constant 0 : i32
    %ge3A_893 = vector.broadcast %ge3A_892 : i32 to vector<1x128xi32>
    %ge3A_894 = arith.cmpi sge, %sub3A_891, %ge3A_893 : vector<1x128xi32>
    %lt3A_895 = arith.constant 128 : i32
    %lt3A_896 = vector.broadcast %lt3A_895 : i32 to vector<1x128xi32>
    %lt3A_897 = arith.cmpi slt, %sub3A_891, %lt3A_896 : vector<1x128xi32>
    %and3A_898 = arith.andi %ge3A_894, %lt3A_897 : vector<1x128xi1>
    %jit3A_899 = arith.constant 0 : i32
    %jit3A_900 = arith.constant 127 : i32
    %max3A_901 = vector.broadcast %jit3A_899 : i32 to vector<1x128xi32>
    %max3A_902 = arith.maxsi %max3A_901, %sub3A_891 : vector<1x128xi32>
    %min3A_903 = vector.broadcast %jit3A_900 : i32 to vector<1x128xi32>
    %min3A_904 = arith.minsi %min3A_903, %max3A_902 : vector<1x128xi32>
    %broadcast_in_dim3A_905 = vector.shape_cast %min3A_904 : vector<1x128xi32> to vector<1x128xi32>
    %broadcast_in_dim3A_906 = vector.broadcast %broadcast_in_dim3A_905 : vector<1x128xi32> to vector<512x128xi32>
    %lt3A_907 = arith.constant 0 : i32
    %lt3A_908 = vector.broadcast %lt3A_907 : i32 to vector<512x128xi32>
    %lt3A_909 = arith.cmpi slt, %broadcast_in_dim3A_906, %lt3A_908 : vector<512x128xi32>
    %add3A_910 = arith.constant 128 : i32
    %add3A_911 = vector.broadcast %add3A_910 : i32 to vector<512x128xi32>
    %add3A_912 = arith.addi %broadcast_in_dim3A_906, %add3A_911 : vector<512x128xi32>
    %select_n3A_913 = arith.select %lt3A_909, %add3A_912, %broadcast_in_dim3A_906 : vector<512x128xi1>, vector<512x128xi32>
    %reshape3A_914 = vector.shape_cast %select_n3A_913 : vector<512x128xi32> to vector<512x128x1xi32>
    %gather3A_915 = vector.shape_cast %reshape3A_914 : vector<512x128x1xi32> to vector<512x128xi32>
    %gather3A_916 = tpu.dynamic_gather %slice3A_842[%gather3A_915] in [1] : vector<512x128xi32>, vector<512x128xi32> -> vector<512x128xi32>
    %broadcast_in_dim3A_917 = vector.shape_cast %and3A_898 : vector<1x128xi1> to vector<1x128xi1>
    %broadcast_in_dim3A_918 = vector.broadcast %broadcast_in_dim3A_917 : vector<1x128xi1> to vector<512x128xi1>
    %jit3A_919 = arith.constant 0 : i32
    %broadcast_in_dim3A_920 = vector.broadcast %jit3A_919 : i32 to vector<512x128xi32>
    %select_n3A_921 = arith.select %broadcast_in_dim3A_918, %gather3A_916, %broadcast_in_dim3A_920 : vector<512x128xi1>, vector<512x128xi32>
    %or3A_922 = arith.ori %or3A_882, %select_n3A_921 : vector<512x128xi32>
    %mul3A_923 = arith.constant 3 : i32
    %mul3A_924 = vector.broadcast %mul3A_923 : i32 to vector<1x128xi32>
    %mul3A_925 = arith.muli %mul3A_924, %broadcast_in_dim3A : vector<1x128xi32>
    %add3A_926 = arith.constant 2 : i32
    %add3A_927 = vector.broadcast %add3A_926 : i32 to vector<1x128xi32>
    %add3A_928 = arith.addi %mul3A_925, %add3A_927 : vector<1x128xi32>
    %sub3A_929 = arith.constant 128 : i32
    %sub3A_930 = vector.broadcast %sub3A_929 : i32 to vector<1x128xi32>
    %sub3A_931 = arith.subi %add3A_928, %sub3A_930 : vector<1x128xi32>
    %ge3A_932 = arith.constant 0 : i32
    %ge3A_933 = vector.broadcast %ge3A_932 : i32 to vector<1x128xi32>
    %ge3A_934 = arith.cmpi sge, %sub3A_931, %ge3A_933 : vector<1x128xi32>
    %lt3A_935 = arith.constant 128 : i32
    %lt3A_936 = vector.broadcast %lt3A_935 : i32 to vector<1x128xi32>
    %lt3A_937 = arith.cmpi slt, %sub3A_931, %lt3A_936 : vector<1x128xi32>
    %and3A_938 = arith.andi %ge3A_934, %lt3A_937 : vector<1x128xi1>
    %jit3A_939 = arith.constant 0 : i32
    %jit3A_940 = arith.constant 127 : i32
    %max3A_941 = vector.broadcast %jit3A_939 : i32 to vector<1x128xi32>
    %max3A_942 = arith.maxsi %max3A_941, %sub3A_931 : vector<1x128xi32>
    %min3A_943 = vector.broadcast %jit3A_940 : i32 to vector<1x128xi32>
    %min3A_944 = arith.minsi %min3A_943, %max3A_942 : vector<1x128xi32>
    %broadcast_in_dim3A_945 = vector.shape_cast %min3A_944 : vector<1x128xi32> to vector<1x128xi32>
    %broadcast_in_dim3A_946 = vector.broadcast %broadcast_in_dim3A_945 : vector<1x128xi32> to vector<512x128xi32>
    %lt3A_947 = arith.constant 0 : i32
    %lt3A_948 = vector.broadcast %lt3A_947 : i32 to vector<512x128xi32>
    %lt3A_949 = arith.cmpi slt, %broadcast_in_dim3A_946, %lt3A_948 : vector<512x128xi32>
    %add3A_950 = arith.constant 128 : i32
    %add3A_951 = vector.broadcast %add3A_950 : i32 to vector<512x128xi32>
    %add3A_952 = arith.addi %broadcast_in_dim3A_946, %add3A_951 : vector<512x128xi32>
    %select_n3A_953 = arith.select %lt3A_949, %add3A_952, %broadcast_in_dim3A_946 : vector<512x128xi1>, vector<512x128xi32>
    %reshape3A_954 = vector.shape_cast %select_n3A_953 : vector<512x128xi32> to vector<512x128x1xi32>
    %gather3A_955 = vector.shape_cast %reshape3A_954 : vector<512x128x1xi32> to vector<512x128xi32>
    %gather3A_956 = tpu.dynamic_gather %slice3A_842[%gather3A_955] in [1] : vector<512x128xi32>, vector<512x128xi32> -> vector<512x128xi32>
    %broadcast_in_dim3A_957 = vector.shape_cast %and3A_938 : vector<1x128xi1> to vector<1x128xi1>
    %broadcast_in_dim3A_958 = vector.broadcast %broadcast_in_dim3A_957 : vector<1x128xi1> to vector<512x128xi1>
    %jit3A_959 = arith.constant 0 : i32
    %broadcast_in_dim3A_960 = vector.broadcast %jit3A_959 : i32 to vector<512x128xi32>
    %select_n3A_961 = arith.select %broadcast_in_dim3A_958, %gather3A_956, %broadcast_in_dim3A_960 : vector<512x128xi1>, vector<512x128xi32>
    %or3A_962 = arith.ori %or3A_922, %select_n3A_961 : vector<512x128xi32>
    %slice3A_963 = vector.extract_strided_slice %bitcast_convert_type3A {offsets = [0, 1024], sizes = [512, 128], strides = [1, 1]} : vector<512x1536xi32> to vector<512x128xi32>
    %mul3A_964 = arith.constant 3 : i32
    %mul3A_965 = vector.broadcast %mul3A_964 : i32 to vector<1x128xi32>
    %mul3A_966 = arith.muli %mul3A_965, %broadcast_in_dim3A : vector<1x128xi32>
    %add3A_967 = arith.constant 0 : i32
    %add3A_968 = vector.broadcast %add3A_967 : i32 to vector<1x128xi32>
    %add3A_969 = arith.addi %mul3A_966, %add3A_968 : vector<1x128xi32>
    %sub3A_970 = arith.constant 256 : i32
    %sub3A_971 = vector.broadcast %sub3A_970 : i32 to vector<1x128xi32>
    %sub3A_972 = arith.subi %add3A_969, %sub3A_971 : vector<1x128xi32>
    %ge3A_973 = arith.constant 0 : i32
    %ge3A_974 = vector.broadcast %ge3A_973 : i32 to vector<1x128xi32>
    %ge3A_975 = arith.cmpi sge, %sub3A_972, %ge3A_974 : vector<1x128xi32>
    %lt3A_976 = arith.constant 128 : i32
    %lt3A_977 = vector.broadcast %lt3A_976 : i32 to vector<1x128xi32>
    %lt3A_978 = arith.cmpi slt, %sub3A_972, %lt3A_977 : vector<1x128xi32>
    %and3A_979 = arith.andi %ge3A_975, %lt3A_978 : vector<1x128xi1>
    %jit3A_980 = arith.constant 0 : i32
    %jit3A_981 = arith.constant 127 : i32
    %max3A_982 = vector.broadcast %jit3A_980 : i32 to vector<1x128xi32>
    %max3A_983 = arith.maxsi %max3A_982, %sub3A_972 : vector<1x128xi32>
    %min3A_984 = vector.broadcast %jit3A_981 : i32 to vector<1x128xi32>
    %min3A_985 = arith.minsi %min3A_984, %max3A_983 : vector<1x128xi32>
    %broadcast_in_dim3A_986 = vector.shape_cast %min3A_985 : vector<1x128xi32> to vector<1x128xi32>
    %broadcast_in_dim3A_987 = vector.broadcast %broadcast_in_dim3A_986 : vector<1x128xi32> to vector<512x128xi32>
    %lt3A_988 = arith.constant 0 : i32
    %lt3A_989 = vector.broadcast %lt3A_988 : i32 to vector<512x128xi32>
    %lt3A_990 = arith.cmpi slt, %broadcast_in_dim3A_987, %lt3A_989 : vector<512x128xi32>
    %add3A_991 = arith.constant 128 : i32
    %add3A_992 = vector.broadcast %add3A_991 : i32 to vector<512x128xi32>
    %add3A_993 = arith.addi %broadcast_in_dim3A_987, %add3A_992 : vector<512x128xi32>
    %select_n3A_994 = arith.select %lt3A_990, %add3A_993, %broadcast_in_dim3A_987 : vector<512x128xi1>, vector<512x128xi32>
    %reshape3A_995 = vector.shape_cast %select_n3A_994 : vector<512x128xi32> to vector<512x128x1xi32>
    %gather3A_996 = vector.shape_cast %reshape3A_995 : vector<512x128x1xi32> to vector<512x128xi32>
    %gather3A_997 = tpu.dynamic_gather %slice3A_963[%gather3A_996] in [1] : vector<512x128xi32>, vector<512x128xi32> -> vector<512x128xi32>
    %broadcast_in_dim3A_998 = vector.shape_cast %and3A_979 : vector<1x128xi1> to vector<1x128xi1>
    %broadcast_in_dim3A_999 = vector.broadcast %broadcast_in_dim3A_998 : vector<1x128xi1> to vector<512x128xi1>
    %jit3A_1000 = arith.constant 0 : i32
    %broadcast_in_dim3A_1001 = vector.broadcast %jit3A_1000 : i32 to vector<512x128xi32>
    %select_n3A_1002 = arith.select %broadcast_in_dim3A_999, %gather3A_997, %broadcast_in_dim3A_1001 : vector<512x128xi1>, vector<512x128xi32>
    %or3A_1003 = arith.ori %or3A_962, %select_n3A_1002 : vector<512x128xi32>
    %mul3A_1004 = arith.constant 3 : i32
    %mul3A_1005 = vector.broadcast %mul3A_1004 : i32 to vector<1x128xi32>
    %mul3A_1006 = arith.muli %mul3A_1005, %broadcast_in_dim3A : vector<1x128xi32>
    %add3A_1007 = arith.constant 1 : i32
    %add3A_1008 = vector.broadcast %add3A_1007 : i32 to vector<1x128xi32>
    %add3A_1009 = arith.addi %mul3A_1006, %add3A_1008 : vector<1x128xi32>
    %sub3A_1010 = arith.constant 256 : i32
    %sub3A_1011 = vector.broadcast %sub3A_1010 : i32 to vector<1x128xi32>
    %sub3A_1012 = arith.subi %add3A_1009, %sub3A_1011 : vector<1x128xi32>
    %ge3A_1013 = arith.constant 0 : i32
    %ge3A_1014 = vector.broadcast %ge3A_1013 : i32 to vector<1x128xi32>
    %ge3A_1015 = arith.cmpi sge, %sub3A_1012, %ge3A_1014 : vector<1x128xi32>
    %lt3A_1016 = arith.constant 128 : i32
    %lt3A_1017 = vector.broadcast %lt3A_1016 : i32 to vector<1x128xi32>
    %lt3A_1018 = arith.cmpi slt, %sub3A_1012, %lt3A_1017 : vector<1x128xi32>
    %and3A_1019 = arith.andi %ge3A_1015, %lt3A_1018 : vector<1x128xi1>
    %jit3A_1020 = arith.constant 0 : i32
    %jit3A_1021 = arith.constant 127 : i32
    %max3A_1022 = vector.broadcast %jit3A_1020 : i32 to vector<1x128xi32>
    %max3A_1023 = arith.maxsi %max3A_1022, %sub3A_1012 : vector<1x128xi32>
    %min3A_1024 = vector.broadcast %jit3A_1021 : i32 to vector<1x128xi32>
    %min3A_1025 = arith.minsi %min3A_1024, %max3A_1023 : vector<1x128xi32>
    %broadcast_in_dim3A_1026 = vector.shape_cast %min3A_1025 : vector<1x128xi32> to vector<1x128xi32>
    %broadcast_in_dim3A_1027 = vector.broadcast %broadcast_in_dim3A_1026 : vector<1x128xi32> to vector<512x128xi32>
    %lt3A_1028 = arith.constant 0 : i32
    %lt3A_1029 = vector.broadcast %lt3A_1028 : i32 to vector<512x128xi32>
    %lt3A_1030 = arith.cmpi slt, %broadcast_in_dim3A_1027, %lt3A_1029 : vector<512x128xi32>
    %add3A_1031 = arith.constant 128 : i32
    %add3A_1032 = vector.broadcast %add3A_1031 : i32 to vector<512x128xi32>
    %add3A_1033 = arith.addi %broadcast_in_dim3A_1027, %add3A_1032 : vector<512x128xi32>
    %select_n3A_1034 = arith.select %lt3A_1030, %add3A_1033, %broadcast_in_dim3A_1027 : vector<512x128xi1>, vector<512x128xi32>
    %reshape3A_1035 = vector.shape_cast %select_n3A_1034 : vector<512x128xi32> to vector<512x128x1xi32>
    %gather3A_1036 = vector.shape_cast %reshape3A_1035 : vector<512x128x1xi32> to vector<512x128xi32>
    %gather3A_1037 = tpu.dynamic_gather %slice3A_963[%gather3A_1036] in [1] : vector<512x128xi32>, vector<512x128xi32> -> vector<512x128xi32>
    %broadcast_in_dim3A_1038 = vector.shape_cast %and3A_1019 : vector<1x128xi1> to vector<1x128xi1>
    %broadcast_in_dim3A_1039 = vector.broadcast %broadcast_in_dim3A_1038 : vector<1x128xi1> to vector<512x128xi1>
    %jit3A_1040 = arith.constant 0 : i32
    %broadcast_in_dim3A_1041 = vector.broadcast %jit3A_1040 : i32 to vector<512x128xi32>
    %select_n3A_1042 = arith.select %broadcast_in_dim3A_1039, %gather3A_1037, %broadcast_in_dim3A_1041 : vector<512x128xi1>, vector<512x128xi32>
    %or3A_1043 = arith.ori %or3A_1003, %select_n3A_1042 : vector<512x128xi32>
    %mul3A_1044 = arith.constant 3 : i32
    %mul3A_1045 = vector.broadcast %mul3A_1044 : i32 to vector<1x128xi32>
    %mul3A_1046 = arith.muli %mul3A_1045, %broadcast_in_dim3A : vector<1x128xi32>
    %add3A_1047 = arith.constant 2 : i32
    %add3A_1048 = vector.broadcast %add3A_1047 : i32 to vector<1x128xi32>
    %add3A_1049 = arith.addi %mul3A_1046, %add3A_1048 : vector<1x128xi32>
    %sub3A_1050 = arith.constant 256 : i32
    %sub3A_1051 = vector.broadcast %sub3A_1050 : i32 to vector<1x128xi32>
    %sub3A_1052 = arith.subi %add3A_1049, %sub3A_1051 : vector<1x128xi32>
    %ge3A_1053 = arith.constant 0 : i32
    %ge3A_1054 = vector.broadcast %ge3A_1053 : i32 to vector<1x128xi32>
    %ge3A_1055 = arith.cmpi sge, %sub3A_1052, %ge3A_1054 : vector<1x128xi32>
    %lt3A_1056 = arith.constant 128 : i32
    %lt3A_1057 = vector.broadcast %lt3A_1056 : i32 to vector<1x128xi32>
    %lt3A_1058 = arith.cmpi slt, %sub3A_1052, %lt3A_1057 : vector<1x128xi32>
    %and3A_1059 = arith.andi %ge3A_1055, %lt3A_1058 : vector<1x128xi1>
    %jit3A_1060 = arith.constant 0 : i32
    %jit3A_1061 = arith.constant 127 : i32
    %max3A_1062 = vector.broadcast %jit3A_1060 : i32 to vector<1x128xi32>
    %max3A_1063 = arith.maxsi %max3A_1062, %sub3A_1052 : vector<1x128xi32>
    %min3A_1064 = vector.broadcast %jit3A_1061 : i32 to vector<1x128xi32>
    %min3A_1065 = arith.minsi %min3A_1064, %max3A_1063 : vector<1x128xi32>
    %broadcast_in_dim3A_1066 = vector.shape_cast %min3A_1065 : vector<1x128xi32> to vector<1x128xi32>
    %broadcast_in_dim3A_1067 = vector.broadcast %broadcast_in_dim3A_1066 : vector<1x128xi32> to vector<512x128xi32>
    %lt3A_1068 = arith.constant 0 : i32
    %lt3A_1069 = vector.broadcast %lt3A_1068 : i32 to vector<512x128xi32>
    %lt3A_1070 = arith.cmpi slt, %broadcast_in_dim3A_1067, %lt3A_1069 : vector<512x128xi32>
    %add3A_1071 = arith.constant 128 : i32
    %add3A_1072 = vector.broadcast %add3A_1071 : i32 to vector<512x128xi32>
    %add3A_1073 = arith.addi %broadcast_in_dim3A_1067, %add3A_1072 : vector<512x128xi32>
    %select_n3A_1074 = arith.select %lt3A_1070, %add3A_1073, %broadcast_in_dim3A_1067 : vector<512x128xi1>, vector<512x128xi32>
    %reshape3A_1075 = vector.shape_cast %select_n3A_1074 : vector<512x128xi32> to vector<512x128x1xi32>
    %gather3A_1076 = vector.shape_cast %reshape3A_1075 : vector<512x128x1xi32> to vector<512x128xi32>
    %gather3A_1077 = tpu.dynamic_gather %slice3A_963[%gather3A_1076] in [1] : vector<512x128xi32>, vector<512x128xi32> -> vector<512x128xi32>
    %broadcast_in_dim3A_1078 = vector.shape_cast %and3A_1059 : vector<1x128xi1> to vector<1x128xi1>
    %broadcast_in_dim3A_1079 = vector.broadcast %broadcast_in_dim3A_1078 : vector<1x128xi1> to vector<512x128xi1>
    %jit3A_1080 = arith.constant 0 : i32
    %broadcast_in_dim3A_1081 = vector.broadcast %jit3A_1080 : i32 to vector<512x128xi32>
    %select_n3A_1082 = arith.select %broadcast_in_dim3A_1079, %gather3A_1077, %broadcast_in_dim3A_1081 : vector<512x128xi1>, vector<512x128xi32>
    %or3A_1083 = arith.ori %or3A_1043, %select_n3A_1082 : vector<512x128xi32>
    %broadcast_in_dim3A_1084 = arith.constant 0 : i32
    %broadcast_in_dim3A_1085 = vector.broadcast %broadcast_in_dim3A_1084 : i32 to vector<512x128xi32>
    %slice3A_1086 = vector.extract_strided_slice %bitcast_convert_type3A {offsets = [0, 1152], sizes = [512, 128], strides = [1, 1]} : vector<512x1536xi32> to vector<512x128xi32>
    %mul3A_1087 = arith.constant 3 : i32
    %mul3A_1088 = vector.broadcast %mul3A_1087 : i32 to vector<1x128xi32>
    %mul3A_1089 = arith.muli %mul3A_1088, %broadcast_in_dim3A : vector<1x128xi32>
    %add3A_1090 = arith.constant 0 : i32
    %add3A_1091 = vector.broadcast %add3A_1090 : i32 to vector<1x128xi32>
    %add3A_1092 = arith.addi %mul3A_1089, %add3A_1091 : vector<1x128xi32>
    %sub3A_1093 = arith.constant 0 : i32
    %sub3A_1094 = vector.broadcast %sub3A_1093 : i32 to vector<1x128xi32>
    %sub3A_1095 = arith.subi %add3A_1092, %sub3A_1094 : vector<1x128xi32>
    %ge3A_1096 = arith.constant 0 : i32
    %ge3A_1097 = vector.broadcast %ge3A_1096 : i32 to vector<1x128xi32>
    %ge3A_1098 = arith.cmpi sge, %sub3A_1095, %ge3A_1097 : vector<1x128xi32>
    %lt3A_1099 = arith.constant 128 : i32
    %lt3A_1100 = vector.broadcast %lt3A_1099 : i32 to vector<1x128xi32>
    %lt3A_1101 = arith.cmpi slt, %sub3A_1095, %lt3A_1100 : vector<1x128xi32>
    %and3A_1102 = arith.andi %ge3A_1098, %lt3A_1101 : vector<1x128xi1>
    %jit3A_1103 = arith.constant 0 : i32
    %jit3A_1104 = arith.constant 127 : i32
    %max3A_1105 = vector.broadcast %jit3A_1103 : i32 to vector<1x128xi32>
    %max3A_1106 = arith.maxsi %max3A_1105, %sub3A_1095 : vector<1x128xi32>
    %min3A_1107 = vector.broadcast %jit3A_1104 : i32 to vector<1x128xi32>
    %min3A_1108 = arith.minsi %min3A_1107, %max3A_1106 : vector<1x128xi32>
    %broadcast_in_dim3A_1109 = vector.shape_cast %min3A_1108 : vector<1x128xi32> to vector<1x128xi32>
    %broadcast_in_dim3A_1110 = vector.broadcast %broadcast_in_dim3A_1109 : vector<1x128xi32> to vector<512x128xi32>
    %lt3A_1111 = arith.constant 0 : i32
    %lt3A_1112 = vector.broadcast %lt3A_1111 : i32 to vector<512x128xi32>
    %lt3A_1113 = arith.cmpi slt, %broadcast_in_dim3A_1110, %lt3A_1112 : vector<512x128xi32>
    %add3A_1114 = arith.constant 128 : i32
    %add3A_1115 = vector.broadcast %add3A_1114 : i32 to vector<512x128xi32>
    %add3A_1116 = arith.addi %broadcast_in_dim3A_1110, %add3A_1115 : vector<512x128xi32>
    %select_n3A_1117 = arith.select %lt3A_1113, %add3A_1116, %broadcast_in_dim3A_1110 : vector<512x128xi1>, vector<512x128xi32>
    %reshape3A_1118 = vector.shape_cast %select_n3A_1117 : vector<512x128xi32> to vector<512x128x1xi32>
    %gather3A_1119 = vector.shape_cast %reshape3A_1118 : vector<512x128x1xi32> to vector<512x128xi32>
    %gather3A_1120 = tpu.dynamic_gather %slice3A_1086[%gather3A_1119] in [1] : vector<512x128xi32>, vector<512x128xi32> -> vector<512x128xi32>
    %broadcast_in_dim3A_1121 = vector.shape_cast %and3A_1102 : vector<1x128xi1> to vector<1x128xi1>
    %broadcast_in_dim3A_1122 = vector.broadcast %broadcast_in_dim3A_1121 : vector<1x128xi1> to vector<512x128xi1>
    %jit3A_1123 = arith.constant 0 : i32
    %broadcast_in_dim3A_1124 = vector.broadcast %jit3A_1123 : i32 to vector<512x128xi32>
    %select_n3A_1125 = arith.select %broadcast_in_dim3A_1122, %gather3A_1120, %broadcast_in_dim3A_1124 : vector<512x128xi1>, vector<512x128xi32>
    %or3A_1126 = arith.ori %broadcast_in_dim3A_1085, %select_n3A_1125 : vector<512x128xi32>
    %mul3A_1127 = arith.constant 3 : i32
    %mul3A_1128 = vector.broadcast %mul3A_1127 : i32 to vector<1x128xi32>
    %mul3A_1129 = arith.muli %mul3A_1128, %broadcast_in_dim3A : vector<1x128xi32>
    %add3A_1130 = arith.constant 1 : i32
    %add3A_1131 = vector.broadcast %add3A_1130 : i32 to vector<1x128xi32>
    %add3A_1132 = arith.addi %mul3A_1129, %add3A_1131 : vector<1x128xi32>
    %sub3A_1133 = arith.constant 0 : i32
    %sub3A_1134 = vector.broadcast %sub3A_1133 : i32 to vector<1x128xi32>
    %sub3A_1135 = arith.subi %add3A_1132, %sub3A_1134 : vector<1x128xi32>
    %ge3A_1136 = arith.constant 0 : i32
    %ge3A_1137 = vector.broadcast %ge3A_1136 : i32 to vector<1x128xi32>
    %ge3A_1138 = arith.cmpi sge, %sub3A_1135, %ge3A_1137 : vector<1x128xi32>
    %lt3A_1139 = arith.constant 128 : i32
    %lt3A_1140 = vector.broadcast %lt3A_1139 : i32 to vector<1x128xi32>
    %lt3A_1141 = arith.cmpi slt, %sub3A_1135, %lt3A_1140 : vector<1x128xi32>
    %and3A_1142 = arith.andi %ge3A_1138, %lt3A_1141 : vector<1x128xi1>
    %jit3A_1143 = arith.constant 0 : i32
    %jit3A_1144 = arith.constant 127 : i32
    %max3A_1145 = vector.broadcast %jit3A_1143 : i32 to vector<1x128xi32>
    %max3A_1146 = arith.maxsi %max3A_1145, %sub3A_1135 : vector<1x128xi32>
    %min3A_1147 = vector.broadcast %jit3A_1144 : i32 to vector<1x128xi32>
    %min3A_1148 = arith.minsi %min3A_1147, %max3A_1146 : vector<1x128xi32>
    %broadcast_in_dim3A_1149 = vector.shape_cast %min3A_1148 : vector<1x128xi32> to vector<1x128xi32>
    %broadcast_in_dim3A_1150 = vector.broadcast %broadcast_in_dim3A_1149 : vector<1x128xi32> to vector<512x128xi32>
    %lt3A_1151 = arith.constant 0 : i32
    %lt3A_1152 = vector.broadcast %lt3A_1151 : i32 to vector<512x128xi32>
    %lt3A_1153 = arith.cmpi slt, %broadcast_in_dim3A_1150, %lt3A_1152 : vector<512x128xi32>
    %add3A_1154 = arith.constant 128 : i32
    %add3A_1155 = vector.broadcast %add3A_1154 : i32 to vector<512x128xi32>
    %add3A_1156 = arith.addi %broadcast_in_dim3A_1150, %add3A_1155 : vector<512x128xi32>
    %select_n3A_1157 = arith.select %lt3A_1153, %add3A_1156, %broadcast_in_dim3A_1150 : vector<512x128xi1>, vector<512x128xi32>
    %reshape3A_1158 = vector.shape_cast %select_n3A_1157 : vector<512x128xi32> to vector<512x128x1xi32>
    %gather3A_1159 = vector.shape_cast %reshape3A_1158 : vector<512x128x1xi32> to vector<512x128xi32>
    %gather3A_1160 = tpu.dynamic_gather %slice3A_1086[%gather3A_1159] in [1] : vector<512x128xi32>, vector<512x128xi32> -> vector<512x128xi32>
    %broadcast_in_dim3A_1161 = vector.shape_cast %and3A_1142 : vector<1x128xi1> to vector<1x128xi1>
    %broadcast_in_dim3A_1162 = vector.broadcast %broadcast_in_dim3A_1161 : vector<1x128xi1> to vector<512x128xi1>
    %jit3A_1163 = arith.constant 0 : i32
    %broadcast_in_dim3A_1164 = vector.broadcast %jit3A_1163 : i32 to vector<512x128xi32>
    %select_n3A_1165 = arith.select %broadcast_in_dim3A_1162, %gather3A_1160, %broadcast_in_dim3A_1164 : vector<512x128xi1>, vector<512x128xi32>
    %or3A_1166 = arith.ori %or3A_1126, %select_n3A_1165 : vector<512x128xi32>
    %mul3A_1167 = arith.constant 3 : i32
    %mul3A_1168 = vector.broadcast %mul3A_1167 : i32 to vector<1x128xi32>
    %mul3A_1169 = arith.muli %mul3A_1168, %broadcast_in_dim3A : vector<1x128xi32>
    %add3A_1170 = arith.constant 2 : i32
    %add3A_1171 = vector.broadcast %add3A_1170 : i32 to vector<1x128xi32>
    %add3A_1172 = arith.addi %mul3A_1169, %add3A_1171 : vector<1x128xi32>
    %sub3A_1173 = arith.constant 0 : i32
    %sub3A_1174 = vector.broadcast %sub3A_1173 : i32 to vector<1x128xi32>
    %sub3A_1175 = arith.subi %add3A_1172, %sub3A_1174 : vector<1x128xi32>
    %ge3A_1176 = arith.constant 0 : i32
    %ge3A_1177 = vector.broadcast %ge3A_1176 : i32 to vector<1x128xi32>
    %ge3A_1178 = arith.cmpi sge, %sub3A_1175, %ge3A_1177 : vector<1x128xi32>
    %lt3A_1179 = arith.constant 128 : i32
    %lt3A_1180 = vector.broadcast %lt3A_1179 : i32 to vector<1x128xi32>
    %lt3A_1181 = arith.cmpi slt, %sub3A_1175, %lt3A_1180 : vector<1x128xi32>
    %and3A_1182 = arith.andi %ge3A_1178, %lt3A_1181 : vector<1x128xi1>
    %jit3A_1183 = arith.constant 0 : i32
    %jit3A_1184 = arith.constant 127 : i32
    %max3A_1185 = vector.broadcast %jit3A_1183 : i32 to vector<1x128xi32>
    %max3A_1186 = arith.maxsi %max3A_1185, %sub3A_1175 : vector<1x128xi32>
    %min3A_1187 = vector.broadcast %jit3A_1184 : i32 to vector<1x128xi32>
    %min3A_1188 = arith.minsi %min3A_1187, %max3A_1186 : vector<1x128xi32>
    %broadcast_in_dim3A_1189 = vector.shape_cast %min3A_1188 : vector<1x128xi32> to vector<1x128xi32>
    %broadcast_in_dim3A_1190 = vector.broadcast %broadcast_in_dim3A_1189 : vector<1x128xi32> to vector<512x128xi32>
    %lt3A_1191 = arith.constant 0 : i32
    %lt3A_1192 = vector.broadcast %lt3A_1191 : i32 to vector<512x128xi32>
    %lt3A_1193 = arith.cmpi slt, %broadcast_in_dim3A_1190, %lt3A_1192 : vector<512x128xi32>
    %add3A_1194 = arith.constant 128 : i32
    %add3A_1195 = vector.broadcast %add3A_1194 : i32 to vector<512x128xi32>
    %add3A_1196 = arith.addi %broadcast_in_dim3A_1190, %add3A_1195 : vector<512x128xi32>
    %select_n3A_1197 = arith.select %lt3A_1193, %add3A_1196, %broadcast_in_dim3A_1190 : vector<512x128xi1>, vector<512x128xi32>
    %reshape3A_1198 = vector.shape_cast %select_n3A_1197 : vector<512x128xi32> to vector<512x128x1xi32>
    %gather3A_1199 = vector.shape_cast %reshape3A_1198 : vector<512x128x1xi32> to vector<512x128xi32>
    %gather3A_1200 = tpu.dynamic_gather %slice3A_1086[%gather3A_1199] in [1] : vector<512x128xi32>, vector<512x128xi32> -> vector<512x128xi32>
    %broadcast_in_dim3A_1201 = vector.shape_cast %and3A_1182 : vector<1x128xi1> to vector<1x128xi1>
    %broadcast_in_dim3A_1202 = vector.broadcast %broadcast_in_dim3A_1201 : vector<1x128xi1> to vector<512x128xi1>
    %jit3A_1203 = arith.constant 0 : i32
    %broadcast_in_dim3A_1204 = vector.broadcast %jit3A_1203 : i32 to vector<512x128xi32>
    %select_n3A_1205 = arith.select %broadcast_in_dim3A_1202, %gather3A_1200, %broadcast_in_dim3A_1204 : vector<512x128xi1>, vector<512x128xi32>
    %or3A_1206 = arith.ori %or3A_1166, %select_n3A_1205 : vector<512x128xi32>
    %slice3A_1207 = vector.extract_strided_slice %bitcast_convert_type3A {offsets = [0, 1280], sizes = [512, 128], strides = [1, 1]} : vector<512x1536xi32> to vector<512x128xi32>
    %mul3A_1208 = arith.constant 3 : i32
    %mul3A_1209 = vector.broadcast %mul3A_1208 : i32 to vector<1x128xi32>
    %mul3A_1210 = arith.muli %mul3A_1209, %broadcast_in_dim3A : vector<1x128xi32>
    %add3A_1211 = arith.constant 0 : i32
    %add3A_1212 = vector.broadcast %add3A_1211 : i32 to vector<1x128xi32>
    %add3A_1213 = arith.addi %mul3A_1210, %add3A_1212 : vector<1x128xi32>
    %sub3A_1214 = arith.constant 128 : i32
    %sub3A_1215 = vector.broadcast %sub3A_1214 : i32 to vector<1x128xi32>
    %sub3A_1216 = arith.subi %add3A_1213, %sub3A_1215 : vector<1x128xi32>
    %ge3A_1217 = arith.constant 0 : i32
    %ge3A_1218 = vector.broadcast %ge3A_1217 : i32 to vector<1x128xi32>
    %ge3A_1219 = arith.cmpi sge, %sub3A_1216, %ge3A_1218 : vector<1x128xi32>
    %lt3A_1220 = arith.constant 128 : i32
    %lt3A_1221 = vector.broadcast %lt3A_1220 : i32 to vector<1x128xi32>
    %lt3A_1222 = arith.cmpi slt, %sub3A_1216, %lt3A_1221 : vector<1x128xi32>
    %and3A_1223 = arith.andi %ge3A_1219, %lt3A_1222 : vector<1x128xi1>
    %jit3A_1224 = arith.constant 0 : i32
    %jit3A_1225 = arith.constant 127 : i32
    %max3A_1226 = vector.broadcast %jit3A_1224 : i32 to vector<1x128xi32>
    %max3A_1227 = arith.maxsi %max3A_1226, %sub3A_1216 : vector<1x128xi32>
    %min3A_1228 = vector.broadcast %jit3A_1225 : i32 to vector<1x128xi32>
    %min3A_1229 = arith.minsi %min3A_1228, %max3A_1227 : vector<1x128xi32>
    %broadcast_in_dim3A_1230 = vector.shape_cast %min3A_1229 : vector<1x128xi32> to vector<1x128xi32>
    %broadcast_in_dim3A_1231 = vector.broadcast %broadcast_in_dim3A_1230 : vector<1x128xi32> to vector<512x128xi32>
    %lt3A_1232 = arith.constant 0 : i32
    %lt3A_1233 = vector.broadcast %lt3A_1232 : i32 to vector<512x128xi32>
    %lt3A_1234 = arith.cmpi slt, %broadcast_in_dim3A_1231, %lt3A_1233 : vector<512x128xi32>
    %add3A_1235 = arith.constant 128 : i32
    %add3A_1236 = vector.broadcast %add3A_1235 : i32 to vector<512x128xi32>
    %add3A_1237 = arith.addi %broadcast_in_dim3A_1231, %add3A_1236 : vector<512x128xi32>
    %select_n3A_1238 = arith.select %lt3A_1234, %add3A_1237, %broadcast_in_dim3A_1231 : vector<512x128xi1>, vector<512x128xi32>
    %reshape3A_1239 = vector.shape_cast %select_n3A_1238 : vector<512x128xi32> to vector<512x128x1xi32>
    %gather3A_1240 = vector.shape_cast %reshape3A_1239 : vector<512x128x1xi32> to vector<512x128xi32>
    %gather3A_1241 = tpu.dynamic_gather %slice3A_1207[%gather3A_1240] in [1] : vector<512x128xi32>, vector<512x128xi32> -> vector<512x128xi32>
    %broadcast_in_dim3A_1242 = vector.shape_cast %and3A_1223 : vector<1x128xi1> to vector<1x128xi1>
    %broadcast_in_dim3A_1243 = vector.broadcast %broadcast_in_dim3A_1242 : vector<1x128xi1> to vector<512x128xi1>
    %jit3A_1244 = arith.constant 0 : i32
    %broadcast_in_dim3A_1245 = vector.broadcast %jit3A_1244 : i32 to vector<512x128xi32>
    %select_n3A_1246 = arith.select %broadcast_in_dim3A_1243, %gather3A_1241, %broadcast_in_dim3A_1245 : vector<512x128xi1>, vector<512x128xi32>
    %or3A_1247 = arith.ori %or3A_1206, %select_n3A_1246 : vector<512x128xi32>
    %mul3A_1248 = arith.constant 3 : i32
    %mul3A_1249 = vector.broadcast %mul3A_1248 : i32 to vector<1x128xi32>
    %mul3A_1250 = arith.muli %mul3A_1249, %broadcast_in_dim3A : vector<1x128xi32>
    %add3A_1251 = arith.constant 1 : i32
    %add3A_1252 = vector.broadcast %add3A_1251 : i32 to vector<1x128xi32>
    %add3A_1253 = arith.addi %mul3A_1250, %add3A_1252 : vector<1x128xi32>
    %sub3A_1254 = arith.constant 128 : i32
    %sub3A_1255 = vector.broadcast %sub3A_1254 : i32 to vector<1x128xi32>
    %sub3A_1256 = arith.subi %add3A_1253, %sub3A_1255 : vector<1x128xi32>
    %ge3A_1257 = arith.constant 0 : i32
    %ge3A_1258 = vector.broadcast %ge3A_1257 : i32 to vector<1x128xi32>
    %ge3A_1259 = arith.cmpi sge, %sub3A_1256, %ge3A_1258 : vector<1x128xi32>
    %lt3A_1260 = arith.constant 128 : i32
    %lt3A_1261 = vector.broadcast %lt3A_1260 : i32 to vector<1x128xi32>
    %lt3A_1262 = arith.cmpi slt, %sub3A_1256, %lt3A_1261 : vector<1x128xi32>
    %and3A_1263 = arith.andi %ge3A_1259, %lt3A_1262 : vector<1x128xi1>
    %jit3A_1264 = arith.constant 0 : i32
    %jit3A_1265 = arith.constant 127 : i32
    %max3A_1266 = vector.broadcast %jit3A_1264 : i32 to vector<1x128xi32>
    %max3A_1267 = arith.maxsi %max3A_1266, %sub3A_1256 : vector<1x128xi32>
    %min3A_1268 = vector.broadcast %jit3A_1265 : i32 to vector<1x128xi32>
    %min3A_1269 = arith.minsi %min3A_1268, %max3A_1267 : vector<1x128xi32>
    %broadcast_in_dim3A_1270 = vector.shape_cast %min3A_1269 : vector<1x128xi32> to vector<1x128xi32>
    %broadcast_in_dim3A_1271 = vector.broadcast %broadcast_in_dim3A_1270 : vector<1x128xi32> to vector<512x128xi32>
    %lt3A_1272 = arith.constant 0 : i32
    %lt3A_1273 = vector.broadcast %lt3A_1272 : i32 to vector<512x128xi32>
    %lt3A_1274 = arith.cmpi slt, %broadcast_in_dim3A_1271, %lt3A_1273 : vector<512x128xi32>
    %add3A_1275 = arith.constant 128 : i32
    %add3A_1276 = vector.broadcast %add3A_1275 : i32 to vector<512x128xi32>
    %add3A_1277 = arith.addi %broadcast_in_dim3A_1271, %add3A_1276 : vector<512x128xi32>
    %select_n3A_1278 = arith.select %lt3A_1274, %add3A_1277, %broadcast_in_dim3A_1271 : vector<512x128xi1>, vector<512x128xi32>
    %reshape3A_1279 = vector.shape_cast %select_n3A_1278 : vector<512x128xi32> to vector<512x128x1xi32>
    %gather3A_1280 = vector.shape_cast %reshape3A_1279 : vector<512x128x1xi32> to vector<512x128xi32>
    %gather3A_1281 = tpu.dynamic_gather %slice3A_1207[%gather3A_1280] in [1] : vector<512x128xi32>, vector<512x128xi32> -> vector<512x128xi32>
    %broadcast_in_dim3A_1282 = vector.shape_cast %and3A_1263 : vector<1x128xi1> to vector<1x128xi1>
    %broadcast_in_dim3A_1283 = vector.broadcast %broadcast_in_dim3A_1282 : vector<1x128xi1> to vector<512x128xi1>
    %jit3A_1284 = arith.constant 0 : i32
    %broadcast_in_dim3A_1285 = vector.broadcast %jit3A_1284 : i32 to vector<512x128xi32>
    %select_n3A_1286 = arith.select %broadcast_in_dim3A_1283, %gather3A_1281, %broadcast_in_dim3A_1285 : vector<512x128xi1>, vector<512x128xi32>
    %or3A_1287 = arith.ori %or3A_1247, %select_n3A_1286 : vector<512x128xi32>
    %mul3A_1288 = arith.constant 3 : i32
    %mul3A_1289 = vector.broadcast %mul3A_1288 : i32 to vector<1x128xi32>
    %mul3A_1290 = arith.muli %mul3A_1289, %broadcast_in_dim3A : vector<1x128xi32>
    %add3A_1291 = arith.constant 2 : i32
    %add3A_1292 = vector.broadcast %add3A_1291 : i32 to vector<1x128xi32>
    %add3A_1293 = arith.addi %mul3A_1290, %add3A_1292 : vector<1x128xi32>
    %sub3A_1294 = arith.constant 128 : i32
    %sub3A_1295 = vector.broadcast %sub3A_1294 : i32 to vector<1x128xi32>
    %sub3A_1296 = arith.subi %add3A_1293, %sub3A_1295 : vector<1x128xi32>
    %ge3A_1297 = arith.constant 0 : i32
    %ge3A_1298 = vector.broadcast %ge3A_1297 : i32 to vector<1x128xi32>
    %ge3A_1299 = arith.cmpi sge, %sub3A_1296, %ge3A_1298 : vector<1x128xi32>
    %lt3A_1300 = arith.constant 128 : i32
    %lt3A_1301 = vector.broadcast %lt3A_1300 : i32 to vector<1x128xi32>
    %lt3A_1302 = arith.cmpi slt, %sub3A_1296, %lt3A_1301 : vector<1x128xi32>
    %and3A_1303 = arith.andi %ge3A_1299, %lt3A_1302 : vector<1x128xi1>
    %jit3A_1304 = arith.constant 0 : i32
    %jit3A_1305 = arith.constant 127 : i32
    %max3A_1306 = vector.broadcast %jit3A_1304 : i32 to vector<1x128xi32>
    %max3A_1307 = arith.maxsi %max3A_1306, %sub3A_1296 : vector<1x128xi32>
    %min3A_1308 = vector.broadcast %jit3A_1305 : i32 to vector<1x128xi32>
    %min3A_1309 = arith.minsi %min3A_1308, %max3A_1307 : vector<1x128xi32>
    %broadcast_in_dim3A_1310 = vector.shape_cast %min3A_1309 : vector<1x128xi32> to vector<1x128xi32>
    %broadcast_in_dim3A_1311 = vector.broadcast %broadcast_in_dim3A_1310 : vector<1x128xi32> to vector<512x128xi32>
    %lt3A_1312 = arith.constant 0 : i32
    %lt3A_1313 = vector.broadcast %lt3A_1312 : i32 to vector<512x128xi32>
    %lt3A_1314 = arith.cmpi slt, %broadcast_in_dim3A_1311, %lt3A_1313 : vector<512x128xi32>
    %add3A_1315 = arith.constant 128 : i32
    %add3A_1316 = vector.broadcast %add3A_1315 : i32 to vector<512x128xi32>
    %add3A_1317 = arith.addi %broadcast_in_dim3A_1311, %add3A_1316 : vector<512x128xi32>
    %select_n3A_1318 = arith.select %lt3A_1314, %add3A_1317, %broadcast_in_dim3A_1311 : vector<512x128xi1>, vector<512x128xi32>
    %reshape3A_1319 = vector.shape_cast %select_n3A_1318 : vector<512x128xi32> to vector<512x128x1xi32>
    %gather3A_1320 = vector.shape_cast %reshape3A_1319 : vector<512x128x1xi32> to vector<512x128xi32>
    %gather3A_1321 = tpu.dynamic_gather %slice3A_1207[%gather3A_1320] in [1] : vector<512x128xi32>, vector<512x128xi32> -> vector<512x128xi32>
    %broadcast_in_dim3A_1322 = vector.shape_cast %and3A_1303 : vector<1x128xi1> to vector<1x128xi1>
    %broadcast_in_dim3A_1323 = vector.broadcast %broadcast_in_dim3A_1322 : vector<1x128xi1> to vector<512x128xi1>
    %jit3A_1324 = arith.constant 0 : i32
    %broadcast_in_dim3A_1325 = vector.broadcast %jit3A_1324 : i32 to vector<512x128xi32>
    %select_n3A_1326 = arith.select %broadcast_in_dim3A_1323, %gather3A_1321, %broadcast_in_dim3A_1325 : vector<512x128xi1>, vector<512x128xi32>
    %or3A_1327 = arith.ori %or3A_1287, %select_n3A_1326 : vector<512x128xi32>
    %slice3A_1328 = vector.extract_strided_slice %bitcast_convert_type3A {offsets = [0, 1408], sizes = [512, 128], strides = [1, 1]} : vector<512x1536xi32> to vector<512x128xi32>
    %mul3A_1329 = arith.constant 3 : i32
    %mul3A_1330 = vector.broadcast %mul3A_1329 : i32 to vector<1x128xi32>
    %mul3A_1331 = arith.muli %mul3A_1330, %broadcast_in_dim3A : vector<1x128xi32>
    %add3A_1332 = arith.constant 0 : i32
    %add3A_1333 = vector.broadcast %add3A_1332 : i32 to vector<1x128xi32>
    %add3A_1334 = arith.addi %mul3A_1331, %add3A_1333 : vector<1x128xi32>
    %sub3A_1335 = arith.constant 256 : i32
    %sub3A_1336 = vector.broadcast %sub3A_1335 : i32 to vector<1x128xi32>
    %sub3A_1337 = arith.subi %add3A_1334, %sub3A_1336 : vector<1x128xi32>
    %ge3A_1338 = arith.constant 0 : i32
    %ge3A_1339 = vector.broadcast %ge3A_1338 : i32 to vector<1x128xi32>
    %ge3A_1340 = arith.cmpi sge, %sub3A_1337, %ge3A_1339 : vector<1x128xi32>
    %lt3A_1341 = arith.constant 128 : i32
    %lt3A_1342 = vector.broadcast %lt3A_1341 : i32 to vector<1x128xi32>
    %lt3A_1343 = arith.cmpi slt, %sub3A_1337, %lt3A_1342 : vector<1x128xi32>
    %and3A_1344 = arith.andi %ge3A_1340, %lt3A_1343 : vector<1x128xi1>
    %jit3A_1345 = arith.constant 0 : i32
    %jit3A_1346 = arith.constant 127 : i32
    %max3A_1347 = vector.broadcast %jit3A_1345 : i32 to vector<1x128xi32>
    %max3A_1348 = arith.maxsi %max3A_1347, %sub3A_1337 : vector<1x128xi32>
    %min3A_1349 = vector.broadcast %jit3A_1346 : i32 to vector<1x128xi32>
    %min3A_1350 = arith.minsi %min3A_1349, %max3A_1348 : vector<1x128xi32>
    %broadcast_in_dim3A_1351 = vector.shape_cast %min3A_1350 : vector<1x128xi32> to vector<1x128xi32>
    %broadcast_in_dim3A_1352 = vector.broadcast %broadcast_in_dim3A_1351 : vector<1x128xi32> to vector<512x128xi32>
    %lt3A_1353 = arith.constant 0 : i32
    %lt3A_1354 = vector.broadcast %lt3A_1353 : i32 to vector<512x128xi32>
    %lt3A_1355 = arith.cmpi slt, %broadcast_in_dim3A_1352, %lt3A_1354 : vector<512x128xi32>
    %add3A_1356 = arith.constant 128 : i32
    %add3A_1357 = vector.broadcast %add3A_1356 : i32 to vector<512x128xi32>
    %add3A_1358 = arith.addi %broadcast_in_dim3A_1352, %add3A_1357 : vector<512x128xi32>
    %select_n3A_1359 = arith.select %lt3A_1355, %add3A_1358, %broadcast_in_dim3A_1352 : vector<512x128xi1>, vector<512x128xi32>
    %reshape3A_1360 = vector.shape_cast %select_n3A_1359 : vector<512x128xi32> to vector<512x128x1xi32>
    %gather3A_1361 = vector.shape_cast %reshape3A_1360 : vector<512x128x1xi32> to vector<512x128xi32>
    %gather3A_1362 = tpu.dynamic_gather %slice3A_1328[%gather3A_1361] in [1] : vector<512x128xi32>, vector<512x128xi32> -> vector<512x128xi32>
    %broadcast_in_dim3A_1363 = vector.shape_cast %and3A_1344 : vector<1x128xi1> to vector<1x128xi1>
    %broadcast_in_dim3A_1364 = vector.broadcast %broadcast_in_dim3A_1363 : vector<1x128xi1> to vector<512x128xi1>
    %jit3A_1365 = arith.constant 0 : i32
    %broadcast_in_dim3A_1366 = vector.broadcast %jit3A_1365 : i32 to vector<512x128xi32>
    %select_n3A_1367 = arith.select %broadcast_in_dim3A_1364, %gather3A_1362, %broadcast_in_dim3A_1366 : vector<512x128xi1>, vector<512x128xi32>
    %or3A_1368 = arith.ori %or3A_1327, %select_n3A_1367 : vector<512x128xi32>
    %mul3A_1369 = arith.constant 3 : i32
    %mul3A_1370 = vector.broadcast %mul3A_1369 : i32 to vector<1x128xi32>
    %mul3A_1371 = arith.muli %mul3A_1370, %broadcast_in_dim3A : vector<1x128xi32>
    %add3A_1372 = arith.constant 1 : i32
    %add3A_1373 = vector.broadcast %add3A_1372 : i32 to vector<1x128xi32>
    %add3A_1374 = arith.addi %mul3A_1371, %add3A_1373 : vector<1x128xi32>
    %sub3A_1375 = arith.constant 256 : i32
    %sub3A_1376 = vector.broadcast %sub3A_1375 : i32 to vector<1x128xi32>
    %sub3A_1377 = arith.subi %add3A_1374, %sub3A_1376 : vector<1x128xi32>
    %ge3A_1378 = arith.constant 0 : i32
    %ge3A_1379 = vector.broadcast %ge3A_1378 : i32 to vector<1x128xi32>
    %ge3A_1380 = arith.cmpi sge, %sub3A_1377, %ge3A_1379 : vector<1x128xi32>
    %lt3A_1381 = arith.constant 128 : i32
    %lt3A_1382 = vector.broadcast %lt3A_1381 : i32 to vector<1x128xi32>
    %lt3A_1383 = arith.cmpi slt, %sub3A_1377, %lt3A_1382 : vector<1x128xi32>
    %and3A_1384 = arith.andi %ge3A_1380, %lt3A_1383 : vector<1x128xi1>
    %jit3A_1385 = arith.constant 0 : i32
    %jit3A_1386 = arith.constant 127 : i32
    %max3A_1387 = vector.broadcast %jit3A_1385 : i32 to vector<1x128xi32>
    %max3A_1388 = arith.maxsi %max3A_1387, %sub3A_1377 : vector<1x128xi32>
    %min3A_1389 = vector.broadcast %jit3A_1386 : i32 to vector<1x128xi32>
    %min3A_1390 = arith.minsi %min3A_1389, %max3A_1388 : vector<1x128xi32>
    %broadcast_in_dim3A_1391 = vector.shape_cast %min3A_1390 : vector<1x128xi32> to vector<1x128xi32>
    %broadcast_in_dim3A_1392 = vector.broadcast %broadcast_in_dim3A_1391 : vector<1x128xi32> to vector<512x128xi32>
    %lt3A_1393 = arith.constant 0 : i32
    %lt3A_1394 = vector.broadcast %lt3A_1393 : i32 to vector<512x128xi32>
    %lt3A_1395 = arith.cmpi slt, %broadcast_in_dim3A_1392, %lt3A_1394 : vector<512x128xi32>
    %add3A_1396 = arith.constant 128 : i32
    %add3A_1397 = vector.broadcast %add3A_1396 : i32 to vector<512x128xi32>
    %add3A_1398 = arith.addi %broadcast_in_dim3A_1392, %add3A_1397 : vector<512x128xi32>
    %select_n3A_1399 = arith.select %lt3A_1395, %add3A_1398, %broadcast_in_dim3A_1392 : vector<512x128xi1>, vector<512x128xi32>
    %reshape3A_1400 = vector.shape_cast %select_n3A_1399 : vector<512x128xi32> to vector<512x128x1xi32>
    %gather3A_1401 = vector.shape_cast %reshape3A_1400 : vector<512x128x1xi32> to vector<512x128xi32>
    %gather3A_1402 = tpu.dynamic_gather %slice3A_1328[%gather3A_1401] in [1] : vector<512x128xi32>, vector<512x128xi32> -> vector<512x128xi32>
    %broadcast_in_dim3A_1403 = vector.shape_cast %and3A_1384 : vector<1x128xi1> to vector<1x128xi1>
    %broadcast_in_dim3A_1404 = vector.broadcast %broadcast_in_dim3A_1403 : vector<1x128xi1> to vector<512x128xi1>
    %jit3A_1405 = arith.constant 0 : i32
    %broadcast_in_dim3A_1406 = vector.broadcast %jit3A_1405 : i32 to vector<512x128xi32>
    %select_n3A_1407 = arith.select %broadcast_in_dim3A_1404, %gather3A_1402, %broadcast_in_dim3A_1406 : vector<512x128xi1>, vector<512x128xi32>
    %or3A_1408 = arith.ori %or3A_1368, %select_n3A_1407 : vector<512x128xi32>
    %mul3A_1409 = arith.constant 3 : i32
    %mul3A_1410 = vector.broadcast %mul3A_1409 : i32 to vector<1x128xi32>
    %mul3A_1411 = arith.muli %mul3A_1410, %broadcast_in_dim3A : vector<1x128xi32>
    %add3A_1412 = arith.constant 2 : i32
    %add3A_1413 = vector.broadcast %add3A_1412 : i32 to vector<1x128xi32>
    %add3A_1414 = arith.addi %mul3A_1411, %add3A_1413 : vector<1x128xi32>
    %sub3A_1415 = arith.constant 256 : i32
    %sub3A_1416 = vector.broadcast %sub3A_1415 : i32 to vector<1x128xi32>
    %sub3A_1417 = arith.subi %add3A_1414, %sub3A_1416 : vector<1x128xi32>
    %ge3A_1418 = arith.constant 0 : i32
    %ge3A_1419 = vector.broadcast %ge3A_1418 : i32 to vector<1x128xi32>
    %ge3A_1420 = arith.cmpi sge, %sub3A_1417, %ge3A_1419 : vector<1x128xi32>
    %lt3A_1421 = arith.constant 128 : i32
    %lt3A_1422 = vector.broadcast %lt3A_1421 : i32 to vector<1x128xi32>
    %lt3A_1423 = arith.cmpi slt, %sub3A_1417, %lt3A_1422 : vector<1x128xi32>
    %and3A_1424 = arith.andi %ge3A_1420, %lt3A_1423 : vector<1x128xi1>
    %jit3A_1425 = arith.constant 0 : i32
    %jit3A_1426 = arith.constant 127 : i32
    %max3A_1427 = vector.broadcast %jit3A_1425 : i32 to vector<1x128xi32>
    %max3A_1428 = arith.maxsi %max3A_1427, %sub3A_1417 : vector<1x128xi32>
    %min3A_1429 = vector.broadcast %jit3A_1426 : i32 to vector<1x128xi32>
    %min3A_1430 = arith.minsi %min3A_1429, %max3A_1428 : vector<1x128xi32>
    %broadcast_in_dim3A_1431 = vector.shape_cast %min3A_1430 : vector<1x128xi32> to vector<1x128xi32>
    %broadcast_in_dim3A_1432 = vector.broadcast %broadcast_in_dim3A_1431 : vector<1x128xi32> to vector<512x128xi32>
    %lt3A_1433 = arith.constant 0 : i32
    %lt3A_1434 = vector.broadcast %lt3A_1433 : i32 to vector<512x128xi32>
    %lt3A_1435 = arith.cmpi slt, %broadcast_in_dim3A_1432, %lt3A_1434 : vector<512x128xi32>
    %add3A_1436 = arith.constant 128 : i32
    %add3A_1437 = vector.broadcast %add3A_1436 : i32 to vector<512x128xi32>
    %add3A_1438 = arith.addi %broadcast_in_dim3A_1432, %add3A_1437 : vector<512x128xi32>
    %select_n3A_1439 = arith.select %lt3A_1435, %add3A_1438, %broadcast_in_dim3A_1432 : vector<512x128xi1>, vector<512x128xi32>
    %reshape3A_1440 = vector.shape_cast %select_n3A_1439 : vector<512x128xi32> to vector<512x128x1xi32>
    %gather3A_1441 = vector.shape_cast %reshape3A_1440 : vector<512x128x1xi32> to vector<512x128xi32>
    %gather3A_1442 = tpu.dynamic_gather %slice3A_1328[%gather3A_1441] in [1] : vector<512x128xi32>, vector<512x128xi32> -> vector<512x128xi32>
    %broadcast_in_dim3A_1443 = vector.shape_cast %and3A_1424 : vector<1x128xi1> to vector<1x128xi1>
    %broadcast_in_dim3A_1444 = vector.broadcast %broadcast_in_dim3A_1443 : vector<1x128xi1> to vector<512x128xi1>
    %jit3A_1445 = arith.constant 0 : i32
    %broadcast_in_dim3A_1446 = vector.broadcast %jit3A_1445 : i32 to vector<512x128xi32>
    %select_n3A_1447 = arith.select %broadcast_in_dim3A_1444, %gather3A_1442, %broadcast_in_dim3A_1446 : vector<512x128xi1>, vector<512x128xi32>
    %or3A_1448 = arith.ori %or3A_1408, %select_n3A_1447 : vector<512x128xi32>
    %concatenate3A = tpu.concatenate %or3A_353, %or3A_718, %or3A_1083, %or3A_1448 in 1 : vector<512x128xi32>, vector<512x128xi32>, vector<512x128xi32>, vector<512x128xi32> -> vector<512x512xi32>
    %and3A_1449 = arith.constant 2147483647 : i32
    %and3A_1450 = vector.broadcast %and3A_1449 : i32 to vector<512x512xi32>
    %and3A_1451 = arith.andi %concatenate3A, %and3A_1450 : vector<512x512xi32>
    %eq3A = arith.constant 0 : i32
    %eq3A_1452 = vector.broadcast %eq3A : i32 to vector<512x512xi32>
    %eq3A_1453 = arith.cmpi eq, %and3A_1451, %eq3A_1452 : vector<512x512xi32>
    %get3A_1454 = arith.constant 0 : index
    %get3A_1455 = arith.constant 0 : index
    %get3A_1456 = vector.load %arg2[%get3A_1454, %get3A_1455] : memref<512x128xi32, #tpu.memory_space<vmem>>, vector<512x128xi32>
    %iota3A_1457 = tpu.iota {dimensions = array<i32: 1>} : vector<1x128xi32>
    %iota3A_1458 = vector.shape_cast %iota3A_1457 : vector<1x128xi32> to vector<128xi32>
    %broadcast_in_dim3A_1459 = vector.shape_cast %iota3A_1458 : vector<128xi32> to vector<1x128xi32>
    %jit3A_1460 = arith.constant 4 : i32
    %div3A = vector.broadcast %jit3A_1460 : i32 to vector<1x128xi32>
    %div3A_1461 = arith.divsi %broadcast_in_dim3A_1459, %div3A : vector<1x128xi32>
    %sign3A = arith.constant 0 : i32
    %sign3A_1462 = vector.broadcast %sign3A : i32 to vector<1x128xi32>
    %sign3A_1463 = arith.cmpi sgt, %broadcast_in_dim3A_1459, %sign3A_1462 : vector<1x128xi32>
    %sign3A_1464 = arith.extui %sign3A_1463 : vector<1x128xi1> to vector<1x128xi32>
    %sign3A_1465 = arith.constant 0 : i32
    %sign3A_1466 = vector.broadcast %sign3A_1465 : i32 to vector<1x128xi32>
    %sign3A_1467 = arith.cmpi slt, %broadcast_in_dim3A_1459, %sign3A_1466 : vector<1x128xi32>
    %sign3A_1468 = arith.extui %sign3A_1467 : vector<1x128xi1> to vector<1x128xi32>
    %sign3A_1469 = arith.subi %sign3A_1464, %sign3A_1468 : vector<1x128xi32>
    %sign3A_1470 = arith.constant 0 : i32
    %sign3A_1471 = arith.cmpi sgt, %jit3A_1460, %sign3A_1470 : i32
    %sign3A_1472 = arith.extui %sign3A_1471 : i1 to i32
    %sign3A_1473 = arith.constant 0 : i32
    %sign3A_1474 = arith.cmpi slt, %jit3A_1460, %sign3A_1473 : i32
    %sign3A_1475 = arith.extui %sign3A_1474 : i1 to i32
    %sign3A_1476 = arith.subi %sign3A_1472, %sign3A_1475 : i32
    %ne3A = vector.broadcast %sign3A_1476 : i32 to vector<1x128xi32>
    %ne3A_1477 = arith.cmpi ne, %sign3A_1469, %ne3A : vector<1x128xi32>
    %rem3A = vector.broadcast %jit3A_1460 : i32 to vector<1x128xi32>
    %rem3A_1478 = arith.remsi %broadcast_in_dim3A_1459, %rem3A : vector<1x128xi32>
    %ne3A_1479 = arith.constant 0 : i32
    %ne3A_1480 = vector.broadcast %ne3A_1479 : i32 to vector<1x128xi32>
    %ne3A_1481 = arith.cmpi ne, %rem3A_1478, %ne3A_1480 : vector<1x128xi32>
    %and3A_1482 = arith.andi %ne3A_1477, %ne3A_1481 : vector<1x128xi1>
    %sub3A_1483 = arith.constant 1 : i32
    %sub3A_1484 = vector.broadcast %sub3A_1483 : i32 to vector<1x128xi32>
    %sub3A_1485 = arith.subi %div3A_1461, %sub3A_1484 : vector<1x128xi32>
    %select_n3A_1486 = arith.select %and3A_1482, %sub3A_1485, %div3A_1461 : vector<1x128xi1>, vector<1x128xi32>
    %add3A_1487 = arith.constant 0 : i32
    %add3A_1488 = vector.broadcast %add3A_1487 : i32 to vector<1x128xi32>
    %add3A_1489 = arith.addi %add3A_1488, %select_n3A_1486 : vector<1x128xi32>
    %broadcast_in_dim3A_1490 = vector.shape_cast %add3A_1489 : vector<1x128xi32> to vector<1x128xi32>
    %broadcast_in_dim3A_1491 = vector.broadcast %broadcast_in_dim3A_1490 : vector<1x128xi32> to vector<512x128xi32>
    %lt3A_1492 = arith.constant 0 : i32
    %lt3A_1493 = vector.broadcast %lt3A_1492 : i32 to vector<512x128xi32>
    %lt3A_1494 = arith.cmpi slt, %broadcast_in_dim3A_1491, %lt3A_1493 : vector<512x128xi32>
    %add3A_1495 = arith.constant 128 : i32
    %add3A_1496 = vector.broadcast %add3A_1495 : i32 to vector<512x128xi32>
    %add3A_1497 = arith.addi %broadcast_in_dim3A_1491, %add3A_1496 : vector<512x128xi32>
    %select_n3A_1498 = arith.select %lt3A_1494, %add3A_1497, %broadcast_in_dim3A_1491 : vector<512x128xi1>, vector<512x128xi32>
    %reshape3A_1499 = vector.shape_cast %select_n3A_1498 : vector<512x128xi32> to vector<512x128x1xi32>
    %gather3A_1500 = vector.shape_cast %reshape3A_1499 : vector<512x128x1xi32> to vector<512x128xi32>
    %gather3A_1501 = tpu.dynamic_gather %get3A_1456[%gather3A_1500] in [1] : vector<512x128xi32>, vector<512x128xi32> -> vector<512x128xi32>
    %jit3A_1502 = arith.constant 4 : i32
    %eq3A_1503 = arith.constant 0 : i32
    %eq3A_1504 = arith.cmpi eq, %jit3A_1502, %eq3A_1503 : i32
    %jit3A_1505 = arith.constant 1 : i32
    %select_n3A_1506 = arith.select %eq3A_1504, %jit3A_1505, %jit3A_1502 : i32
    %rem3A_1507 = vector.broadcast %select_n3A_1506 : i32 to vector<1x128xi32>
    %rem3A_1508 = arith.remsi %broadcast_in_dim3A_1459, %rem3A_1507 : vector<1x128xi32>
    %ne3A_1509 = arith.constant 0 : i32
    %ne3A_1510 = vector.broadcast %ne3A_1509 : i32 to vector<1x128xi32>
    %ne3A_1511 = arith.cmpi ne, %rem3A_1508, %ne3A_1510 : vector<1x128xi32>
    %lt3A_1512 = arith.constant 0 : i32
    %lt3A_1513 = vector.broadcast %lt3A_1512 : i32 to vector<1x128xi32>
    %lt3A_1514 = arith.cmpi slt, %rem3A_1508, %lt3A_1513 : vector<1x128xi32>
    %lt3A_1515 = arith.constant 0 : i32
    %lt3A_1516 = arith.cmpi slt, %select_n3A_1506, %lt3A_1515 : i32
    %ne3A_1517 = vector.broadcast %lt3A_1516 : i1 to vector<1x128xi1>
    %ne3A_1518 = vector.broadcast %ne3A_1517 : vector<1x128xi1> to vector<1x128xi1>
    %ne3A_1519 = arith.xori %lt3A_1514, %ne3A_1518 : vector<1x128xi1>
    %and3A_1520 = arith.andi %ne3A_1519, %ne3A_1511 : vector<1x128xi1>
    %add3A_1521 = vector.broadcast %select_n3A_1506 : i32 to vector<1x128xi32>
    %add3A_1522 = arith.addi %rem3A_1508, %add3A_1521 : vector<1x128xi32>
    %select_n3A_1523 = arith.select %and3A_1520, %add3A_1522, %rem3A_1508 : vector<1x128xi1>, vector<1x128xi32>
    %mul3A_1524 = arith.constant 8 : i32
    %mul3A_1525 = vector.broadcast %mul3A_1524 : i32 to vector<1x128xi32>
    %mul3A_1526 = arith.muli %mul3A_1525, %select_n3A_1523 : vector<1x128xi32>
    %broadcast_in_dim3A_1527 = vector.shape_cast %mul3A_1526 : vector<1x128xi32> to vector<1x128xi32>
    %broadcast_in_dim3A_1528 = vector.broadcast %broadcast_in_dim3A_1527 : vector<1x128xi32> to vector<512x128xi32>
    %shift_right_arithmetic3A = arith.shrsi %gather3A_1501, %broadcast_in_dim3A_1528 : vector<512x128xi32>
    %and3A_1529 = arith.constant 255 : i32
    %and3A_1530 = vector.broadcast %and3A_1529 : i32 to vector<512x128xi32>
    %and3A_1531 = arith.andi %shift_right_arithmetic3A, %and3A_1530 : vector<512x128xi32>
    %iota3A_1532 = tpu.iota {dimensions = array<i32: 1>} : vector<1x128xi32>
    %iota3A_1533 = vector.shape_cast %iota3A_1532 : vector<1x128xi32> to vector<128xi32>
    %broadcast_in_dim3A_1534 = vector.shape_cast %iota3A_1533 : vector<128xi32> to vector<1x128xi32>
    %jit3A_1535 = arith.constant 4 : i32
    %div3A_1536 = vector.broadcast %jit3A_1535 : i32 to vector<1x128xi32>
    %div3A_1537 = arith.divsi %broadcast_in_dim3A_1534, %div3A_1536 : vector<1x128xi32>
    %sign3A_1538 = arith.constant 0 : i32
    %sign3A_1539 = vector.broadcast %sign3A_1538 : i32 to vector<1x128xi32>
    %sign3A_1540 = arith.cmpi sgt, %broadcast_in_dim3A_1534, %sign3A_1539 : vector<1x128xi32>
    %sign3A_1541 = arith.extui %sign3A_1540 : vector<1x128xi1> to vector<1x128xi32>
    %sign3A_1542 = arith.constant 0 : i32
    %sign3A_1543 = vector.broadcast %sign3A_1542 : i32 to vector<1x128xi32>
    %sign3A_1544 = arith.cmpi slt, %broadcast_in_dim3A_1534, %sign3A_1543 : vector<1x128xi32>
    %sign3A_1545 = arith.extui %sign3A_1544 : vector<1x128xi1> to vector<1x128xi32>
    %sign3A_1546 = arith.subi %sign3A_1541, %sign3A_1545 : vector<1x128xi32>
    %sign3A_1547 = arith.constant 0 : i32
    %sign3A_1548 = arith.cmpi sgt, %jit3A_1535, %sign3A_1547 : i32
    %sign3A_1549 = arith.extui %sign3A_1548 : i1 to i32
    %sign3A_1550 = arith.constant 0 : i32
    %sign3A_1551 = arith.cmpi slt, %jit3A_1535, %sign3A_1550 : i32
    %sign3A_1552 = arith.extui %sign3A_1551 : i1 to i32
    %sign3A_1553 = arith.subi %sign3A_1549, %sign3A_1552 : i32
    %ne3A_1554 = vector.broadcast %sign3A_1553 : i32 to vector<1x128xi32>
    %ne3A_1555 = arith.cmpi ne, %sign3A_1546, %ne3A_1554 : vector<1x128xi32>
    %rem3A_1556 = vector.broadcast %jit3A_1535 : i32 to vector<1x128xi32>
    %rem3A_1557 = arith.remsi %broadcast_in_dim3A_1534, %rem3A_1556 : vector<1x128xi32>
    %ne3A_1558 = arith.constant 0 : i32
    %ne3A_1559 = vector.broadcast %ne3A_1558 : i32 to vector<1x128xi32>
    %ne3A_1560 = arith.cmpi ne, %rem3A_1557, %ne3A_1559 : vector<1x128xi32>
    %and3A_1561 = arith.andi %ne3A_1555, %ne3A_1560 : vector<1x128xi1>
    %sub3A_1562 = arith.constant 1 : i32
    %sub3A_1563 = vector.broadcast %sub3A_1562 : i32 to vector<1x128xi32>
    %sub3A_1564 = arith.subi %div3A_1537, %sub3A_1563 : vector<1x128xi32>
    %select_n3A_1565 = arith.select %and3A_1561, %sub3A_1564, %div3A_1537 : vector<1x128xi1>, vector<1x128xi32>
    %add3A_1566 = arith.constant 32 : i32
    %add3A_1567 = vector.broadcast %add3A_1566 : i32 to vector<1x128xi32>
    %add3A_1568 = arith.addi %add3A_1567, %select_n3A_1565 : vector<1x128xi32>
    %broadcast_in_dim3A_1569 = vector.shape_cast %add3A_1568 : vector<1x128xi32> to vector<1x128xi32>
    %broadcast_in_dim3A_1570 = vector.broadcast %broadcast_in_dim3A_1569 : vector<1x128xi32> to vector<512x128xi32>
    %lt3A_1571 = arith.constant 0 : i32
    %lt3A_1572 = vector.broadcast %lt3A_1571 : i32 to vector<512x128xi32>
    %lt3A_1573 = arith.cmpi slt, %broadcast_in_dim3A_1570, %lt3A_1572 : vector<512x128xi32>
    %add3A_1574 = arith.constant 128 : i32
    %add3A_1575 = vector.broadcast %add3A_1574 : i32 to vector<512x128xi32>
    %add3A_1576 = arith.addi %broadcast_in_dim3A_1570, %add3A_1575 : vector<512x128xi32>
    %select_n3A_1577 = arith.select %lt3A_1573, %add3A_1576, %broadcast_in_dim3A_1570 : vector<512x128xi1>, vector<512x128xi32>
    %reshape3A_1578 = vector.shape_cast %select_n3A_1577 : vector<512x128xi32> to vector<512x128x1xi32>
    %gather3A_1579 = vector.shape_cast %reshape3A_1578 : vector<512x128x1xi32> to vector<512x128xi32>
    %gather3A_1580 = tpu.dynamic_gather %get3A_1456[%gather3A_1579] in [1] : vector<512x128xi32>, vector<512x128xi32> -> vector<512x128xi32>
    %jit3A_1581 = arith.constant 4 : i32
    %eq3A_1582 = arith.constant 0 : i32
    %eq3A_1583 = arith.cmpi eq, %jit3A_1581, %eq3A_1582 : i32
    %jit3A_1584 = arith.constant 1 : i32
    %select_n3A_1585 = arith.select %eq3A_1583, %jit3A_1584, %jit3A_1581 : i32
    %rem3A_1586 = vector.broadcast %select_n3A_1585 : i32 to vector<1x128xi32>
    %rem3A_1587 = arith.remsi %broadcast_in_dim3A_1534, %rem3A_1586 : vector<1x128xi32>
    %ne3A_1588 = arith.constant 0 : i32
    %ne3A_1589 = vector.broadcast %ne3A_1588 : i32 to vector<1x128xi32>
    %ne3A_1590 = arith.cmpi ne, %rem3A_1587, %ne3A_1589 : vector<1x128xi32>
    %lt3A_1591 = arith.constant 0 : i32
    %lt3A_1592 = vector.broadcast %lt3A_1591 : i32 to vector<1x128xi32>
    %lt3A_1593 = arith.cmpi slt, %rem3A_1587, %lt3A_1592 : vector<1x128xi32>
    %lt3A_1594 = arith.constant 0 : i32
    %lt3A_1595 = arith.cmpi slt, %select_n3A_1585, %lt3A_1594 : i32
    %ne3A_1596 = vector.broadcast %lt3A_1595 : i1 to vector<1x128xi1>
    %ne3A_1597 = vector.broadcast %ne3A_1596 : vector<1x128xi1> to vector<1x128xi1>
    %ne3A_1598 = arith.xori %lt3A_1593, %ne3A_1597 : vector<1x128xi1>
    %and3A_1599 = arith.andi %ne3A_1598, %ne3A_1590 : vector<1x128xi1>
    %add3A_1600 = vector.broadcast %select_n3A_1585 : i32 to vector<1x128xi32>
    %add3A_1601 = arith.addi %rem3A_1587, %add3A_1600 : vector<1x128xi32>
    %select_n3A_1602 = arith.select %and3A_1599, %add3A_1601, %rem3A_1587 : vector<1x128xi1>, vector<1x128xi32>
    %mul3A_1603 = arith.constant 8 : i32
    %mul3A_1604 = vector.broadcast %mul3A_1603 : i32 to vector<1x128xi32>
    %mul3A_1605 = arith.muli %mul3A_1604, %select_n3A_1602 : vector<1x128xi32>
    %broadcast_in_dim3A_1606 = vector.shape_cast %mul3A_1605 : vector<1x128xi32> to vector<1x128xi32>
    %broadcast_in_dim3A_1607 = vector.broadcast %broadcast_in_dim3A_1606 : vector<1x128xi32> to vector<512x128xi32>
    %shift_right_arithmetic3A_1608 = arith.shrsi %gather3A_1580, %broadcast_in_dim3A_1607 : vector<512x128xi32>
    %and3A_1609 = arith.constant 255 : i32
    %and3A_1610 = vector.broadcast %and3A_1609 : i32 to vector<512x128xi32>
    %and3A_1611 = arith.andi %shift_right_arithmetic3A_1608, %and3A_1610 : vector<512x128xi32>
    %iota3A_1612 = tpu.iota {dimensions = array<i32: 1>} : vector<1x128xi32>
    %iota3A_1613 = vector.shape_cast %iota3A_1612 : vector<1x128xi32> to vector<128xi32>
    %broadcast_in_dim3A_1614 = vector.shape_cast %iota3A_1613 : vector<128xi32> to vector<1x128xi32>
    %jit3A_1615 = arith.constant 4 : i32
    %div3A_1616 = vector.broadcast %jit3A_1615 : i32 to vector<1x128xi32>
    %div3A_1617 = arith.divsi %broadcast_in_dim3A_1614, %div3A_1616 : vector<1x128xi32>
    %sign3A_1618 = arith.constant 0 : i32
    %sign3A_1619 = vector.broadcast %sign3A_1618 : i32 to vector<1x128xi32>
    %sign3A_1620 = arith.cmpi sgt, %broadcast_in_dim3A_1614, %sign3A_1619 : vector<1x128xi32>
    %sign3A_1621 = arith.extui %sign3A_1620 : vector<1x128xi1> to vector<1x128xi32>
    %sign3A_1622 = arith.constant 0 : i32
    %sign3A_1623 = vector.broadcast %sign3A_1622 : i32 to vector<1x128xi32>
    %sign3A_1624 = arith.cmpi slt, %broadcast_in_dim3A_1614, %sign3A_1623 : vector<1x128xi32>
    %sign3A_1625 = arith.extui %sign3A_1624 : vector<1x128xi1> to vector<1x128xi32>
    %sign3A_1626 = arith.subi %sign3A_1621, %sign3A_1625 : vector<1x128xi32>
    %sign3A_1627 = arith.constant 0 : i32
    %sign3A_1628 = arith.cmpi sgt, %jit3A_1615, %sign3A_1627 : i32
    %sign3A_1629 = arith.extui %sign3A_1628 : i1 to i32
    %sign3A_1630 = arith.constant 0 : i32
    %sign3A_1631 = arith.cmpi slt, %jit3A_1615, %sign3A_1630 : i32
    %sign3A_1632 = arith.extui %sign3A_1631 : i1 to i32
    %sign3A_1633 = arith.subi %sign3A_1629, %sign3A_1632 : i32
    %ne3A_1634 = vector.broadcast %sign3A_1633 : i32 to vector<1x128xi32>
    %ne3A_1635 = arith.cmpi ne, %sign3A_1626, %ne3A_1634 : vector<1x128xi32>
    %rem3A_1636 = vector.broadcast %jit3A_1615 : i32 to vector<1x128xi32>
    %rem3A_1637 = arith.remsi %broadcast_in_dim3A_1614, %rem3A_1636 : vector<1x128xi32>
    %ne3A_1638 = arith.constant 0 : i32
    %ne3A_1639 = vector.broadcast %ne3A_1638 : i32 to vector<1x128xi32>
    %ne3A_1640 = arith.cmpi ne, %rem3A_1637, %ne3A_1639 : vector<1x128xi32>
    %and3A_1641 = arith.andi %ne3A_1635, %ne3A_1640 : vector<1x128xi1>
    %sub3A_1642 = arith.constant 1 : i32
    %sub3A_1643 = vector.broadcast %sub3A_1642 : i32 to vector<1x128xi32>
    %sub3A_1644 = arith.subi %div3A_1617, %sub3A_1643 : vector<1x128xi32>
    %select_n3A_1645 = arith.select %and3A_1641, %sub3A_1644, %div3A_1617 : vector<1x128xi1>, vector<1x128xi32>
    %add3A_1646 = arith.constant 64 : i32
    %add3A_1647 = vector.broadcast %add3A_1646 : i32 to vector<1x128xi32>
    %add3A_1648 = arith.addi %add3A_1647, %select_n3A_1645 : vector<1x128xi32>
    %broadcast_in_dim3A_1649 = vector.shape_cast %add3A_1648 : vector<1x128xi32> to vector<1x128xi32>
    %broadcast_in_dim3A_1650 = vector.broadcast %broadcast_in_dim3A_1649 : vector<1x128xi32> to vector<512x128xi32>
    %lt3A_1651 = arith.constant 0 : i32
    %lt3A_1652 = vector.broadcast %lt3A_1651 : i32 to vector<512x128xi32>
    %lt3A_1653 = arith.cmpi slt, %broadcast_in_dim3A_1650, %lt3A_1652 : vector<512x128xi32>
    %add3A_1654 = arith.constant 128 : i32
    %add3A_1655 = vector.broadcast %add3A_1654 : i32 to vector<512x128xi32>
    %add3A_1656 = arith.addi %broadcast_in_dim3A_1650, %add3A_1655 : vector<512x128xi32>
    %select_n3A_1657 = arith.select %lt3A_1653, %add3A_1656, %broadcast_in_dim3A_1650 : vector<512x128xi1>, vector<512x128xi32>
    %reshape3A_1658 = vector.shape_cast %select_n3A_1657 : vector<512x128xi32> to vector<512x128x1xi32>
    %gather3A_1659 = vector.shape_cast %reshape3A_1658 : vector<512x128x1xi32> to vector<512x128xi32>
    %gather3A_1660 = tpu.dynamic_gather %get3A_1456[%gather3A_1659] in [1] : vector<512x128xi32>, vector<512x128xi32> -> vector<512x128xi32>
    %jit3A_1661 = arith.constant 4 : i32
    %eq3A_1662 = arith.constant 0 : i32
    %eq3A_1663 = arith.cmpi eq, %jit3A_1661, %eq3A_1662 : i32
    %jit3A_1664 = arith.constant 1 : i32
    %select_n3A_1665 = arith.select %eq3A_1663, %jit3A_1664, %jit3A_1661 : i32
    %rem3A_1666 = vector.broadcast %select_n3A_1665 : i32 to vector<1x128xi32>
    %rem3A_1667 = arith.remsi %broadcast_in_dim3A_1614, %rem3A_1666 : vector<1x128xi32>
    %ne3A_1668 = arith.constant 0 : i32
    %ne3A_1669 = vector.broadcast %ne3A_1668 : i32 to vector<1x128xi32>
    %ne3A_1670 = arith.cmpi ne, %rem3A_1667, %ne3A_1669 : vector<1x128xi32>
    %lt3A_1671 = arith.constant 0 : i32
    %lt3A_1672 = vector.broadcast %lt3A_1671 : i32 to vector<1x128xi32>
    %lt3A_1673 = arith.cmpi slt, %rem3A_1667, %lt3A_1672 : vector<1x128xi32>
    %lt3A_1674 = arith.constant 0 : i32
    %lt3A_1675 = arith.cmpi slt, %select_n3A_1665, %lt3A_1674 : i32
    %ne3A_1676 = vector.broadcast %lt3A_1675 : i1 to vector<1x128xi1>
    %ne3A_1677 = vector.broadcast %ne3A_1676 : vector<1x128xi1> to vector<1x128xi1>
    %ne3A_1678 = arith.xori %lt3A_1673, %ne3A_1677 : vector<1x128xi1>
    %and3A_1679 = arith.andi %ne3A_1678, %ne3A_1670 : vector<1x128xi1>
    %add3A_1680 = vector.broadcast %select_n3A_1665 : i32 to vector<1x128xi32>
    %add3A_1681 = arith.addi %rem3A_1667, %add3A_1680 : vector<1x128xi32>
    %select_n3A_1682 = arith.select %and3A_1679, %add3A_1681, %rem3A_1667 : vector<1x128xi1>, vector<1x128xi32>
    %mul3A_1683 = arith.constant 8 : i32
    %mul3A_1684 = vector.broadcast %mul3A_1683 : i32 to vector<1x128xi32>
    %mul3A_1685 = arith.muli %mul3A_1684, %select_n3A_1682 : vector<1x128xi32>
    %broadcast_in_dim3A_1686 = vector.shape_cast %mul3A_1685 : vector<1x128xi32> to vector<1x128xi32>
    %broadcast_in_dim3A_1687 = vector.broadcast %broadcast_in_dim3A_1686 : vector<1x128xi32> to vector<512x128xi32>
    %shift_right_arithmetic3A_1688 = arith.shrsi %gather3A_1660, %broadcast_in_dim3A_1687 : vector<512x128xi32>
    %and3A_1689 = arith.constant 255 : i32
    %and3A_1690 = vector.broadcast %and3A_1689 : i32 to vector<512x128xi32>
    %and3A_1691 = arith.andi %shift_right_arithmetic3A_1688, %and3A_1690 : vector<512x128xi32>
    %iota3A_1692 = tpu.iota {dimensions = array<i32: 1>} : vector<1x128xi32>
    %iota3A_1693 = vector.shape_cast %iota3A_1692 : vector<1x128xi32> to vector<128xi32>
    %broadcast_in_dim3A_1694 = vector.shape_cast %iota3A_1693 : vector<128xi32> to vector<1x128xi32>
    %jit3A_1695 = arith.constant 4 : i32
    %div3A_1696 = vector.broadcast %jit3A_1695 : i32 to vector<1x128xi32>
    %div3A_1697 = arith.divsi %broadcast_in_dim3A_1694, %div3A_1696 : vector<1x128xi32>
    %sign3A_1698 = arith.constant 0 : i32
    %sign3A_1699 = vector.broadcast %sign3A_1698 : i32 to vector<1x128xi32>
    %sign3A_1700 = arith.cmpi sgt, %broadcast_in_dim3A_1694, %sign3A_1699 : vector<1x128xi32>
    %sign3A_1701 = arith.extui %sign3A_1700 : vector<1x128xi1> to vector<1x128xi32>
    %sign3A_1702 = arith.constant 0 : i32
    %sign3A_1703 = vector.broadcast %sign3A_1702 : i32 to vector<1x128xi32>
    %sign3A_1704 = arith.cmpi slt, %broadcast_in_dim3A_1694, %sign3A_1703 : vector<1x128xi32>
    %sign3A_1705 = arith.extui %sign3A_1704 : vector<1x128xi1> to vector<1x128xi32>
    %sign3A_1706 = arith.subi %sign3A_1701, %sign3A_1705 : vector<1x128xi32>
    %sign3A_1707 = arith.constant 0 : i32
    %sign3A_1708 = arith.cmpi sgt, %jit3A_1695, %sign3A_1707 : i32
    %sign3A_1709 = arith.extui %sign3A_1708 : i1 to i32
    %sign3A_1710 = arith.constant 0 : i32
    %sign3A_1711 = arith.cmpi slt, %jit3A_1695, %sign3A_1710 : i32
    %sign3A_1712 = arith.extui %sign3A_1711 : i1 to i32
    %sign3A_1713 = arith.subi %sign3A_1709, %sign3A_1712 : i32
    %ne3A_1714 = vector.broadcast %sign3A_1713 : i32 to vector<1x128xi32>
    %ne3A_1715 = arith.cmpi ne, %sign3A_1706, %ne3A_1714 : vector<1x128xi32>
    %rem3A_1716 = vector.broadcast %jit3A_1695 : i32 to vector<1x128xi32>
    %rem3A_1717 = arith.remsi %broadcast_in_dim3A_1694, %rem3A_1716 : vector<1x128xi32>
    %ne3A_1718 = arith.constant 0 : i32
    %ne3A_1719 = vector.broadcast %ne3A_1718 : i32 to vector<1x128xi32>
    %ne3A_1720 = arith.cmpi ne, %rem3A_1717, %ne3A_1719 : vector<1x128xi32>
    %and3A_1721 = arith.andi %ne3A_1715, %ne3A_1720 : vector<1x128xi1>
    %sub3A_1722 = arith.constant 1 : i32
    %sub3A_1723 = vector.broadcast %sub3A_1722 : i32 to vector<1x128xi32>
    %sub3A_1724 = arith.subi %div3A_1697, %sub3A_1723 : vector<1x128xi32>
    %select_n3A_1725 = arith.select %and3A_1721, %sub3A_1724, %div3A_1697 : vector<1x128xi1>, vector<1x128xi32>
    %add3A_1726 = arith.constant 96 : i32
    %add3A_1727 = vector.broadcast %add3A_1726 : i32 to vector<1x128xi32>
    %add3A_1728 = arith.addi %add3A_1727, %select_n3A_1725 : vector<1x128xi32>
    %broadcast_in_dim3A_1729 = vector.shape_cast %add3A_1728 : vector<1x128xi32> to vector<1x128xi32>
    %broadcast_in_dim3A_1730 = vector.broadcast %broadcast_in_dim3A_1729 : vector<1x128xi32> to vector<512x128xi32>
    %lt3A_1731 = arith.constant 0 : i32
    %lt3A_1732 = vector.broadcast %lt3A_1731 : i32 to vector<512x128xi32>
    %lt3A_1733 = arith.cmpi slt, %broadcast_in_dim3A_1730, %lt3A_1732 : vector<512x128xi32>
    %add3A_1734 = arith.constant 128 : i32
    %add3A_1735 = vector.broadcast %add3A_1734 : i32 to vector<512x128xi32>
    %add3A_1736 = arith.addi %broadcast_in_dim3A_1730, %add3A_1735 : vector<512x128xi32>
    %select_n3A_1737 = arith.select %lt3A_1733, %add3A_1736, %broadcast_in_dim3A_1730 : vector<512x128xi1>, vector<512x128xi32>
    %reshape3A_1738 = vector.shape_cast %select_n3A_1737 : vector<512x128xi32> to vector<512x128x1xi32>
    %gather3A_1739 = vector.shape_cast %reshape3A_1738 : vector<512x128x1xi32> to vector<512x128xi32>
    %gather3A_1740 = tpu.dynamic_gather %get3A_1456[%gather3A_1739] in [1] : vector<512x128xi32>, vector<512x128xi32> -> vector<512x128xi32>
    %jit3A_1741 = arith.constant 4 : i32
    %eq3A_1742 = arith.constant 0 : i32
    %eq3A_1743 = arith.cmpi eq, %jit3A_1741, %eq3A_1742 : i32
    %jit3A_1744 = arith.constant 1 : i32
    %select_n3A_1745 = arith.select %eq3A_1743, %jit3A_1744, %jit3A_1741 : i32
    %rem3A_1746 = vector.broadcast %select_n3A_1745 : i32 to vector<1x128xi32>
    %rem3A_1747 = arith.remsi %broadcast_in_dim3A_1694, %rem3A_1746 : vector<1x128xi32>
    %ne3A_1748 = arith.constant 0 : i32
    %ne3A_1749 = vector.broadcast %ne3A_1748 : i32 to vector<1x128xi32>
    %ne3A_1750 = arith.cmpi ne, %rem3A_1747, %ne3A_1749 : vector<1x128xi32>
    %lt3A_1751 = arith.constant 0 : i32
    %lt3A_1752 = vector.broadcast %lt3A_1751 : i32 to vector<1x128xi32>
    %lt3A_1753 = arith.cmpi slt, %rem3A_1747, %lt3A_1752 : vector<1x128xi32>
    %lt3A_1754 = arith.constant 0 : i32
    %lt3A_1755 = arith.cmpi slt, %select_n3A_1745, %lt3A_1754 : i32
    %ne3A_1756 = vector.broadcast %lt3A_1755 : i1 to vector<1x128xi1>
    %ne3A_1757 = vector.broadcast %ne3A_1756 : vector<1x128xi1> to vector<1x128xi1>
    %ne3A_1758 = arith.xori %lt3A_1753, %ne3A_1757 : vector<1x128xi1>
    %and3A_1759 = arith.andi %ne3A_1758, %ne3A_1750 : vector<1x128xi1>
    %add3A_1760 = vector.broadcast %select_n3A_1745 : i32 to vector<1x128xi32>
    %add3A_1761 = arith.addi %rem3A_1747, %add3A_1760 : vector<1x128xi32>
    %select_n3A_1762 = arith.select %and3A_1759, %add3A_1761, %rem3A_1747 : vector<1x128xi1>, vector<1x128xi32>
    %mul3A_1763 = arith.constant 8 : i32
    %mul3A_1764 = vector.broadcast %mul3A_1763 : i32 to vector<1x128xi32>
    %mul3A_1765 = arith.muli %mul3A_1764, %select_n3A_1762 : vector<1x128xi32>
    %broadcast_in_dim3A_1766 = vector.shape_cast %mul3A_1765 : vector<1x128xi32> to vector<1x128xi32>
    %broadcast_in_dim3A_1767 = vector.broadcast %broadcast_in_dim3A_1766 : vector<1x128xi32> to vector<512x128xi32>
    %shift_right_arithmetic3A_1768 = arith.shrsi %gather3A_1740, %broadcast_in_dim3A_1767 : vector<512x128xi32>
    %and3A_1769 = arith.constant 255 : i32
    %and3A_1770 = vector.broadcast %and3A_1769 : i32 to vector<512x128xi32>
    %and3A_1771 = arith.andi %shift_right_arithmetic3A_1768, %and3A_1770 : vector<512x128xi32>
    %concatenate3A_1772 = tpu.concatenate %and3A_1531, %and3A_1611, %and3A_1691, %and3A_1771 in 1 : vector<512x128xi32>, vector<512x128xi32>, vector<512x128xi32>, vector<512x128xi32> -> vector<512x512xi32>
    %eq3A_1773 = arith.constant 0 : i32
    %eq3A_1774 = vector.broadcast %eq3A_1773 : i32 to vector<512x512xi32>
    %eq3A_1775 = arith.cmpi eq, %concatenate3A_1772, %eq3A_1774 : vector<512x512xi32>
    %or3A_1776 = arith.ori %eq3A_1453, %eq3A_1775 : vector<512x512xi1>
    %convert_element_type3A = arith.extui %or3A_1776 : vector<512x512xi1> to vector<512x512xi8>
    %swap3A = arith.constant 0 : index
    %swap3A_1777 = arith.constant 0 : index
    %swap3A_1778 = vector.load %arg4[%swap3A, %swap3A_1777] : memref<512x512xi8, #tpu.memory_space<vmem>>, vector<512x512xi8>
    tpu.vector_store %arg4[%swap3A, %swap3A_1777], %convert_element_type3A {strides = array<i32>} : memref<512x512xi8, #tpu.memory_space<vmem>>, vector<512x512xi8>,
    %get3A_1779 = arith.constant 0 : index
    %get3A_1780 = arith.constant 0 : index
    %get3A_1781 = vector.load %arg3[%get3A_1779, %get3A_1780] : memref<512x128xi32, #tpu.memory_space<vmem>>, vector<512x128xi32>
    %iota3A_1782 = tpu.iota {dimensions = array<i32: 1>} : vector<1x128xi32>
    %iota3A_1783 = vector.shape_cast %iota3A_1782 : vector<1x128xi32> to vector<128xi32>
    %broadcast_in_dim3A_1784 = vector.shape_cast %iota3A_1783 : vector<128xi32> to vector<1x128xi32>
    %jit3A_1785 = arith.constant 4 : i32
    %div3A_1786 = vector.broadcast %jit3A_1785 : i32 to vector<1x128xi32>
    %div3A_1787 = arith.divsi %broadcast_in_dim3A_1784, %div3A_1786 : vector<1x128xi32>
    %sign3A_1788 = arith.constant 0 : i32
    %sign3A_1789 = vector.broadcast %sign3A_1788 : i32 to vector<1x128xi32>
    %sign3A_1790 = arith.cmpi sgt, %broadcast_in_dim3A_1784, %sign3A_1789 : vector<1x128xi32>
    %sign3A_1791 = arith.extui %sign3A_1790 : vector<1x128xi1> to vector<1x128xi32>
    %sign3A_1792 = arith.constant 0 : i32
    %sign3A_1793 = vector.broadcast %sign3A_1792 : i32 to vector<1x128xi32>
    %sign3A_1794 = arith.cmpi slt, %broadcast_in_dim3A_1784, %sign3A_1793 : vector<1x128xi32>
    %sign3A_1795 = arith.extui %sign3A_1794 : vector<1x128xi1> to vector<1x128xi32>
    %sign3A_1796 = arith.subi %sign3A_1791, %sign3A_1795 : vector<1x128xi32>
    %sign3A_1797 = arith.constant 0 : i32
    %sign3A_1798 = arith.cmpi sgt, %jit3A_1785, %sign3A_1797 : i32
    %sign3A_1799 = arith.extui %sign3A_1798 : i1 to i32
    %sign3A_1800 = arith.constant 0 : i32
    %sign3A_1801 = arith.cmpi slt, %jit3A_1785, %sign3A_1800 : i32
    %sign3A_1802 = arith.extui %sign3A_1801 : i1 to i32
    %sign3A_1803 = arith.subi %sign3A_1799, %sign3A_1802 : i32
    %ne3A_1804 = vector.broadcast %sign3A_1803 : i32 to vector<1x128xi32>
    %ne3A_1805 = arith.cmpi ne, %sign3A_1796, %ne3A_1804 : vector<1x128xi32>
    %rem3A_1806 = vector.broadcast %jit3A_1785 : i32 to vector<1x128xi32>
    %rem3A_1807 = arith.remsi %broadcast_in_dim3A_1784, %rem3A_1806 : vector<1x128xi32>
    %ne3A_1808 = arith.constant 0 : i32
    %ne3A_1809 = vector.broadcast %ne3A_1808 : i32 to vector<1x128xi32>
    %ne3A_1810 = arith.cmpi ne, %rem3A_1807, %ne3A_1809 : vector<1x128xi32>
    %and3A_1811 = arith.andi %ne3A_1805, %ne3A_1810 : vector<1x128xi1>
    %sub3A_1812 = arith.constant 1 : i32
    %sub3A_1813 = vector.broadcast %sub3A_1812 : i32 to vector<1x128xi32>
    %sub3A_1814 = arith.subi %div3A_1787, %sub3A_1813 : vector<1x128xi32>
    %select_n3A_1815 = arith.select %and3A_1811, %sub3A_1814, %div3A_1787 : vector<1x128xi1>, vector<1x128xi32>
    %add3A_1816 = arith.constant 0 : i32
    %add3A_1817 = vector.broadcast %add3A_1816 : i32 to vector<1x128xi32>
    %add3A_1818 = arith.addi %add3A_1817, %select_n3A_1815 : vector<1x128xi32>
    %broadcast_in_dim3A_1819 = vector.shape_cast %add3A_1818 : vector<1x128xi32> to vector<1x128xi32>
    %broadcast_in_dim3A_1820 = vector.broadcast %broadcast_in_dim3A_1819 : vector<1x128xi32> to vector<512x128xi32>
    %lt3A_1821 = arith.constant 0 : i32
    %lt3A_1822 = vector.broadcast %lt3A_1821 : i32 to vector<512x128xi32>
    %lt3A_1823 = arith.cmpi slt, %broadcast_in_dim3A_1820, %lt3A_1822 : vector<512x128xi32>
    %add3A_1824 = arith.constant 128 : i32
    %add3A_1825 = vector.broadcast %add3A_1824 : i32 to vector<512x128xi32>
    %add3A_1826 = arith.addi %broadcast_in_dim3A_1820, %add3A_1825 : vector<512x128xi32>
    %select_n3A_1827 = arith.select %lt3A_1823, %add3A_1826, %broadcast_in_dim3A_1820 : vector<512x128xi1>, vector<512x128xi32>
    %reshape3A_1828 = vector.shape_cast %select_n3A_1827 : vector<512x128xi32> to vector<512x128x1xi32>
    %gather3A_1829 = vector.shape_cast %reshape3A_1828 : vector<512x128x1xi32> to vector<512x128xi32>
    %gather3A_1830 = tpu.dynamic_gather %get3A_1781[%gather3A_1829] in [1] : vector<512x128xi32>, vector<512x128xi32> -> vector<512x128xi32>
    %jit3A_1831 = arith.constant 4 : i32
    %eq3A_1832 = arith.constant 0 : i32
    %eq3A_1833 = arith.cmpi eq, %jit3A_1831, %eq3A_1832 : i32
    %jit3A_1834 = arith.constant 1 : i32
    %select_n3A_1835 = arith.select %eq3A_1833, %jit3A_1834, %jit3A_1831 : i32
    %rem3A_1836 = vector.broadcast %select_n3A_1835 : i32 to vector<1x128xi32>
    %rem3A_1837 = arith.remsi %broadcast_in_dim3A_1784, %rem3A_1836 : vector<1x128xi32>
    %ne3A_1838 = arith.constant 0 : i32
    %ne3A_1839 = vector.broadcast %ne3A_1838 : i32 to vector<1x128xi32>
    %ne3A_1840 = arith.cmpi ne, %rem3A_1837, %ne3A_1839 : vector<1x128xi32>
    %lt3A_1841 = arith.constant 0 : i32
    %lt3A_1842 = vector.broadcast %lt3A_1841 : i32 to vector<1x128xi32>
    %lt3A_1843 = arith.cmpi slt, %rem3A_1837, %lt3A_1842 : vector<1x128xi32>
    %lt3A_1844 = arith.constant 0 : i32
    %lt3A_1845 = arith.cmpi slt, %select_n3A_1835, %lt3A_1844 : i32
    %ne3A_1846 = vector.broadcast %lt3A_1845 : i1 to vector<1x128xi1>
    %ne3A_1847 = vector.broadcast %ne3A_1846 : vector<1x128xi1> to vector<1x128xi1>
    %ne3A_1848 = arith.xori %lt3A_1843, %ne3A_1847 : vector<1x128xi1>
    %and3A_1849 = arith.andi %ne3A_1848, %ne3A_1840 : vector<1x128xi1>
    %add3A_1850 = vector.broadcast %select_n3A_1835 : i32 to vector<1x128xi32>
    %add3A_1851 = arith.addi %rem3A_1837, %add3A_1850 : vector<1x128xi32>
    %select_n3A_1852 = arith.select %and3A_1849, %add3A_1851, %rem3A_1837 : vector<1x128xi1>, vector<1x128xi32>
    %mul3A_1853 = arith.constant 8 : i32
    %mul3A_1854 = vector.broadcast %mul3A_1853 : i32 to vector<1x128xi32>
    %mul3A_1855 = arith.muli %mul3A_1854, %select_n3A_1852 : vector<1x128xi32>
    %broadcast_in_dim3A_1856 = vector.shape_cast %mul3A_1855 : vector<1x128xi32> to vector<1x128xi32>
    %broadcast_in_dim3A_1857 = vector.broadcast %broadcast_in_dim3A_1856 : vector<1x128xi32> to vector<512x128xi32>
    %shift_right_arithmetic3A_1858 = arith.shrsi %gather3A_1830, %broadcast_in_dim3A_1857 : vector<512x128xi32>
    %and3A_1859 = arith.constant 255 : i32
    %and3A_1860 = vector.broadcast %and3A_1859 : i32 to vector<512x128xi32>
    %and3A_1861 = arith.andi %shift_right_arithmetic3A_1858, %and3A_1860 : vector<512x128xi32>
    %iota3A_1862 = tpu.iota {dimensions = array<i32: 1>} : vector<1x128xi32>
    %iota3A_1863 = vector.shape_cast %iota3A_1862 : vector<1x128xi32> to vector<128xi32>
    %broadcast_in_dim3A_1864 = vector.shape_cast %iota3A_1863 : vector<128xi32> to vector<1x128xi32>
    %jit3A_1865 = arith.constant 4 : i32
    %div3A_1866 = vector.broadcast %jit3A_1865 : i32 to vector<1x128xi32>
    %div3A_1867 = arith.divsi %broadcast_in_dim3A_1864, %div3A_1866 : vector<1x128xi32>
    %sign3A_1868 = arith.constant 0 : i32
    %sign3A_1869 = vector.broadcast %sign3A_1868 : i32 to vector<1x128xi32>
    %sign3A_1870 = arith.cmpi sgt, %broadcast_in_dim3A_1864, %sign3A_1869 : vector<1x128xi32>
    %sign3A_1871 = arith.extui %sign3A_1870 : vector<1x128xi1> to vector<1x128xi32>
    %sign3A_1872 = arith.constant 0 : i32
    %sign3A_1873 = vector.broadcast %sign3A_1872 : i32 to vector<1x128xi32>
    %sign3A_1874 = arith.cmpi slt, %broadcast_in_dim3A_1864, %sign3A_1873 : vector<1x128xi32>
    %sign3A_1875 = arith.extui %sign3A_1874 : vector<1x128xi1> to vector<1x128xi32>
    %sign3A_1876 = arith.subi %sign3A_1871, %sign3A_1875 : vector<1x128xi32>
    %sign3A_1877 = arith.constant 0 : i32
    %sign3A_1878 = arith.cmpi sgt, %jit3A_1865, %sign3A_1877 : i32
    %sign3A_1879 = arith.extui %sign3A_1878 : i1 to i32
    %sign3A_1880 = arith.constant 0 : i32
    %sign3A_1881 = arith.cmpi slt, %jit3A_1865, %sign3A_1880 : i32
    %sign3A_1882 = arith.extui %sign3A_1881 : i1 to i32
    %sign3A_1883 = arith.subi %sign3A_1879, %sign3A_1882 : i32
    %ne3A_1884 = vector.broadcast %sign3A_1883 : i32 to vector<1x128xi32>
    %ne3A_1885 = arith.cmpi ne, %sign3A_1876, %ne3A_1884 : vector<1x128xi32>
    %rem3A_1886 = vector.broadcast %jit3A_1865 : i32 to vector<1x128xi32>
    %rem3A_1887 = arith.remsi %broadcast_in_dim3A_1864, %rem3A_1886 : vector<1x128xi32>
    %ne3A_1888 = arith.constant 0 : i32
    %ne3A_1889 = vector.broadcast %ne3A_1888 : i32 to vector<1x128xi32>
    %ne3A_1890 = arith.cmpi ne, %rem3A_1887, %ne3A_1889 : vector<1x128xi32>
    %and3A_1891 = arith.andi %ne3A_1885, %ne3A_1890 : vector<1x128xi1>
    %sub3A_1892 = arith.constant 1 : i32
    %sub3A_1893 = vector.broadcast %sub3A_1892 : i32 to vector<1x128xi32>
    %sub3A_1894 = arith.subi %div3A_1867, %sub3A_1893 : vector<1x128xi32>
    %select_n3A_1895 = arith.select %and3A_1891, %sub3A_1894, %div3A_1867 : vector<1x128xi1>, vector<1x128xi32>
    %add3A_1896 = arith.constant 32 : i32
    %add3A_1897 = vector.broadcast %add3A_1896 : i32 to vector<1x128xi32>
    %add3A_1898 = arith.addi %add3A_1897, %select_n3A_1895 : vector<1x128xi32>
    %broadcast_in_dim3A_1899 = vector.shape_cast %add3A_1898 : vector<1x128xi32> to vector<1x128xi32>
    %broadcast_in_dim3A_1900 = vector.broadcast %broadcast_in_dim3A_1899 : vector<1x128xi32> to vector<512x128xi32>
    %lt3A_1901 = arith.constant 0 : i32
    %lt3A_1902 = vector.broadcast %lt3A_1901 : i32 to vector<512x128xi32>
    %lt3A_1903 = arith.cmpi slt, %broadcast_in_dim3A_1900, %lt3A_1902 : vector<512x128xi32>
    %add3A_1904 = arith.constant 128 : i32
    %add3A_1905 = vector.broadcast %add3A_1904 : i32 to vector<512x128xi32>
    %add3A_1906 = arith.addi %broadcast_in_dim3A_1900, %add3A_1905 : vector<512x128xi32>
    %select_n3A_1907 = arith.select %lt3A_1903, %add3A_1906, %broadcast_in_dim3A_1900 : vector<512x128xi1>, vector<512x128xi32>
    %reshape3A_1908 = vector.shape_cast %select_n3A_1907 : vector<512x128xi32> to vector<512x128x1xi32>
    %gather3A_1909 = vector.shape_cast %reshape3A_1908 : vector<512x128x1xi32> to vector<512x128xi32>
    %gather3A_1910 = tpu.dynamic_gather %get3A_1781[%gather3A_1909] in [1] : vector<512x128xi32>, vector<512x128xi32> -> vector<512x128xi32>
    %jit3A_1911 = arith.constant 4 : i32
    %eq3A_1912 = arith.constant 0 : i32
    %eq3A_1913 = arith.cmpi eq, %jit3A_1911, %eq3A_1912 : i32
    %jit3A_1914 = arith.constant 1 : i32
    %select_n3A_1915 = arith.select %eq3A_1913, %jit3A_1914, %jit3A_1911 : i32
    %rem3A_1916 = vector.broadcast %select_n3A_1915 : i32 to vector<1x128xi32>
    %rem3A_1917 = arith.remsi %broadcast_in_dim3A_1864, %rem3A_1916 : vector<1x128xi32>
    %ne3A_1918 = arith.constant 0 : i32
    %ne3A_1919 = vector.broadcast %ne3A_1918 : i32 to vector<1x128xi32>
    %ne3A_1920 = arith.cmpi ne, %rem3A_1917, %ne3A_1919 : vector<1x128xi32>
    %lt3A_1921 = arith.constant 0 : i32
    %lt3A_1922 = vector.broadcast %lt3A_1921 : i32 to vector<1x128xi32>
    %lt3A_1923 = arith.cmpi slt, %rem3A_1917, %lt3A_1922 : vector<1x128xi32>
    %lt3A_1924 = arith.constant 0 : i32
    %lt3A_1925 = arith.cmpi slt, %select_n3A_1915, %lt3A_1924 : i32
    %ne3A_1926 = vector.broadcast %lt3A_1925 : i1 to vector<1x128xi1>
    %ne3A_1927 = vector.broadcast %ne3A_1926 : vector<1x128xi1> to vector<1x128xi1>
    %ne3A_1928 = arith.xori %lt3A_1923, %ne3A_1927 : vector<1x128xi1>
    %and3A_1929 = arith.andi %ne3A_1928, %ne3A_1920 : vector<1x128xi1>
    %add3A_1930 = vector.broadcast %select_n3A_1915 : i32 to vector<1x128xi32>
    %add3A_1931 = arith.addi %rem3A_1917, %add3A_1930 : vector<1x128xi32>
    %select_n3A_1932 = arith.select %and3A_1929, %add3A_1931, %rem3A_1917 : vector<1x128xi1>, vector<1x128xi32>
    %mul3A_1933 = arith.constant 8 : i32
    %mul3A_1934 = vector.broadcast %mul3A_1933 : i32 to vector<1x128xi32>
    %mul3A_1935 = arith.muli %mul3A_1934, %select_n3A_1932 : vector<1x128xi32>
    %broadcast_in_dim3A_1936 = vector.shape_cast %mul3A_1935 : vector<1x128xi32> to vector<1x128xi32>
    %broadcast_in_dim3A_1937 = vector.broadcast %broadcast_in_dim3A_1936 : vector<1x128xi32> to vector<512x128xi32>
    %shift_right_arithmetic3A_1938 = arith.shrsi %gather3A_1910, %broadcast_in_dim3A_1937 : vector<512x128xi32>
    %and3A_1939 = arith.constant 255 : i32
    %and3A_1940 = vector.broadcast %and3A_1939 : i32 to vector<512x128xi32>
    %and3A_1941 = arith.andi %shift_right_arithmetic3A_1938, %and3A_1940 : vector<512x128xi32>
    %iota3A_1942 = tpu.iota {dimensions = array<i32: 1>} : vector<1x128xi32>
    %iota3A_1943 = vector.shape_cast %iota3A_1942 : vector<1x128xi32> to vector<128xi32>
    %broadcast_in_dim3A_1944 = vector.shape_cast %iota3A_1943 : vector<128xi32> to vector<1x128xi32>
    %jit3A_1945 = arith.constant 4 : i32
    %div3A_1946 = vector.broadcast %jit3A_1945 : i32 to vector<1x128xi32>
    %div3A_1947 = arith.divsi %broadcast_in_dim3A_1944, %div3A_1946 : vector<1x128xi32>
    %sign3A_1948 = arith.constant 0 : i32
    %sign3A_1949 = vector.broadcast %sign3A_1948 : i32 to vector<1x128xi32>
    %sign3A_1950 = arith.cmpi sgt, %broadcast_in_dim3A_1944, %sign3A_1949 : vector<1x128xi32>
    %sign3A_1951 = arith.extui %sign3A_1950 : vector<1x128xi1> to vector<1x128xi32>
    %sign3A_1952 = arith.constant 0 : i32
    %sign3A_1953 = vector.broadcast %sign3A_1952 : i32 to vector<1x128xi32>
    %sign3A_1954 = arith.cmpi slt, %broadcast_in_dim3A_1944, %sign3A_1953 : vector<1x128xi32>
    %sign3A_1955 = arith.extui %sign3A_1954 : vector<1x128xi1> to vector<1x128xi32>
    %sign3A_1956 = arith.subi %sign3A_1951, %sign3A_1955 : vector<1x128xi32>
    %sign3A_1957 = arith.constant 0 : i32
    %sign3A_1958 = arith.cmpi sgt, %jit3A_1945, %sign3A_1957 : i32
    %sign3A_1959 = arith.extui %sign3A_1958 : i1 to i32
    %sign3A_1960 = arith.constant 0 : i32
    %sign3A_1961 = arith.cmpi slt, %jit3A_1945, %sign3A_1960 : i32
    %sign3A_1962 = arith.extui %sign3A_1961 : i1 to i32
    %sign3A_1963 = arith.subi %sign3A_1959, %sign3A_1962 : i32
    %ne3A_1964 = vector.broadcast %sign3A_1963 : i32 to vector<1x128xi32>
    %ne3A_1965 = arith.cmpi ne, %sign3A_1956, %ne3A_1964 : vector<1x128xi32>
    %rem3A_1966 = vector.broadcast %jit3A_1945 : i32 to vector<1x128xi32>
    %rem3A_1967 = arith.remsi %broadcast_in_dim3A_1944, %rem3A_1966 : vector<1x128xi32>
    %ne3A_1968 = arith.constant 0 : i32
    %ne3A_1969 = vector.broadcast %ne3A_1968 : i32 to vector<1x128xi32>
    %ne3A_1970 = arith.cmpi ne, %rem3A_1967, %ne3A_1969 : vector<1x128xi32>
    %and3A_1971 = arith.andi %ne3A_1965, %ne3A_1970 : vector<1x128xi1>
    %sub3A_1972 = arith.constant 1 : i32
    %sub3A_1973 = vector.broadcast %sub3A_1972 : i32 to vector<1x128xi32>
    %sub3A_1974 = arith.subi %div3A_1947, %sub3A_1973 : vector<1x128xi32>
    %select_n3A_1975 = arith.select %and3A_1971, %sub3A_1974, %div3A_1947 : vector<1x128xi1>, vector<1x128xi32>
    %add3A_1976 = arith.constant 64 : i32
    %add3A_1977 = vector.broadcast %add3A_1976 : i32 to vector<1x128xi32>
    %add3A_1978 = arith.addi %add3A_1977, %select_n3A_1975 : vector<1x128xi32>
    %broadcast_in_dim3A_1979 = vector.shape_cast %add3A_1978 : vector<1x128xi32> to vector<1x128xi32>
    %broadcast_in_dim3A_1980 = vector.broadcast %broadcast_in_dim3A_1979 : vector<1x128xi32> to vector<512x128xi32>
    %lt3A_1981 = arith.constant 0 : i32
    %lt3A_1982 = vector.broadcast %lt3A_1981 : i32 to vector<512x128xi32>
    %lt3A_1983 = arith.cmpi slt, %broadcast_in_dim3A_1980, %lt3A_1982 : vector<512x128xi32>
    %add3A_1984 = arith.constant 128 : i32
    %add3A_1985 = vector.broadcast %add3A_1984 : i32 to vector<512x128xi32>
    %add3A_1986 = arith.addi %broadcast_in_dim3A_1980, %add3A_1985 : vector<512x128xi32>
    %select_n3A_1987 = arith.select %lt3A_1983, %add3A_1986, %broadcast_in_dim3A_1980 : vector<512x128xi1>, vector<512x128xi32>
    %reshape3A_1988 = vector.shape_cast %select_n3A_1987 : vector<512x128xi32> to vector<512x128x1xi32>
    %gather3A_1989 = vector.shape_cast %reshape3A_1988 : vector<512x128x1xi32> to vector<512x128xi32>
    %gather3A_1990 = tpu.dynamic_gather %get3A_1781[%gather3A_1989] in [1] : vector<512x128xi32>, vector<512x128xi32> -> vector<512x128xi32>
    %jit3A_1991 = arith.constant 4 : i32
    %eq3A_1992 = arith.constant 0 : i32
    %eq3A_1993 = arith.cmpi eq, %jit3A_1991, %eq3A_1992 : i32
    %jit3A_1994 = arith.constant 1 : i32
    %select_n3A_1995 = arith.select %eq3A_1993, %jit3A_1994, %jit3A_1991 : i32
    %rem3A_1996 = vector.broadcast %select_n3A_1995 : i32 to vector<1x128xi32>
    %rem3A_1997 = arith.remsi %broadcast_in_dim3A_1944, %rem3A_1996 : vector<1x128xi32>
    %ne3A_1998 = arith.constant 0 : i32
    %ne3A_1999 = vector.broadcast %ne3A_1998 : i32 to vector<1x128xi32>
    %ne3A_2000 = arith.cmpi ne, %rem3A_1997, %ne3A_1999 : vector<1x128xi32>
    %lt3A_2001 = arith.constant 0 : i32
    %lt3A_2002 = vector.broadcast %lt3A_2001 : i32 to vector<1x128xi32>
    %lt3A_2003 = arith.cmpi slt, %rem3A_1997, %lt3A_2002 : vector<1x128xi32>
    %lt3A_2004 = arith.constant 0 : i32
    %lt3A_2005 = arith.cmpi slt, %select_n3A_1995, %lt3A_2004 : i32
    %ne3A_2006 = vector.broadcast %lt3A_2005 : i1 to vector<1x128xi1>
    %ne3A_2007 = vector.broadcast %ne3A_2006 : vector<1x128xi1> to vector<1x128xi1>
    %ne3A_2008 = arith.xori %lt3A_2003, %ne3A_2007 : vector<1x128xi1>
    %and3A_2009 = arith.andi %ne3A_2008, %ne3A_2000 : vector<1x128xi1>
    %add3A_2010 = vector.broadcast %select_n3A_1995 : i32 to vector<1x128xi32>
    %add3A_2011 = arith.addi %rem3A_1997, %add3A_2010 : vector<1x128xi32>
    %select_n3A_2012 = arith.select %and3A_2009, %add3A_2011, %rem3A_1997 : vector<1x128xi1>, vector<1x128xi32>
    %mul3A_2013 = arith.constant 8 : i32
    %mul3A_2014 = vector.broadcast %mul3A_2013 : i32 to vector<1x128xi32>
    %mul3A_2015 = arith.muli %mul3A_2014, %select_n3A_2012 : vector<1x128xi32>
    %broadcast_in_dim3A_2016 = vector.shape_cast %mul3A_2015 : vector<1x128xi32> to vector<1x128xi32>
    %broadcast_in_dim3A_2017 = vector.broadcast %broadcast_in_dim3A_2016 : vector<1x128xi32> to vector<512x128xi32>
    %shift_right_arithmetic3A_2018 = arith.shrsi %gather3A_1990, %broadcast_in_dim3A_2017 : vector<512x128xi32>
    %and3A_2019 = arith.constant 255 : i32
    %and3A_2020 = vector.broadcast %and3A_2019 : i32 to vector<512x128xi32>
    %and3A_2021 = arith.andi %shift_right_arithmetic3A_2018, %and3A_2020 : vector<512x128xi32>
    %iota3A_2022 = tpu.iota {dimensions = array<i32: 1>} : vector<1x128xi32>
    %iota3A_2023 = vector.shape_cast %iota3A_2022 : vector<1x128xi32> to vector<128xi32>
    %broadcast_in_dim3A_2024 = vector.shape_cast %iota3A_2023 : vector<128xi32> to vector<1x128xi32>
    %jit3A_2025 = arith.constant 4 : i32
    %div3A_2026 = vector.broadcast %jit3A_2025 : i32 to vector<1x128xi32>
    %div3A_2027 = arith.divsi %broadcast_in_dim3A_2024, %div3A_2026 : vector<1x128xi32>
    %sign3A_2028 = arith.constant 0 : i32
    %sign3A_2029 = vector.broadcast %sign3A_2028 : i32 to vector<1x128xi32>
    %sign3A_2030 = arith.cmpi sgt, %broadcast_in_dim3A_2024, %sign3A_2029 : vector<1x128xi32>
    %sign3A_2031 = arith.extui %sign3A_2030 : vector<1x128xi1> to vector<1x128xi32>
    %sign3A_2032 = arith.constant 0 : i32
    %sign3A_2033 = vector.broadcast %sign3A_2032 : i32 to vector<1x128xi32>
    %sign3A_2034 = arith.cmpi slt, %broadcast_in_dim3A_2024, %sign3A_2033 : vector<1x128xi32>
    %sign3A_2035 = arith.extui %sign3A_2034 : vector<1x128xi1> to vector<1x128xi32>
    %sign3A_2036 = arith.subi %sign3A_2031, %sign3A_2035 : vector<1x128xi32>
    %sign3A_2037 = arith.constant 0 : i32
    %sign3A_2038 = arith.cmpi sgt, %jit3A_2025, %sign3A_2037 : i32
    %sign3A_2039 = arith.extui %sign3A_2038 : i1 to i32
    %sign3A_2040 = arith.constant 0 : i32
    %sign3A_2041 = arith.cmpi slt, %jit3A_2025, %sign3A_2040 : i32
    %sign3A_2042 = arith.extui %sign3A_2041 : i1 to i32
    %sign3A_2043 = arith.subi %sign3A_2039, %sign3A_2042 : i32
    %ne3A_2044 = vector.broadcast %sign3A_2043 : i32 to vector<1x128xi32>
    %ne3A_2045 = arith.cmpi ne, %sign3A_2036, %ne3A_2044 : vector<1x128xi32>
    %rem3A_2046 = vector.broadcast %jit3A_2025 : i32 to vector<1x128xi32>
    %rem3A_2047 = arith.remsi %broadcast_in_dim3A_2024, %rem3A_2046 : vector<1x128xi32>
    %ne3A_2048 = arith.constant 0 : i32
    %ne3A_2049 = vector.broadcast %ne3A_2048 : i32 to vector<1x128xi32>
    %ne3A_2050 = arith.cmpi ne, %rem3A_2047, %ne3A_2049 : vector<1x128xi32>
    %and3A_2051 = arith.andi %ne3A_2045, %ne3A_2050 : vector<1x128xi1>
    %sub3A_2052 = arith.constant 1 : i32
    %sub3A_2053 = vector.broadcast %sub3A_2052 : i32 to vector<1x128xi32>
    %sub3A_2054 = arith.subi %div3A_2027, %sub3A_2053 : vector<1x128xi32>
    %select_n3A_2055 = arith.select %and3A_2051, %sub3A_2054, %div3A_2027 : vector<1x128xi1>, vector<1x128xi32>
    %add3A_2056 = arith.constant 96 : i32
    %add3A_2057 = vector.broadcast %add3A_2056 : i32 to vector<1x128xi32>
    %add3A_2058 = arith.addi %add3A_2057, %select_n3A_2055 : vector<1x128xi32>
    %broadcast_in_dim3A_2059 = vector.shape_cast %add3A_2058 : vector<1x128xi32> to vector<1x128xi32>
    %broadcast_in_dim3A_2060 = vector.broadcast %broadcast_in_dim3A_2059 : vector<1x128xi32> to vector<512x128xi32>
    %lt3A_2061 = arith.constant 0 : i32
    %lt3A_2062 = vector.broadcast %lt3A_2061 : i32 to vector<512x128xi32>
    %lt3A_2063 = arith.cmpi slt, %broadcast_in_dim3A_2060, %lt3A_2062 : vector<512x128xi32>
    %add3A_2064 = arith.constant 128 : i32
    %add3A_2065 = vector.broadcast %add3A_2064 : i32 to vector<512x128xi32>
    %add3A_2066 = arith.addi %broadcast_in_dim3A_2060, %add3A_2065 : vector<512x128xi32>
    %select_n3A_2067 = arith.select %lt3A_2063, %add3A_2066, %broadcast_in_dim3A_2060 : vector<512x128xi1>, vector<512x128xi32>
    %reshape3A_2068 = vector.shape_cast %select_n3A_2067 : vector<512x128xi32> to vector<512x128x1xi32>
    %gather3A_2069 = vector.shape_cast %reshape3A_2068 : vector<512x128x1xi32> to vector<512x128xi32>
    %gather3A_2070 = tpu.dynamic_gather %get3A_1781[%gather3A_2069] in [1] : vector<512x128xi32>, vector<512x128xi32> -> vector<512x128xi32>
    %jit3A_2071 = arith.constant 4 : i32
    %eq3A_2072 = arith.constant 0 : i32
    %eq3A_2073 = arith.cmpi eq, %jit3A_2071, %eq3A_2072 : i32
    %jit3A_2074 = arith.constant 1 : i32
    %select_n3A_2075 = arith.select %eq3A_2073, %jit3A_2074, %jit3A_2071 : i32
    %rem3A_2076 = vector.broadcast %select_n3A_2075 : i32 to vector<1x128xi32>
    %rem3A_2077 = arith.remsi %broadcast_in_dim3A_2024, %rem3A_2076 : vector<1x128xi32>
    %ne3A_2078 = arith.constant 0 : i32
    %ne3A_2079 = vector.broadcast %ne3A_2078 : i32 to vector<1x128xi32>
    %ne3A_2080 = arith.cmpi ne, %rem3A_2077, %ne3A_2079 : vector<1x128xi32>
    %lt3A_2081 = arith.constant 0 : i32
    %lt3A_2082 = vector.broadcast %lt3A_2081 : i32 to vector<1x128xi32>
    %lt3A_2083 = arith.cmpi slt, %rem3A_2077, %lt3A_2082 : vector<1x128xi32>
    %lt3A_2084 = arith.constant 0 : i32
    %lt3A_2085 = arith.cmpi slt, %select_n3A_2075, %lt3A_2084 : i32
    %ne3A_2086 = vector.broadcast %lt3A_2085 : i1 to vector<1x128xi1>
    %ne3A_2087 = vector.broadcast %ne3A_2086 : vector<1x128xi1> to vector<1x128xi1>
    %ne3A_2088 = arith.xori %lt3A_2083, %ne3A_2087 : vector<1x128xi1>
    %and3A_2089 = arith.andi %ne3A_2088, %ne3A_2080 : vector<1x128xi1>
    %add3A_2090 = vector.broadcast %select_n3A_2075 : i32 to vector<1x128xi32>
    %add3A_2091 = arith.addi %rem3A_2077, %add3A_2090 : vector<1x128xi32>
    %select_n3A_2092 = arith.select %and3A_2089, %add3A_2091, %rem3A_2077 : vector<1x128xi1>, vector<1x128xi32>
    %mul3A_2093 = arith.constant 8 : i32
    %mul3A_2094 = vector.broadcast %mul3A_2093 : i32 to vector<1x128xi32>
    %mul3A_2095 = arith.muli %mul3A_2094, %select_n3A_2092 : vector<1x128xi32>
    %broadcast_in_dim3A_2096 = vector.shape_cast %mul3A_2095 : vector<1x128xi32> to vector<1x128xi32>
    %broadcast_in_dim3A_2097 = vector.broadcast %broadcast_in_dim3A_2096 : vector<1x128xi32> to vector<512x128xi32>
    %shift_right_arithmetic3A_2098 = arith.shrsi %gather3A_2070, %broadcast_in_dim3A_2097 : vector<512x128xi32>
    %and3A_2099 = arith.constant 255 : i32
    %and3A_2100 = vector.broadcast %and3A_2099 : i32 to vector<512x128xi32>
    %and3A_2101 = arith.andi %shift_right_arithmetic3A_2098, %and3A_2100 : vector<512x128xi32>
    %concatenate3A_2102 = tpu.concatenate %and3A_1861, %and3A_1941, %and3A_2021, %and3A_2101 in 1 : vector<512x128xi32>, vector<512x128xi32>, vector<512x128xi32>, vector<512x128xi32> -> vector<512x512xi32>
    %ne3A_2103 = arith.constant 0 : i32
    %ne3A_2104 = vector.broadcast %ne3A_2103 : i32 to vector<512x512xi32>
    %ne3A_2105 = arith.cmpi ne, %concatenate3A_2102, %ne3A_2104 : vector<512x512xi32>
    %convert_element_type3A_2106 = arith.extui %ne3A_2105 : vector<512x512xi1> to vector<512x512xi8>
    %swap3A_2107 = arith.constant 0 : index
    %swap3A_2108 = arith.constant 0 : index
    %swap3A_2109 = vector.load %arg5[%swap3A_2107, %swap3A_2108] : memref<512x512xi8, #tpu.memory_space<vmem>>, vector<512x512xi8>
    tpu.vector_store %arg5[%swap3A_2107, %swap3A_2108], %convert_element_type3A_2106 {strides = array<i32>} : memref<512x512xi8, #tpu.memory_space<vmem>>, vector<512x512xi8>,
    return
  }
  func.func @transform_0(%arg0: i32) -> (i32, i32) {
    %c0_i32 = arith.constant 0 : i32
    %c0_i32_0 = arith.constant 0 : i32
    return %arg0, %c0_i32 : i32, i32
  }
  func.func @transform_1(%arg0: i32) -> (i32, i32) {
    %c0_i32 = arith.constant 0 : i32
    %c0_i32_0 = arith.constant 0 : i32
    return %arg0, %c0_i32 : i32, i32
  }
  func.func @transform_2(%arg0: i32) -> (i32, i32) {
    %c0_i32 = arith.constant 0 : i32
    %c0_i32_0 = arith.constant 0 : i32
    return %arg0, %c0_i32 : i32, i32
  }
  func.func @transform_3(%arg0: i32) -> (i32, i32) {
    %c0_i32 = arith.constant 0 : i32
    %c0_i32_0 = arith.constant 0 : i32
    return %arg0, %c0_i32 : i32, i32
  }
  func.func @transform_4(%arg0: i32) -> (i32, i32) {
    %c0_i32 = arith.constant 0 : i32
    %c0_i32_0 = arith.constant 0 : i32
    return %arg0, %c0_i32 : i32, i32
  }
}

</mosaic_0001>

<sc_bundles>
// kernel: kernel.4.cloned.1.call-start
scs
__scs_entry_jumppad:
0x0: {  	(pc) =	sbr.rel $0x88, $3  }
0x1: {  	(tag) =	ssettag $0x0;
	lr =	simm.s32 $0x1  }
0x2: {  	[smem:$0x3F9E] =	sst lr;
	_ =	strace $0xD0000000  }
0x3: {  	_ = 	snop  }
0x4: {  	_ = 	snop  }
0x5: {  	_ = 	snop  }
0x6: {  	_ = 	snop  }
0x7: {  	_ = 	snop  }
__scs_overlays_trampoline_lowered:
0x8: {  	[smem:$0x3FAD] =	sst s0  }
0x9: {  	[smem:$0x3FAE] =	sst s1  }
0xa: {  	[smem:$0x3FAF] =	sst s2  }
0xb: {  	[smem:$0x3FB0] =	sst s3  }
0xc: {  	[smem:$0x3FB1] =	sst s4  }
0xd: {  	[smem:$0x3FB2] =	sst s5  }
0xe: {  	[smem:$0x3FB3] =	sst s6  }
0xf: {  	[smem:$0x3FB4] =	sst s7  }
0x10: {  	[smem:$0x3FB5] =	sst s8  }
0x11: {  	[smem:$0x3FB6] =	sst s9;
	s0 =	simm.s32 @!p0 $0x0  }
0x12: {  	s1 =	sld [smem:$0x3F9C];
	s0 =	simm.s32 @p0 $0x1  }
0x13: {  	[smem:$0x3FB7] =	sst s0;
	s0 =	simm.s32 @!p1 $0x0  }
0x14: {  	s2 =	sld [smem:$0x3F9B];
	s0 =	simm.s32 @p1 $0x1  }
0x15: {  	[smem:$0x3FB8] =	sst s0;
	s0 =	simm.s32 @!p2 $0x0  }
0x16: {  	s3 =	sld [smem:$0x3FDB];
	s0 =	simm.s32 @p2 $0x1  }
0x17: {  	s4 =	simm.s32 $0x1BF5;
	[smem:$0x3FBA] =	sst s0  }
0x18: {  	s0 =	sld [smem:$0x3F9D];
	_ =	swait.ge [sflag:s4], $0x0  }
0x19: {  	s7 =	sld [smem:$0x3F9E]  }
0x1a: {  	s8 =	sadd.s32 $0xFFFFE003, lr  }
0x1b: {  	s9 =	sadd.s32 $0xFFFFFEF7, lr;
	s5 =	simm.s32 $0xFFFFFFFF;
	p2 =	slt.u32 s8, $0xFFFFF086  }
0x1c: {  	p1 =	slt.u32 s9, $0xF7A;
	s5 =	simm.s32 @!p2 $0x0  }
0x1d: {  	s5 =	simm.s32 @p1 $0x1;
	p0 =	seq.s32 s7, s2  }
0x1e: {  	s7 =	smul.u32 @!p0 $0xF7A, s2;
	p2 =	seq.s32 @!p0 s5, $0x0  }
0x1f: {  	s9 =	smul.u32 $0xF7A, s1;
	s8 =	simm.s32 @!p0 $0x1BF5;
	p2 =	por !p2, p0  }
0x20: {  	[sflag:s8] =	ssyncset.s32 @!p0 $0xFFFFF086;
	s6 =	sadd.s32 @!p0 s3, s7;
	s7 =	simm.s32 @!p0 $0x108  }
0x21: {  	s3 =	sadd.s32 s3, s9;
	s6 =	sadd.s32 @!p0 $0x88, s6;
	s7 =	simm.s32 @p2 $0x1082  }
0x22: {  	[simem:s7], [sflag:s8] =	dma.local @!p0 [hbm:s6], $0xF7A  }
0x23: {  	s9 =	sor.u32 $0xD0000000, s2;
	s6 =	simm.s32 $0x108;
	_ =	swait.ge @!p0 [sflag:s8], $0x0  }
0x24: {  	s3 =	sadd.s32 $0x88, s3;
	s6 =	simm.s32 @!p1 $0x1082;
	[sflag:s4] =	ssyncset.s32 $0xFFFFF086  }
0x25: {  	[simem:s6], [sflag:s4] =	dma.local [hbm:s3], $0xF7A  }
0x26: {  	[smem:$0x3F9E] =	sst s1;
	(tag) =	ssettag s2;
	_ =	strace s9  }
0x27: {  	s1 =	sld [smem:$0x3FAE]  }
0x28: {  	s2 =	sld [smem:$0x3FAF]  }
0x29: {  	s4 =	sld [smem:$0x3FB1]  }
0x2a: {  	p0 =	seq.s32 s5, $0x0;
	s5 =	sld [smem:$0x3FB2]  }
0x2b: {  	s6 =	sld [smem:$0x3FB3]  }
0x2c: {  	s7 =	sld [smem:$0x3FB4]  }
0x2d: {  	s3 =	simm.s32 $0x108;
	s8 =	sld [smem:$0x3FB5]  }
0x2e: {  	s3 =	simm.s32 @!p0 $0x1082;
	s9 =	sld [smem:$0x3FB6]  }
0x2f: {  	lr =	sadd.s32 s0, s3;
	s0 =	sld [smem:$0x3FAD]  }
0x30: {  	s3 =	sld [smem:$0x3FB0]  }
0x31: {  	[smem:$0x3FB9] =	sst s10  }
0x32: {  	s10 =	sld [smem:$0x3FB7];
	_ =	sdelay $0x3  }
0x33: {  	p0 =	seq.s32 s10, $0x1;
	s10 =	sld [smem:$0x3FB9];
	_ =	sdelay $0x3  }
0x34: {  	[smem:$0x3FB9] =	sst s10  }
0x35: {  	s10 =	sld [smem:$0x3FB8];
	_ =	sdelay $0x3  }
0x36: {  	p1 =	seq.s32 s10, $0x1;
	s10 =	sld [smem:$0x3FB9];
	_ =	sdelay $0x3  }
0x37: {  	[smem:$0x3FB9] =	sst s10  }
0x38: {  	s10 =	sld [smem:$0x3FBA]  }
0x39: {  	_ = 	snop;
	(pc) =	sbr.ind lr, $3  }
0x3a: {  	_ = 	snop  }
0x3b: {  	_ = 	snop  }
0x3c: {  	p2 =	seq.s32 s10, $0x1;
	s10 =	sld [smem:$0x3FB9]  }
0x3d: {  	_ =	shalt  }
0x3e: {  	_ =	shalt  }
0x3f: {  	_ =	shalt  }
0x40: {  	_ =	shalt  }
0x41: {  	_ =	shalt  }
0x42: {  	_ =	shalt  }
0x43: {  	_ =	shalt  }
0x44: {  	_ =	shalt  }
0x45: {  	_ =	shalt  }
0x46: {  	_ =	shalt  }
0x47: {  	_ =	shalt  }
0x48: {  	_ =	shalt  }
0x49: {  	_ =	shalt  }
0x4a: {  	_ =	shalt  }
0x4b: {  	_ =	shalt  }
0x4c: {  	_ =	shalt  }
0x4d: {  	_ =	shalt  }
0x4e: {  	_ =	shalt  }
0x4f: {  	_ =	shalt  }
0x50: {  	_ =	shalt  }
0x51: {  	_ =	shalt  }
0x52: {  	_ =	shalt  }
0x53: {  	_ =	shalt  }
0x54: {  	_ =	shalt  }
0x55: {  	_ =	shalt  }
0x56: {  	_ =	shalt  }
0x57: {  	_ =	shalt  }
0x58: {  	_ =	shalt  }
0x59: {  	_ =	shalt  }
0x5a: {  	_ =	shalt  }
0x5b: {  	_ =	shalt  }
0x5c: {  	_ =	shalt  }
0x5d: {  	_ =	shalt  }
0x5e: {  	_ =	shalt  }
0x5f: {  	_ =	shalt  }
0x60: {  	_ =	shalt  }
0x61: {  	_ =	shalt  }
0x62: {  	_ =	shalt  }
0x63: {  	_ =	shalt  }
0x64: {  	_ =	shalt  }
0x65: {  	_ =	shalt  }
0x66: {  	_ =	shalt  }
0x67: {  	_ =	shalt  }
0x68: {  	_ =	shalt  }
0x69: {  	_ =	shalt  }
0x6a: {  	_ =	shalt  }
0x6b: {  	_ =	shalt  }
0x6c: {  	_ =	shalt  }
0x6d: {  	_ =	shalt  }
0x6e: {  	_ =	shalt  }
0x6f: {  	_ =	shalt  }
0x70: {  	_ =	shalt  }
0x71: {  	_ =	shalt  }
0x72: {  	_ =	shalt  }
0x73: {  	_ =	shalt  }
0x74: {  	_ =	shalt  }
0x75: {  	_ =	shalt  }
0x76: {  	_ =	shalt  }
0x77: {  	_ =	shalt  }
0x78: {  	_ =	shalt  }
0x79: {  	_ =	shalt  }
0x7a: {  	_ =	shalt  }
0x7b: {  	_ =	shalt  }
0x7c: {  	_ =	shalt  }
0x7d: {  	_ =	shalt  }
0x7e: {  	_ =	shalt  }
0x7f: {  	_ =	shalt  }
0x80: {  	_ =	shalt  }
0x81: {  	_ =	shalt  }
0x82: {  	_ =	shalt  }
0x83: {  	_ =	shalt  }
0x84: {  	_ =	shalt  }
0x85: {  	_ =	shalt  }
0x86: {  	_ =	shalt  }
0x87: {  	_ =	shalt  }
.Lfunc_end0:
.L_simem_size_0:
called_computation_lowered:
.L_overlay_start_0:
0x88: {  	s2 =	sld [smem:$0x3FD9]  }
0x89: {  	s3 =	sld [smem:$0x3FFE];
	_ =	sdelay $0x1  }
0x8a: {  	s1 =	srdreg.scid  }
0x8b: {  	s0 =	sand.u32 $0x1, s1  }
0x8c: {  	s14 =	sshll.u32 s0, $0xA;
	s2 =	sadd.s32 s3, s2  }
0x8d: {  	s2 =	sadd.s32 s2, s14  }
0x8e: {  	[smem:$0x3FC5] =	sst s2  }
0x8f: {  	_ = 	snop  }
0x90: {  	s2 =	sld [smem:$0x3FD0];
	_ =	sdelay $0x2  }
0x91: {  	s4 =	simm.s32 $0xA;
	s5 =	simm.s32 $0x10;
	s15 =	sld [smem:$0x3FC7]  }
0x92: {  	[smem:s5], [sflag:s4] =	dma.local [hbm:s2], $0x1  }
0x93: {  	_ =	swait.eq [sflag:s4], $0x1  }
0x94: {  	[sflag:s4] =	ssyncset.done $0x0  }
0x95: {  	s16 =	sld [smem:$0x11];
	[sflag:s4] =	ssyncadd.s32 $0xFFFFFFFF  }
0x96: {  	s17 =	sld [smem:$0x12];
	(tm) =	ssettm $0x1  }
0x97: {  	s18 =	sld [smem:$0x3FFB];
	_ =	sdelay $0x3  }
0x98: {  	_ =	strace s18  }
0x99: {  	s5 =	sld [smem:$0x3FFC];
	_ =	sdelay $0x3  }
0x9a: {  	_ =	strace s5  }
0x9b: {  	s5 =	sld [smem:$0x3FFD];
	_ =	sdelay $0x3  }
0x9c: {  	_ =	strace s5  }
0x9d: {  	_ =	strace $0x8FFFFFFF  }
0x9e: {  	s19 =	sld [smem:$0x3FDB];
	_ =	sdelay $0x1  }
0x9f: {  	s6 =	simm.s32 $_scs_section_size  }
0xa0: {  	s7 =	simm.s32 $_size__tile_overlayer_lowered;
	s8 =	simm.s32 $_tile_overlayer_lowered  }
0xa1: {  	s22 =	simm.s32 $0x1BFF;
	s21 =	sshll.u32 s8, $0x1;
	s5 =	sadd.s32 s6, s19  }
0xa2: {  	s9 =	simm.s32 $0x0;
	s20 =	sshll.u32 s7, $0x1;
	s7 =	sadd.s32 s21, s5  }
0xa3: {  	[timem:s9], [sflag:s22] =	dma.local [hbm:s7], s20  }
0xa4: {  	_ =	swait.ge [sflag:s22], s20  }
0xa5: {  	s6 =	ssub.s32 $0x0, s20;
	[sflag:s22] =	ssyncset.done $0x0  }
0xa6: {  	[sflag:s22] =	ssyncadd.s32 s6;
	_ =	sdelay $0x1  }
0xa7: {  	s23 =	simm.s32 $0x1B8B  }
0xa8: {  	_ =	swait.ge [sflag:s23], $0x1  }
0xa9: {  	[sflag:s23] =	ssyncset.done $0x0  }
0xaa: {  	s25 =	simm.s32 $0x1B8E;
	s24 =	sld [smem:$0x3FFE];
	[sflag:s23] =	ssyncadd.s32 $0xFFFFFFFF  }
0xab: {  	s26 =	simm.s32 $execute0_lowered;
	[smem:$0x3FD2] =	sst s25  }
0xac: {  	s7 =	sshll.u32 s26, $0x1;
	_ =	strace $0x80000046;
	[dreg:$0x1] =	wrdreg $0xFFFFFFFF  }
0xad: {  	s28 =	simm.s32 $_size_execute0_lowered;
	s5 =	sadd.s32 s5, s7;
	[dreg:$0x0] =	wrdreg $0x0  }
0xae: {  	s7 =	sshll.u32 s28, $0x1;
	[dreg:$0x2] =	wrdreg s5  }
0xaf: {  	[dreg:$0x3] =	wrdreg s7  }
0xb0: {  	[dreg:$0x4] =	wrdreg $0xC0  }
0xb1: {  	_ =	task [dreg:s9], $0x5FFFF  }
0xb2: {  	[dreg:$0x1] =	wrdreg $0xFFFFFFFF  }
0xb3: {  	[dreg:$0x0] =	wrdreg $0x60  }
0xb4: {  	[dreg:$0x2] =	wrdreg s16  }
0xb5: {  	[dreg:$0x3] =	wrdreg s15  }
0xb6: {  	[dreg:$0x4] =	wrdreg s24  }
0xb7: {  	[dreg:$0x5] =	wrdreg s17  }
0xb8: {  	[dreg:$0x6] =	wrdreg $0x9  }
0xb9: {  	_ =	task.clear_ibuf [dreg:s9], $0x7FFFF;
	_ =	strace $0x90000046  }
0xba: {  	s29 =	simm.s32 $0x9;
	_ =	strace $0x80000048  }
0xbb: {  	_ =	swait.ge [sflag:s29], $0x1  }
0xbc: {  	[sflag:s29] =	ssyncadd.s32 $0xFFFFFFFF  }
0xbd: {  	_ =	strace $0x90000048  }
0xbe: {  	_ =	sfence  }
0xbf: {  	s30 =	sld [smem:$0x0];
	_ =	sdelay $0x2  }
0xc0: {  	s31 =	sshll.u32 s1, $0xD;
	s1 =	sshrl.u32 s1, $0x2  }
0xc1: {  	s3 =	sand.u32 $0x4000, s31;
	s1 =	sadd.s32 s1, s30  }
0xc2: {  	s0 =	sor.u32 s3, s0;
	s1 =	sshll.u32 s1, $0x11  }
0xc3: {  	s0 =	sor.u32 s1, s0  }
0xc4: {  	s0 =	sadd.s32 $0x8F2B, s0  }
0xc5: {  	[sflag:s0] =	ssyncadd.remote.s32 $0x1  }
0xc6: {  	_ =	sfence.sel $0xFFFF  }
0xc7: {  	[dreg:$0x0] =	wrdreg $0xFFFFFFFF;
	(pc) =	sbr.abs _section_cstart, $3  }
0xc8: {  	[dreg:$0x1] =	wrdreg $0xFFFFFFFF  }
0xc9: {  	_ =	task.clear_ibuf [dreg:s9], $0x2FFFF;
	_ =	strace $0x9FFFFFFF  }
0xca: {  	(tm) =	ssettm $0x7FFFFFFF  }
0xcb: {  	_ =	shalt  }
tec
execute0_lowered:
.L_overlay_start_1:
0x0: {  	(tag) =	ssettag $0x1  }
0x1: {  	s16 =	rddreg [dreg:$0x0]  }
0x2: {  	s4 =	rddreg [dreg:$0x1]  }
0x3: {  	s3 =	rddreg [dreg:$0x2]  }
0x4: {  	s5 =	rddreg [dreg:$0x3];
	s2 =	simm.s32 $0x0;
	s6 =	srdreg.scid  }
0x5: {  	s1 =	stileid.u32;
	[smem:$0x7FF] =	sst s2;
	s17 =	sadd.s32 $0x2400, s3  }
0x6: {  	s6 =	sand.u32 $0x1, s6;
	s8 =	sshll.u32 s1, $0x8;
	s3 =	sadd.s32 $0x3400, s3  }
0x7: {  	s15 =	sshll.u32 s1, $0xB;
	s18 =	sshll.u32 s1, $0x5;
	_ =	strace $0x80000047  }
0x8: {  	s7 =	ssub.s32 $0x2, s6;
	s9 =	sshll.u32 s6, $0x7;
	s11 =	sshll.u32 s6, $0xF  }
0x9: {  	s18 =	sadd.s32 s4, s18;
	s10 =	sshrl.u32 s7, $0x1;
	s8 =	sor.u32 s9, s8  }
0xa: {  	s10 =	ssub.s32 s7, s10;
	s7 =	sshll.u32 s6, $0xB;
	s9 =	sshrl.u32 s8, $0x3  }
0xb: {  	s6 =	sshll.u32 s6, $0x8;
	s8 =	sshll.u32 s8, $0x4;
	s19 =	sadd.s32 s4, s9  }
0xc: {  	s9 =	sor.u32 s11, s15;
	s20 =	sor.u32 $0x1000, s6;
	s11 =	sor.u32 $0x1010, s6  }
0xd: {  	s12 =	sor.u32 $0x1020, s6;
	s13 =	sor.u32 $0x1030, s6;
	s14 =	sor.u32 $0x1040, s6  }
0xe: {  	s15 =	sor.u32 $0x1050, s6;
	s21 =	sor.u32 $0x1060, s6;
	s22 =	sor.u32 $0x1070, s6  }
0xf: {  	s23 =	sor.u32 $0x1080, s6;
	s24 =	sor.u32 $0x1090, s6;
	s25 =	sor.u32 $0x10A0, s6  }
0x10: {  	s26 =	sor.u32 $0x10B0, s6;
	s28 =	sor.u32 $0x10C0, s6;
	s0 =	sadd.s32 $0x800, s7  }
0x11: {  	v4 =	vlaneseq.u32;
	s29 =	sor.u32 $0x10D0, s6;
	s30 =	sor.u32 $0x10E0, s6;
	v3 =	vmov s0;
	s0 =	smax.u32 s10, $0x1  }
0x12: {  	s31 =	sor.u32 $0x10F0, s6;
	v0 =	vmov s7;
	s7 =	sadd.s32 s5, s8;
	v15 =	vor.u32 s20, v4;
	p0 =	sne.s32 s0, $0x1  }
.Ltmp0:
0x13: {  	s6 =	simm.s32 $0x4;
	s4 =	simm.s32 $0x80;
	v12 =	vor.u32 s11, v4;
	v14 =	vor.u32 s12, v4;
	v1 =	vor.u32 s13, v4;
	(pc) =	sbr.rel @!p0 .LBB2_2-.Ltmp0, $4  }
0x14: {  	s8 =	simm.s32 $0x8280;
	s5 =	simm.s32 $0x2;
	s20 =	sadd.s32 s16, s9;
	v13 =	vor.u32 s14, v4;
	v17 =	vor.u32 s15, v4;
	v10 =	vor.u32 s21, v4  }
0x15: {  	s9 =	sadd.s32 s3, s9;
	s13 =	simm.s32 $0x4080;
	v11 =	vor.u32 s22, v4;
	v8 =	vor.u32 s23, v4;
	v6 =	vor.u32 s24, v4;
	s21 =	simm.s32 $0x8080  }
0x16: {  	s10 =	simm.s32 $0x1;
	v9 =	vor.u32 s25, v4;
	v5 =	vor.u32 s26, v4;
	v16 =	vor.u32 s28, v4;
	s11 =	simm.s32 $0x3;
	s12 =	simm.s32 $0x8180  }
0x17: {  	v2 =	vor.u32 s29, v4;
	v7 =	vor.u32 s30, v4;
	v4 =	vor.u32 s31, v4;
	s14 =	simm.s32 $0x8200;
	s15 =	simm.s32 $0xC280;
	s22 =	sadd.s32 $0xFFFFFFFF, s0  }
.LBB2_1:
0x18: {  	[tilespmem:s2], [sflag:$0x4] =	stream.linear.gather [hbm4b:s19+s2], $0x80, $0x38;
	[tilespmem:$0x10280] =	vst v63  }
0x19: {  	p0 =	sne.s32 s22, $0x1;
	s22 =	sadd.s32 $0xFFFFFFFF, s22;
	_ =	swait.ge [sflag:s6], $0x80  }
0x1a: {  	[sflag:s6] =	ssyncset.done $0x0  }
0x1b: {  	[sflag:s6] =	ssyncadd.s32 $0xFFFFFF80  }
0x1c: {  	[tilespmem:s4], [sflag:$0x1] =	stream.indirect.gather [hbm4b:s16+s4], $0x80, s2, s4, $0xb8;
	[tilespmem:$0x10280] =	vst v63  }
0x1d: {  	_ = 	snop  }
0x1e: {  	[tilespmem:s13], [sflag:$0x2] =	stream.linear.gather [hbm4b:s20+s2], $0x4000, $0x38;
	[tilespmem:$0x10280] =	vst v63  }
0x1f: {  	_ = 	snop  }
0x20: {  	[tilespmem:s8], [sflag:$0x3] =	stream.linear.gather [hbm4b:s17+s2], $0x8000, $0x38;
	[tilespmem:$0x10280] =	vst v63  }
0x21: {  	_ = 	snop  }
0x22: {  	[tilespmem:s21], [sflag:$0x4] =	stream.linear.gather [hbm4b:s18+s2], $0x100, $0x38;
	[tilespmem:$0x10280] =	vst v63  }
0x23: {  	_ =	swait.ge [sflag:s6], $0x100  }
0x24: {  	[sflag:s6] =	ssyncset.done $0x0  }
0x25: {  	[sflag:s6] =	ssyncadd.s32 $0xFFFFFF00  }
0x26: {  	v18 =	vld [tilespmem:$0x8090]  }
0x27: {  	v19 =	vld [tilespmem:$0x80A0]  }
0x28: {  	v20 =	vld [tilespmem:$0x8080]  }
0x29: {  	v21 =	vld [tilespmem:$0x80D0]  }
0x2a: {  	v22 =	vld [tilespmem:$0x80C0]  }
0x2b: {  	v23 =	vld [tilespmem:$0x80E0]  }
0x2c: {  	v24 =	vld [tilespmem:$0x80F0]  }
0x2d: {  	vm3 =	vge.s32 v19, v0;
	vm5 =	vlt.s32 v19, v3;
	vm2 =	vge.s32 v20, v0;
	v25 =	vld [tilespmem:$0x8100]  }
0x2e: {  	vm1 =	vge.s32 v18, v0;
	vm4 =	vlt.s32 v18, v3;
	vm6 =	vge.s32 v21, v0;
	v26 =	vld [tilespmem:$0x8140]  }
0x2f: {  	vm7 =	vlt.s32 v20, v3;
	vm8 =	vlt.s32 v21, v3;
	vm0 =	vlt.s32 v22, v3;
	v27 =	vld [tilespmem:$0x8120]  }
0x30: {  	vm7 =	vmand vm2, vm7;
	vm6 =	vmand vm6, vm8;
	vm2 =	vlt.s32 v23, v3;
	v28 =	vld [tilespmem:$0x8110]  }
0x31: {  	vm10 =	vmand vm3, vm5;
	v21 =	vsel vm6, v21, v17;
	vm3 =	vlt.s32 v24, v3;
	v29 =	vld [tilespmem:$0x8130]  }
0x32: {  	v20 =	vsel vm7, v20, v15;
	vm7 =	vge.s32 v24, v0;
	[tilespmem:$0x81D0] =	vst v21;
	vm5 =	vlt.s32 v25, v3;
	v21 =	vld [tilespmem:$0x8160]  }
0x33: {  	vm11 =	vge.s32 v22, v0;
	vm12 =	vge.s32 v23, v0;
	[tilespmem:$0x8180] =	vst v20;
	v20 =	vld [tilespmem:$0x80B0];
	vm8 =	vlt.s32 v26, v3  }
0x34: {  	vm13 =	vge.s32 v26, v0;
	vm6 =	vlt.s32 v27, v3;
	v30 =	vld [tilespmem:$0x8170]  }
0x35: {  	vm14 =	vge.s32 v25, v0;
	vm13 =	vmand vm13, vm8;
	vm9 =	vlt.s32 v28, v3;
	v31 =	vld [tilespmem:$0x8150]  }
0x36: {  	vm15 =	vge.s32 v27, v0;
	v26 =	vsel vm13, v26, v16;
	vm8 =	vlt.s32 v29, v3  }
0x37: {  	vm4 =	vmand vm1, vm4;
	v19 =	vsel vm10, v19, v14;
	[tilespmem:$0x8240] =	vst v26;
	vm1 =	vlt.s32 v21, v3  }
0x38: {  	v18 =	vsel vm4, v18, v12;
	vm0 =	vmand vm11, vm0;
	[tilespmem:$0x81A0] =	vst v19;
	vm4 =	vlt.s32 v20, v3  }
0x39: {  	vm2 =	vmand vm12, vm2;
	[tilespmem:$0x8190] =	vst v18;
	v18 =	vsel vm0, v22, v13;
	vm0 =	vlt.s32 v30, v3  }
0x3a: {  	vm3 =	vmand vm7, vm3;
	[tilespmem:$0x81C0] =	vst v18;
	v18 =	vsel vm2, v23, v10;
	vm2 =	vlt.s32 v31, v3  }
0x3b: {  	[tilespmem:$0x81E0] =	vst v18;
	v18 =	vsel vm3, v24, v11;
	vm3 =	vmand vm14, vm5;
	vm5 =	vge.s32 v31, v0  }
0x3c: {  	vm6 =	vmand vm15, vm6;
	[tilespmem:$0x81F0] =	vst v18;
	v18 =	vsel vm3, v25, v8;
	vm3 =	vge.s32 v28, v0  }
0x3d: {  	[tilespmem:$0x8200] =	vst v18;
	vm3 =	vmand vm3, vm9;
	v18 =	vsel vm6, v27, v9;
	vm6 =	vge.s32 v29, v0  }
0x3e: {  	v19 =	vsel vm3, v28, v6;
	[tilespmem:$0x8220] =	vst v18;
	vm3 =	vmand vm6, vm8;
	vm6 =	vge.s32 v21, v0  }
0x3f: {  	vm7 =	vge.s32 v20, v0;
	[tilespmem:$0x8210] =	vst v19;
	v18 =	vsel vm3, v29, v5;
	vm1 =	vmand vm6, vm1  }
0x40: {  	vm3 =	vmand vm7, vm4;
	[tilespmem:$0x8230] =	vst v18;
	v18 =	vsel vm1, v21, v7;
	vm1 =	vge.s32 v30, v0  }
0x41: {  	vm2 =	vmand vm5, vm2;
	v19 =	vsel vm3, v20, v1;
	[tilespmem:$0x8260] =	vst v18;
	vm0 =	vmand vm1, vm0  }
0x42: {  	v18 =	vsel vm2, v31, v2;
	[tilespmem:$0x81B0] =	vst v19;
	v19 =	vsel vm0, v30, v4  }
0x43: {  	[tilespmem:$0x8250] =	vst v18  }
0x44: {  	[tilespmem:$0x8270] =	vst v19  }
0x45: {  	_ =	swait.ge [sflag:s5], $0x4000  }
0x46: {  	[sflag:s5] =	ssyncset.done $0x0  }
0x47: {  	[sflag:s5] =	ssyncadd.s32 $0xFFFFC000  }
0x48: {  	[hbm4b:s9+s2] =	stream.linear.scatter [tilespmem:s13], [sflag:$0x4], $0x4000, $0x38;
	[tilespmem:$0x10280] =	vst v63  }
0x49: {  	_ =	swait.ge [sflag:s6], $0x4000  }
0x4a: {  	[sflag:s6] =	ssyncset.done $0x0  }
0x4b: {  	[sflag:s6] =	ssyncadd.s32 $0xFFFFC000  }
0x4c: {  	_ =	swait.ge [sflag:s10], $0x4000  }
0x4d: {  	[sflag:s10] =	ssyncset.done $0x0  }
0x4e: {  	[sflag:s10] =	ssyncadd.s32 $0xFFFFC000  }
0x4f: {  	[hbm4b:s7+s2] =	stream.linear.scatter [tilespmem:s4], [sflag:$0x4], $0x4000, $0x38;
	[tilespmem:$0x10280] =	vst v63  }
0x50: {  	_ =	swait.ge [sflag:s6], $0x4000  }
0x51: {  	[sflag:s6] =	ssyncset.done $0x0  }
0x52: {  	[sflag:s6] =	ssyncadd.s32 $0xFFFFC000  }
0x53: {  	[bflag:$0x0] =	sbarrier.arrive $0xFFFF  }
0x54: {  	_ =	swait.ge [sflag:s11], $0x8000  }
0x55: {  	[sflag:s11] =	ssyncset.done $0x0  }
0x56: {  	[sflag:s11] =	ssyncadd.s32 $0xFFFF8000  }
0x57: {  	[hbm4b:s3+s4] =	stream.indirect.scatter [tilespmem:s8], [sflag:$0x1], $0x80, s12, s4, $0xb8;
	[tilespmem:$0x10280] =	vst v63  }
0x58: {  	_ = 	snop  }
0x59: {  	[hbm4b:s3+s4] =	stream.indirect.scatter [tilespmem:s15], [sflag:$0x2], $0x80, s14, s4, $0xb8;
	[tilespmem:$0x10280] =	vst v63  }
0x5a: {  	_ =	swait.ge [sflag:s10], $0x4000  }
.Ltmp1:
0x5b: {  	[sflag:s10] =	ssyncset.done $0x0;
	(pc) =	sbr.rel @p0 .LBB2_1-.Ltmp1, $4  }
0x5c: {  	[sflag:s10] =	ssyncadd.s32 $0xFFFFC000  }
0x5d: {  	_ =	swait.ge [sflag:s5], $0x4000  }
0x5e: {  	[sflag:s5] =	ssyncset.done $0x0  }
0x5f: {  	[sflag:s5] =	ssyncadd.s32 $0xFFFFC000  }
.LBB2_2:
0x60: {  	[tilespmem:s2], [sflag:$0x4] =	stream.linear.gather [hbm4b:s19+s2], $0x80, $0x38;
	[tilespmem:$0x10280] =	vst v63  }
0x61: {  	_ =	swait.ge [sflag:s6], $0x80  }
0x62: {  	[sflag:s6] =	ssyncset.done $0x0  }
0x63: {  	[sflag:s6] =	ssyncadd.s32 $0xFFFFFF80  }
0x64: {  	[tilespmem:s4], [sflag:$0x1] =	stream.indirect.gather [hbm4b:s16+s4], $0x80, s2, s4, $0xb8;
	[tilespmem:$0x10280] =	vst v63  }
0x65: {  	_ = 	snop  }
0x66: {  	[tilespmem:s13], [sflag:$0x2] =	stream.linear.gather [hbm4b:s20+s2], $0x4000, $0x38;
	[tilespmem:$0x10280] =	vst v63  }
0x67: {  	_ = 	snop  }
0x68: {  	[tilespmem:s8], [sflag:$0x3] =	stream.linear.gather [hbm4b:s17+s2], $0x8000, $0x38;
	[tilespmem:$0x10280] =	vst v63  }
0x69: {  	_ = 	snop  }
0x6a: {  	[tilespmem:s21], [sflag:$0x4] =	stream.linear.gather [hbm4b:s18+s2], $0x100, $0x38;
	[tilespmem:$0x10280] =	vst v63  }
0x6b: {  	_ =	swait.ge [sflag:s6], $0x100  }
0x6c: {  	[sflag:s6] =	ssyncset.done $0x0  }
0x6d: {  	[sflag:s6] =	ssyncadd.s32 $0xFFFFFF00  }
0x6e: {  	v18 =	vld [tilespmem:$0x8090]  }
0x6f: {  	v19 =	vld [tilespmem:$0x8080]  }
0x70: {  	v20 =	vld [tilespmem:$0x80A0]  }
0x71: {  	v21 =	vld [tilespmem:$0x80D0]  }
0x72: {  	v22 =	vld [tilespmem:$0x80C0]  }
0x73: {  	v23 =	vld [tilespmem:$0x80E0]  }
0x74: {  	v26 =	vld [tilespmem:$0x8140]  }
0x75: {  	v27 =	vld [tilespmem:$0x8120]  }
0x76: {  	v25 =	vld [tilespmem:$0x8100];
	vm2 =	vge.s32 v19, v0  }
0x77: {  	vm3 =	vge.s32 v20, v0;
	vm4 =	vlt.s32 v20, v3;
	vm1 =	vge.s32 v18, v0  }
0x78: {  	v24 =	vld [tilespmem:$0x80F0];
	vm5 =	vlt.s32 v18, v3;
	vm6 =	vge.s32 v21, v0;
	vm7 =	vlt.s32 v19, v3  }
0x79: {  	v28 =	vld [tilespmem:$0x8110];
	vm0 =	vlt.s32 v22, v3;
	vm8 =	vlt.s32 v21, v3;
	vm9 =	vge.s32 v23, v0  }
0x7a: {  	v52 =	vld [tilespmem:$0x8160];
	vm10 =	vlt.s32 v26, v3;
	vm11 =	vge.s32 v26, v0;
	vm12 =	vlt.s32 v27, v3  }
0x7b: {  	v53 =	vld [tilespmem:$0x8170];
	vm13 =	vge.s32 v25, v0;
	vm14 =	vge.s32 v27, v0;
	vm7 =	vmand vm2, vm7  }
0x7c: {  	vm6 =	vmand vm6, vm8;
	vm2 =	vlt.s32 v23, v3;
	vm8 =	vmand vm3, vm4  }
0x7d: {  	v51 =	vld [tilespmem:$0x8130];
	vm3 =	vlt.s32 v24, v3;
	vm4 =	vlt.s32 v25, v3;
	v17 =	vsel vm6, v21, v17  }
0x7e: {  	v29 =	vld [tilespmem:$0x80B0];
	vm10 =	vmand vm11, vm10;
	vm11 =	vlt.s32 v28, v3;
	v15 =	vsel vm7, v19, v15;
	[tilespmem:$0x81D0] =	vst v17  }
0x7f: {  	v54 =	vld [tilespmem:$0x8150];
	vm1 =	vmand vm1, vm5;
	vm5 =	vlt.s32 v52, v3;
	v16 =	vsel vm10, v26, v16;
	[tilespmem:$0x8180] =	vst v15  }
0x80: {  	vm15 =	vmand vm14, vm12;
	vm14 =	vge.s32 v53, v0;
	v14 =	vsel vm8, v20, v14;
	[tilespmem:$0x8240] =	vst v16  }
0x81: {  	vm6 =	vge.s32 v24, v0;
	vm7 =	vge.s32 v22, v0;
	v12 =	vsel vm1, v18, v12;
	[tilespmem:$0x81A0] =	vst v14  }
0x82: {  	vm10 =	vlt.s32 v51, v3;
	v58 =	vsel vm15, v27, v9;
	vm0 =	vmand vm7, vm0;
	[tilespmem:$0x8190] =	vst v12  }
0x83: {  	vm1 =	vlt.s32 v29, v3;
	vm7 =	vmand vm9, vm2;
	[tilespmem:$0x8220] =	vst v58;
	v55 =	vsel vm0, v22, v13  }
0x84: {  	vm8 =	vmand vm6, vm3;
	vm3 =	vlt.s32 v54, v3;
	v10 =	vsel vm7, v23, v10;
	[tilespmem:$0x81C0] =	vst v55  }
0x85: {  	vm9 =	vmand vm13, vm4;
	vm13 =	vge.s32 v28, v0;
	v56 =	vsel vm8, v24, v11;
	[tilespmem:$0x81E0] =	vst v10  }
0x86: {  	v57 =	vsel vm9, v25, v8;
	vm0 =	vmand vm13, vm11;
	vm8 =	vge.s32 v51, v0;
	[tilespmem:$0x81F0] =	vst v56  }
0x87: {  	vm11 =	vge.s32 v29, v0;
	[tilespmem:$0x8200] =	vst v57;
	v6 =	vsel vm0, v28, v6;
	vm9 =	vmand vm8, vm10  }
0x88: {  	vm13 =	vge.s32 v54, v0;
	vm1 =	vmand vm11, vm1;
	[tilespmem:$0x8210] =	vst v6;
	v59 =	vsel vm9, v51, v5  }
0x89: {  	vm2 =	vlt.s32 v53, v3;
	vm15 =	vmand vm13, vm3;
	v61 =	vsel vm1, v29, v1;
	[tilespmem:$0x8230] =	vst v59  }
0x8a: {  	vm10 =	vge.s32 v52, v0;
	vm0 =	vmand vm14, vm2;
	v62 =	vsel vm15, v54, v2;
	[tilespmem:$0x81B0] =	vst v61  }
0x8b: {  	vm12 =	vmand vm10, vm5;
	v63 =	vsel vm0, v53, v4;
	[tilespmem:$0x8250] =	vst v62  }
0x8c: {  	v60 =	vsel vm12, v52, v7;
	[tilespmem:$0x8270] =	vst v63  }
0x8d: {  	[tilespmem:$0x8260] =	vst v60  }
0x8e: {  	_ =	swait.ge [sflag:s5], $0x4000  }
0x8f: {  	[sflag:s5] =	ssyncset.done $0x0  }
0x90: {  	[sflag:s5] =	ssyncadd.s32 $0xFFFFC000  }
0x91: {  	[hbm4b:s9+s2] =	stream.linear.scatter [tilespmem:s13], [sflag:$0x4], $0x4000, $0x38;
	[tilespmem:$0x10280] =	vst v63  }
0x92: {  	_ =	swait.ge [sflag:s6], $0x4000  }
0x93: {  	[sflag:s6] =	ssyncset.done $0x0  }
0x94: {  	[sflag:s6] =	ssyncadd.s32 $0xFFFFC000  }
0x95: {  	_ =	swait.ge [sflag:s10], $0x4000  }
0x96: {  	[sflag:s10] =	ssyncset.done $0x0  }
0x97: {  	[sflag:s10] =	ssyncadd.s32 $0xFFFFC000  }
0x98: {  	[hbm4b:s7+s2] =	stream.linear.scatter [tilespmem:s4], [sflag:$0x4], $0x4000, $0x38;
	[tilespmem:$0x10280] =	vst v63  }
0x99: {  	_ =	swait.ge [sflag:s6], $0x4000  }
0x9a: {  	[sflag:s6] =	ssyncset.done $0x0  }
0x9b: {  	[sflag:s6] =	ssyncadd.s32 $0xFFFFC000  }
0x9c: {  	[bflag:$0x0] =	sbarrier.arrive $0xFFFF  }
0x9d: {  	_ =	swait.ge [sflag:s11], $0x8000  }
0x9e: {  	[sflag:s11] =	ssyncset.done $0x0  }
0x9f: {  	[sflag:s11] =	ssyncadd.s32 $0xFFFF8000  }
0xa0: {  	[hbm4b:s3+s4] =	stream.indirect.scatter [tilespmem:s8], [sflag:$0x1], $0x80, s12, s4, $0xb8;
	[tilespmem:$0x10280] =	vst v63  }
0xa1: {  	_ = 	snop  }
0xa2: {  	[hbm4b:s3+s4] =	stream.indirect.scatter [tilespmem:s15], [sflag:$0x2], $0x80, s14, s4, $0xb8;
	[tilespmem:$0x10280] =	vst v63  }
0xa3: {  	_ =	swait.ge [sflag:s10], $0x4000  }
0xa4: {  	[sflag:s10] =	ssyncset.done $0x0  }
0xa5: {  	[sflag:s10] =	ssyncadd.s32 $0xFFFFC000  }
0xa6: {  	_ =	swait.ge [sflag:s5], $0x4000  }
0xa7: {  	[sflag:s5] =	ssyncset.done $0x0  }
0xa8: {  	[sflag:s5] =	ssyncadd.s32 $0xFFFFC000  }
0xa9: {  	_ =	sfence.sel $0x180000  }
0xaa: {  	[bflag:$0x0] =	sbarrier.arrive $0xFFFF  }
0xab: {  	_ =	strace $0x90000047  }
0xac: {  	[bflag:$0x2] =	sbarrier.arrive $0xFFFF  }
0xad: {  	p0 =	sne.s32 s1, $0x0;
	s0 =	rddreg [dreg:$0x4]  }
0xae: {  	s0 =	sadd.s32 @!p0 $0x100000, s0  }
0xaf: {  	[sflag:s0] =	ssyncadd.tile.s32 @!p0 $0x1;
	_ =	shalt  }
.Lfunc_end2:
_tile_overlayer_lowered:
.L_overlay_start_2:
0xb0: {  	(tag) =	ssettag $0x2  }
0xb1: {  	s0 =	rddreg [dreg:$0x0];
	s2 =	stileid.u32  }
0xb2: {  	s1 =	rddreg [dreg:$0x1];
	p0 =	sne.s32 s2, $0x0  }
0xb3: {  	s3 =	rddreg [dreg:$0x2];
	[bflag:$0x3] =	sbarrier.arrive $0xFFFF;
	s2 =	simm.s32 @!p0 $0x1C04  }
0xb4: {  	[timem:s3], [sflag:s2] =	dma.local @!p0 [hbm:s0], s1  }
0xb5: {  	s0 =	simm.s32 @!p0 $0x4  }
0xb6: {  	_ =	swait.ge @!p0 [sflag:s0], s1  }
0xb7: {  	s1 =	ssub.s32 @!p0 $0x0, s1;
	[sflag:s0] =	ssyncset.done @!p0 $0x0  }
0xb8: {  	[sflag:s0] =	ssyncadd.s32 @!p0 s1  }
0xb9: {  	[bflag:$0x3] =	sbarrier.arrive $0xFFFF  }
0xba: {  	_ =	shalt  }

</sc_bundles>
